<compile_context>
chip_gen: v7x
topology: tpu7x:2x2x1
jax: 0.10.2.dev20260603
libtpu: 0.0.44.dev20260713+nightly
codegen_flags: <defaults>
</compile_context>

<pallas_src>
import functools

import numpy as np
import jax
import jax.numpy as jnp
from jax import lax
from jax.experimental import pallas as pl
from jax.experimental.pallas import tpu as pltpu
from jax.experimental.pallas import tpu_sc as plsc

_N = 10000
_K = 8
_H = 128
_NH = 4
_DH = 32
_E = 8
_FH = 128

_BN = 400
_NB = _N // _BN
_BK = _BN * _K

_NW = 32
_CHUNK = 128
_NCH = 20
_BPAD = _NW * _CHUNK * _NCH

_PNAMES = (
    'ln_attn_g', 'ln_attn_b', 'We', 'be', 'Wn', 'bn', 'Wm', 'bm',
    'Wq', 'bq', 'Wk', 'bk', 'Wv', 'bv', 'Wo', 'bo',
    'ln_ffn_ng', 'ln_ffn_nb', 'ln_ffn_eg', 'ln_ffn_eb',
    'Wn1', 'bn1', 'Wn2', 'bn2', 'We1', 'be1', 'We2', 'be2',
)


def _build_selectors():
  selk = np.zeros((_K, _H, _NH * _K), np.float32)
  expk = np.zeros((_K, _NH * _K, _H), np.float32)
  for k in range(_K):
    for h in range(_NH):
      selk[k, h * _DH:(h + 1) * _DH, h * _K + k] = 1.0
      expk[k, h * _K + k, h * _DH:(h + 1) * _DH] = 1.0
  msel = np.zeros((_K, _NH * _K), np.float32)
  onesb = np.zeros((_NH * _K, _NH * _K), np.float32)
  for h in range(_NH):
    for k in range(_K):
      msel[k, h * _K + k] = 1.0
      onesb[h * _K + k, h * _K:(h + 1) * _K] = 1.0
  return selk, expk, msel, onesb


_SELK, _EXPK, _MSEL, _ONESB = _build_selectors()


def _sc_gather(table, idx3):
  mesh = plsc.VectorSubcoreMesh(core_axis_name="c", subcore_axis_name="s")

  @functools.partial(
      pl.kernel,
      mesh=mesh,
      out_type=jax.ShapeDtypeStruct((_BPAD, _H), jnp.float32),
      scratch_types=[
          pltpu.VMEM((_NCH, _CHUNK), jnp.int32),
          pltpu.VMEM((2, _CHUNK, _H), jnp.float32),
          pltpu.SemaphoreType.DMA,
          pltpu.SemaphoreType.DMA,
      ],
  )
  def gk(table_hbm, idx_hbm, out_hbm, idx_v, rows_v, sem0, sem1):
    c = lax.axis_index("c")
    s = lax.axis_index("s")
    wid = s * 2 + c
    base = wid * (_NCH * _CHUNK)
    pltpu.sync_copy(idx_hbm.at[wid], idx_v)
    sems = (sem0, sem1)
    handles = [None, None]
    for j in range(_NCH):
      b = j % 2
      handles[b] = pltpu.async_copy(table_hbm.at[idx_v.at[j]], rows_v.at[b],
                                    sems[b])
      if j > 0:
        pb = (j - 1) % 2
        handles[pb].wait()
        pltpu.sync_copy(rows_v.at[pb],
                        out_hbm.at[pl.ds(base + (j - 1) * _CHUNK, _CHUNK)])
    lb = (_NCH - 1) % 2
    handles[lb].wait()
    pltpu.sync_copy(rows_v.at[lb],
                    out_hbm.at[pl.ds(base + (_NCH - 1) * _CHUNK, _CHUNK)])

  return gk(table, idx3)


def _rep8(x):
  r, c = x.shape
  return jnp.broadcast_to(x[:, None, :], (r, 8, c)).reshape(r * 8, c)


def _silu(x):
  return x / (1.0 + jnp.exp(-x))


def _lncore(x):
  m = jnp.mean(x, -1, keepdims=True)
  xc = x - m
  v = jnp.mean(xc * xc, -1, keepdims=True)
  return xc * lax.rsqrt(v + 1e-5)


def _dot(a, b):
  return jnp.dot(a, b, preferred_element_type=jnp.float32)


def _dotb(a, b16):
  return jnp.dot(a.astype(jnp.bfloat16), b16,
                 preferred_element_type=jnp.float32)


def _tc_body(nf_ref, nbr_ref, ea_ref, ef_ref, nm_ref, am_ref, wg_ref,
             selk_ref, expk_ref, msel_ref, onesb_ref,
             lag_ref, lab_ref, We_ref, be_ref, Wn_ref, bn_ref, Wm_ref, bm_ref,
             Wq_ref, bq_ref, Wk_ref, bk_ref, Wv_ref, bv_ref, Wo_ref, bo_ref,
             lng_ref, lnb_ref, leg_ref, leb_ref,
             Wn1_ref, bn1_ref, Wn2_ref, bn2_ref, We1_ref, be1_ref, We2_ref,
             be2_ref, no_ref, eo_ref, hcc_ref, hnc_ref, gat_ref):
  e = pl.program_id(1)
  nf = nf_ref[...]
  ea = ea_ref[...]
  ef = ef_ref[...]
  nmask = nm_ref[...]
  am2 = am_ref[...].reshape(_BK, _K)

  @pl.when(e == 0)
  def _prologue():
    hcc_ref[...] = _lncore(nf)
    hnc_ref[...] = _lncore(nbr_ref[...])
    logits = _dot(nf, wg_ref[...])
    iot = lax.broadcasted_iota(jnp.int32, (_BN, _E), 1)
    m1 = jnp.max(logits, -1, keepdims=True)
    i1 = jnp.min(jnp.where(logits == m1, iot, _E), -1, keepdims=True)
    rest = jnp.where(iot == i1, -1e30, logits)
    m2 = jnp.max(rest, -1, keepdims=True)
    i2 = jnp.min(jnp.where(rest == m2, iot, _E), -1, keepdims=True)
    e21 = jnp.exp(m2 - m1)
    p1 = 1.0 / (1.0 + e21)
    p2 = 1.0 - p1
    gat_ref[...] = (jnp.where(iot == i1, p1, 0.0) +
                    jnp.where(iot == i2, p2, 0.0))
    no_ref[...] = jnp.zeros((_BN, _H), jnp.float32)
    eo_ref[...] = jnp.zeros((_BK, _H), jnp.float32)

  hc_core = hcc_ref[...]
  hn_core = hnc_ref[...]
  gates = gat_ref[...]

  amS = _dot(am2, msel_ref[...])
  nmb = jnp.broadcast_to(nmask[:, :, None], (_BN, _K, _H)).reshape(_BK, _H)
  cnt = jnp.sum(nmask, -1, keepdims=True) + 1e-5
  onesb = onesb_ref[...]

  ga = lag_ref[0]
  ba = lab_ref[0]
  hc = hc_core * ga + ba
  hn = hn_core * ga + ba

  edge_hidden = _silu(_dot(ea, We_ref[0]) + be_ref[0])
  Wn_e = Wn_ref[0]
  cm = _dotb(hc, Wn_e[:_H])
  node_hidden = _silu(_rep8(cm) + _dotb(hn, Wn_e[_H:]) + bn_ref[0])
  Wm_e = Wm_ref[0]
  message = _silu(_dotb(edge_hidden, Wm_e[:_H]) +
                  _dotb(node_hidden, Wm_e[_H:]) + bm_ref[0])
  mb = message.astype(jnp.bfloat16)

  scale = np.float32(1.0 / np.sqrt(_DH))
  q16 = ((jnp.dot(mb, Wq_ref[0], preferred_element_type=jnp.float32) +
          bq_ref[0]) * scale).astype(jnp.bfloat16)
  kk16 = (jnp.dot(mb, Wk_ref[0], preferred_element_type=jnp.float32) +
          bk_ref[0]).astype(jnp.bfloat16)
  v = jnp.dot(mb, Wv_ref[0], preferred_element_type=jnp.float32) + bv_ref[0]
  kk3 = kk16.reshape(_BN, _K, _H)
  v3 = v.reshape(_BN, _K, _H)

  S = amS
  for k in range(_K):
    S = S + jnp.dot(q16 * _rep8(kk3[:, k, :]), selk_ref[k],
                    preferred_element_type=jnp.float32)
  Smax = jnp.max(S, -1, keepdims=True)
  Ex = jnp.exp(S - Smax)
  A16 = (Ex / _dot(Ex, onesb)).astype(jnp.bfloat16)

  o = jnp.zeros((_BK, _H), jnp.float32)
  for k in range(_K):
    o = o + jnp.dot(A16, expk_ref[k],
                    preferred_element_type=jnp.float32) * _rep8(v3[:, k, :])
  edge_out = _dotb(o, Wo_ref[0]) + bo_ref[0]

  em = (edge_out * nmb).reshape(_BN, _K, _H)
  node_sum = em[:, 0, :]
  for k in range(1, _K):
    node_sum = node_sum + em[:, k, :]
  node_out = node_sum / cnt

  node_f = node_out + nf
  edge_f = edge_out + ef
  nh = _lncore(node_f) * lng_ref[0] + lnb_ref[0]
  nh = _dotb(_silu(_dotb(nh, Wn1_ref[0]) + bn1_ref[0]),
             Wn2_ref[0]) + bn2_ref[0]
  eh = _lncore(edge_f) * leg_ref[0] + leb_ref[0]
  eh = _dotb(_silu(_dotb(eh, We1_ref[0]) + be1_ref[0]),
             We2_ref[0]) + be2_ref[0]

  iot = lax.broadcasted_iota(jnp.int32, (_BN, _E), 1)
  ge = jnp.sum(jnp.where(iot == e, gates, 0.0), -1, keepdims=True)
  geb = jnp.broadcast_to(ge, (_BN, _H))
  no_ref[...] += geb * (node_f + nh)
  eo_ref[...] += _rep8(geb) * (edge_f + eh)


def _run_main(params, nf, nbr_flat, ea_flat, ef_flat, nmask, amask):
  full = lambda a: pl.BlockSpec(a.shape, lambda i: (0,) * a.ndim)
  selk = jnp.asarray(_SELK, jnp.bfloat16)
  expk = jnp.asarray(_EXPK, jnp.bfloat16)
  msel = jnp.asarray(_MSEL)
  onesb = jnp.asarray(_ONESB)
  bf = ('We', 'Wn', 'Wm', 'Wq', 'Wk', 'Wv', 'Wo', 'Wn1', 'Wn2', 'We1', 'We2')
  pvals = [params[n].astype(jnp.bfloat16) if n in bf else
           params[n].reshape(_E, 1, -1) for n in _PNAMES]
  ea_flat = ea_flat.astype(jnp.bfloat16)

  full = lambda a: pl.BlockSpec(a.shape, lambda i, j: (0,) * a.ndim)
  def perexp(a):
    return pl.BlockSpec((1,) + a.shape[1:],
                        lambda i, j: (j,) + (0,) * (a.ndim - 1))

  in_specs = [
      pl.BlockSpec((_BN, _H), lambda i, j: (i, 0)),
      pl.BlockSpec((_BK, _H), lambda i, j: (i, 0)),
      pl.BlockSpec((_BK, _H), lambda i, j: (i, 0)),
      pl.BlockSpec((_BK, _H), lambda i, j: (i, 0)),
      pl.BlockSpec((_BN, _K), lambda i, j: (i, 0)),
      pl.BlockSpec((_BN, _K, _K), lambda i, j: (i, 0, 0)),
      full(params['w_gate']),
      full(selk), full(expk), full(msel), full(onesb),
  ] + [perexp(p) for p in pvals]

  out_specs = [
      pl.BlockSpec((_BN, _H), lambda i, j: (i, 0)),
      pl.BlockSpec((_BK, _H), lambda i, j: (i, 0)),
  ]
  out_shape = [
      jax.ShapeDtypeStruct((_N, _H), jnp.float32),
      jax.ShapeDtypeStruct((_N * _K, _H), jnp.float32),
  ]
  return pl.pallas_call(
      _tc_body,
      grid=(_NB, _E),
      in_specs=in_specs,
      out_specs=out_specs,
      out_shape=out_shape,
      scratch_shapes=[
          pltpu.VMEM((_BN, _H), jnp.float32),
          pltpu.VMEM((_BK, _H), jnp.float32),
          pltpu.VMEM((_BN, _E), jnp.float32),
      ],
  )(nf, nbr_flat, ea_flat, ef_flat, nmask, amask, params['w_gate'],
    selk, expk, msel, onesb, *pvals)


def kernel(params, node_features, edge_features, edge_attr, neighbor_mask,
           attn_mask, neighbor_list):
  nf = node_features.astype(jnp.float32)
  idxf = neighbor_list.reshape(-1).astype(jnp.int32)
  idxp = jnp.concatenate(
      [idxf, jnp.zeros((_BPAD - _N * _K,), jnp.int32)])
  nbr_raw = _sc_gather(nf, idxp.reshape(_NW, _NCH, _CHUNK))
  nbr_flat = nbr_raw[:_N * _K]
  node_out, edge_flat = _run_main(
      params, nf, nbr_flat,
      edge_attr.reshape(_N * _K, _H).astype(jnp.float32),
      edge_features.reshape(_N * _K, _H).astype(jnp.float32),
      neighbor_mask.astype(jnp.float32), attn_mask.astype(jnp.float32))
  return node_out, edge_flat.reshape(_N, _K, _H)

# --- scband reference (transcript-rebuilt; emitter-appended) ---
"""Pipeline reference for scband-efficient-graph-attention-block-mo-e-76682346103006 (READ-ONLY COPY).

The authoritative reference and input builder live on the scoring server;
editing this copy changes nothing except your own understanding.
"""

import jax, jax.numpy as jnp
import numpy as np

N = 10000
K = 8
H = 128
NHEADS = 4
DH = H // NHEADS
E = 8
TOPK = 2
FH = 128


def _ln(x, g, b):
    m = x.mean(-1, keepdims=True)
    v = ((x - m) ** 2).mean(-1, keepdims=True)
    return (x - m) / jnp.sqrt(v + 1e-5) * g + b


def _mha(msg, mask, Wq, bq, Wk, bk, Wv, bv, Wo, bo):
    n, k, h = msg.shape
    q = (msg @ Wq + bq).reshape(n, k, NHEADS, DH).transpose(0, 2, 1, 3)
    kk = (msg @ Wk + bk).reshape(n, k, NHEADS, DH).transpose(0, 2, 1, 3)
    v = (msg @ Wv + bv).reshape(n, k, NHEADS, DH).transpose(0, 2, 1, 3)
    s = jnp.einsum('nhqd,nhkd->nhqk', q, kk) / np.sqrt(DH) + mask[:, None, :, :]
    a = jax.nn.softmax(s, axis=-1)
    o = jnp.einsum('nhqk,nhkd->nhqd', a, v).transpose(0, 2, 1, 3).reshape(n, k, h)
    return o @ Wo + bo


def _block(p, node_features, edge_features, edge_attr, neighbor_list, neighbor_mask, attn_mask):
    h = _ln(node_features, p['ln_attn_g'], p['ln_attn_b'])
    edge_hidden = jax.nn.silu(edge_attr @ p['We'] + p['be'])
    nbr = h[neighbor_list]
    center = jnp.broadcast_to(h[:, None, :], nbr.shape)
    node_hidden = jax.nn.silu(jnp.concatenate([center, nbr], -1) @ p['Wn'] + p['bn'])
    message = jax.nn.silu(jnp.concatenate([edge_hidden, node_hidden], -1) @ p['Wm'] + p['bm'])
    edge_out = _mha(message, attn_mask, p['Wq'], p['bq'], p['Wk'], p['bk'], p['Wv'], p['bv'], p['Wo'], p['bo'])
    cnt = neighbor_mask.sum(1, keepdims=True) + 1e-5
    node_out = (edge_out * neighbor_mask[..., None]).sum(1) / cnt
    node_f = node_out + node_features
    edge_f = edge_out + edge_features
    nh = _ln(node_f, p['ln_ffn_ng'], p['ln_ffn_nb'])
    eh = _ln(edge_f, p['ln_ffn_eg'], p['ln_ffn_eb'])
    nh = jax.nn.silu(nh @ p['Wn1'] + p['bn1']) @ p['Wn2'] + p['bn2']
    eh = jax.nn.silu(eh @ p['We1'] + p['be1']) @ p['We2'] + p['be2']
    return node_f + nh, edge_f + eh


def _forward(params, node_features, edge_features, edge_attr, neighbor_mask, attn_mask, neighbor_list):
    n = node_features.shape[0]
    logits = node_features @ params['w_gate']
    top_l, top_i = jax.lax.top_k(logits, TOPK)
    top_g = jax.nn.softmax(top_l, axis=-1)
    gates = jnp.zeros((n, E), node_features.dtype).at[jnp.arange(n)[:, None], top_i].set(top_g)
    node_acc = jnp.zeros_like(node_features)
    edge_acc = jnp.zeros_like(edge_features)
    for e in range(E):
        pe = {name: (val if name == 'w_gate' else val[e]) for name, val in params.items()}
        n_out, e_out = _block(pe, node_features, edge_features, edge_attr, neighbor_list, neighbor_mask, attn_mask)
        g = gates[:, e]
        node_acc = node_acc + g[:, None] * n_out
        edge_acc = edge_acc + g[:, None, None] * e_out
    return node_acc, edge_acc


def setup_inputs(seed: int = 0) -> dict:
    key = jax.random.key(seed)
    keys = list(jax.random.split(key, 32))
    ki = iter(keys)

    def rn(shape, s=0.05):
        return jax.random.normal(next(ki), shape, jnp.float32) * s

    node_features = jax.random.normal(next(ki), (N, H), jnp.float32)
    edge_attr = jax.random.normal(next(ki), (N, K, H), jnp.float32)
    edge_features = jax.random.normal(next(ki), (N, K, H), jnp.float32)
    neighbor_list = jax.random.randint(next(ki), (N, K), 0, N)
    neighbor_mask = jnp.ones((N, K), jnp.float32)
    attn_mask = jnp.zeros((N, K, K), jnp.float32)
    params = {
        'w_gate': rn((H, E), 0.1),
        'ln_attn_g': jnp.ones((E, H)), 'ln_attn_b': jnp.zeros((E, H)),
        'We': rn((E, H, H)), 'be': jnp.zeros((E, H)),
        'Wn': rn((E, 2 * H, H)), 'bn': jnp.zeros((E, H)),
        'Wm': rn((E, 2 * H, H)), 'bm': jnp.zeros((E, H)),
        'Wq': rn((E, H, H)), 'bq': jnp.zeros((E, H)),
        'Wk': rn((E, H, H)), 'bk': jnp.zeros((E, H)),
        'Wv': rn((E, H, H)), 'bv': jnp.zeros((E, H)),
        'Wo': rn((E, H, H)), 'bo': jnp.zeros((E, H)),
        'ln_ffn_ng': jnp.ones((E, H)), 'ln_ffn_nb': jnp.zeros((E, H)),
        'ln_ffn_eg': jnp.ones((E, H)), 'ln_ffn_eb': jnp.zeros((E, H)),
        'Wn1': rn((E, H, FH)), 'bn1': jnp.zeros((E, FH)),
        'Wn2': rn((E, FH, H)), 'bn2': jnp.zeros((E, H)),
        'We1': rn((E, H, FH)), 'be1': jnp.zeros((E, FH)),
        'We2': rn((E, FH, H)), 'be2': jnp.zeros((E, H)),
    }
    return {'params': params, 'node_features': node_features, 'edge_features': edge_features, 'edge_attr': edge_attr, 'neighbor_mask': neighbor_mask, 'attn_mask': attn_mask, 'neighbor_list': neighbor_list}


def reference(params, node_features, edge_features, edge_attr, neighbor_mask, attn_mask, neighbor_list):
    return _forward(params, node_features, edge_features, edge_attr, neighbor_mask, attn_mask, neighbor_list)

if __name__ == "__main__":
    import jax
    _d = setup_inputs()
    print(jax.jit(kernel)(*tuple(_d.values())))

</pallas_src>

<mosaic_0001>
#map = affine_map<(d0, d1) -> (0, 0)>
#map1 = affine_map<(d0, d1) -> (0, 0, 0)>
module attributes {stable_mosaic.version = 14 : i64} {
  func.func @gk(%arg0: i32, %arg1: i32, %arg2: memref<10000x128xf32, #tpu.memory_space<hbm>>, %arg3: memref<32x20x128xi32, #tpu.memory_space<hbm>>, %arg4: memref<81920x128xf32, #tpu.memory_space<hbm>>, %arg5: memref<20x128xi32, #tpu.memory_space<vmem>>, %arg6: memref<2x128x128xf32, #tpu.memory_space<vmem>>, %arg7: memref<!tpu.dma_semaphore, #tpu.memory_space<semaphore_mem>>, %arg8: memref<!tpu.dma_semaphore, #tpu.memory_space<semaphore_mem>>) attributes {dimension_semantics = [#tpu.dimension_semantics<core_parallel>, #tpu.dimension_semantics<subcore_parallel>], iteration_bounds = array<i64: 2, 16>, scalar_prefetch = 0 : i64, scratch_operands = 4 : i64, tpu.core_type = #tpu.core_type<sc_vector_subcore>, window_params = [{transform_indices = #map}, {transform_indices = #map1}, {transform_indices = #map}]} {
    %mul3A = arith.constant 2 : i32
    %mul3A_0 = arith.muli %arg1, %mul3A : i32
    %add3A = arith.addi %mul3A_0, %arg0 : i32
    %mul3A_1 = arith.constant 2560 : i32
    %mul3A_2 = arith.muli %add3A, %mul3A_1 : i32
    "tpu.region"() ({
      %run_scoped3A_540 = tpu.sem_alloc : memref<!tpu.dma_semaphore, #tpu.memory_space<semaphore_mem>>
      %dma_start3A_541 = arith.constant 0 : i32
      %dma_start3A_542 = arith.constant 0 : i32
      %dma_start3A_543 = tpu.memref_slice %arg3[%add3A, %dma_start3A_541, %dma_start3A_542] : memref<32x20x128xi32, #tpu.memory_space<hbm>> -> memref<1x20x128xi32, #tpu.memory_space<hbm>>
      %dma_start3A_544 = tpu.memref_squeeze %dma_start3A_543 : memref<1x20x128xi32, #tpu.memory_space<hbm>> -> memref<20x128xi32, #tpu.memory_space<hbm>>
      %dma_start3A_545 = arith.constant 0 : i32
      %dma_start3A_546 = arith.constant 0 : i32
      %dma_start3A_547 = tpu.memref_slice %arg3[%add3A, %dma_start3A_545, %dma_start3A_546] : memref<32x20x128xi32, #tpu.memory_space<hbm>> -> memref<1x20x128xi32, #tpu.memory_space<hbm>>
      %dma_start3A_548 = tpu.memref_squeeze %dma_start3A_547 : memref<1x20x128xi32, #tpu.memory_space<hbm>> -> memref<20x128xi32, #tpu.memory_space<hbm>>
      tpu.enqueue_dma source(%dma_start3A_548 : memref<20x128xi32, #tpu.memory_space<hbm>>) target(%arg5 : memref<20x128xi32, #tpu.memory_space<vmem>>) target_semaphore(%run_scoped3A_540 : memref<!tpu.dma_semaphore, #tpu.memory_space<semaphore_mem>>)
      %dma_wait3A_549 = arith.constant 0 : i32
      %dma_wait3A_550 = arith.constant 0 : i32
      %dma_wait3A_551 = tpu.memref_slice %arg3[%add3A, %dma_wait3A_549, %dma_wait3A_550] : memref<32x20x128xi32, #tpu.memory_space<hbm>> -> memref<1x20x128xi32, #tpu.memory_space<hbm>>
      %dma_wait3A_552 = tpu.memref_squeeze %dma_wait3A_551 : memref<1x20x128xi32, #tpu.memory_space<hbm>> -> memref<20x128xi32, #tpu.memory_space<hbm>>
      %dma_wait3A_553 = arith.constant 0 : i32
      %dma_wait3A_554 = arith.constant 0 : i32
      %dma_wait3A_555 = tpu.memref_slice %arg3[%add3A, %dma_wait3A_553, %dma_wait3A_554] : memref<32x20x128xi32, #tpu.memory_space<hbm>> -> memref<1x20x128xi32, #tpu.memory_space<hbm>>
      %dma_wait3A_556 = tpu.memref_squeeze %dma_wait3A_555 : memref<1x20x128xi32, #tpu.memory_space<hbm>> -> memref<20x128xi32, #tpu.memory_space<hbm>>
      tpu.wait_dma2 semaphore(%run_scoped3A_540 : memref<!tpu.dma_semaphore, #tpu.memory_space<semaphore_mem>>) src(%dma_wait3A_556 : memref<20x128xi32, #tpu.memory_space<hbm>>) dst(%arg5 : memref<20x128xi32, #tpu.memory_space<vmem>>)
      tpu.yield
    }) : () -> ()
    %dma_start3A = arith.constant 0 : i32
    %dma_start3A_3 = arith.constant 0 : i32
    %dma_start3A_4 = arith.constant 0 : i32
    %dma_start3A_5 = arith.constant 0 : i32
    %dma_start3A_6 = tpu.memref_slice %arg6[%dma_start3A_3, %dma_start3A_4, %dma_start3A_5] : memref<2x128x128xf32, #tpu.memory_space<vmem>> -> memref<1x128x128xf32, #tpu.memory_space<vmem>>
    %dma_start3A_7 = tpu.memref_squeeze %dma_start3A_6 : memref<1x128x128xf32, #tpu.memory_space<vmem>> -> memref<128x128xf32, #tpu.memory_space<vmem>>
    %dma_start3A_8 = arith.constant 0 : i32
    %dma_start3A_9 = tpu.memref_slice %arg5[%dma_start3A, %dma_start3A_8] : memref<20x128xi32, #tpu.memory_space<vmem>> -> memref<1x128xi32, #tpu.memory_space<vmem>>
    %dma_start3A_10 = tpu.memref_squeeze %dma_start3A_9 : memref<1x128xi32, #tpu.memory_space<vmem>> -> memref<128xi32, #tpu.memory_space<vmem>>
    %dma_start3A_11 = arith.constant 0 : i32
    %dma_start3A_12 = arith.constant 0 : i32
    %dma_start3A_13 = tpu.memref_slice %arg2[%dma_start3A_11, %dma_start3A_12] : memref<10000x128xf32, #tpu.memory_space<hbm>> -> memref<10000x128xf32, #tpu.memory_space<hbm>>
    tpu.enqueue_indirect_dma source(%dma_start3A_13 : memref<10000x128xf32, #tpu.memory_space<hbm>>) target(%dma_start3A_7 : memref<128x128xf32, #tpu.memory_space<vmem>>) offsets(%dma_start3A_10 : memref<128xi32, #tpu.memory_space<vmem>>) semaphore(%arg7 : memref<!tpu.dma_semaphore, #tpu.memory_space<semaphore_mem>>)
    %dma_start3A_14 = arith.constant 1 : i32
    %dma_start3A_15 = arith.constant 1 : i32
    %dma_start3A_16 = arith.constant 0 : i32
    %dma_start3A_17 = arith.constant 0 : i32
    %dma_start3A_18 = tpu.memref_slice %arg6[%dma_start3A_15, %dma_start3A_16, %dma_start3A_17] : memref<2x128x128xf32, #tpu.memory_space<vmem>> -> memref<1x128x128xf32, #tpu.memory_space<vmem>>
    %dma_start3A_19 = tpu.memref_squeeze %dma_start3A_18 : memref<1x128x128xf32, #tpu.memory_space<vmem>> -> memref<128x128xf32, #tpu.memory_space<vmem>>
    %dma_start3A_20 = arith.constant 0 : i32
    %dma_start3A_21 = tpu.memref_slice %arg5[%dma_start3A_14, %dma_start3A_20] : memref<20x128xi32, #tpu.memory_space<vmem>> -> memref<1x128xi32, #tpu.memory_space<vmem>>
    %dma_start3A_22 = tpu.memref_squeeze %dma_start3A_21 : memref<1x128xi32, #tpu.memory_space<vmem>> -> memref<128xi32, #tpu.memory_space<vmem>>
    %dma_start3A_23 = arith.constant 0 : i32
    %dma_start3A_24 = arith.constant 0 : i32
    %dma_start3A_25 = tpu.memref_slice %arg2[%dma_start3A_23, %dma_start3A_24] : memref<10000x128xf32, #tpu.memory_space<hbm>> -> memref<10000x128xf32, #tpu.memory_space<hbm>>
    tpu.enqueue_indirect_dma source(%dma_start3A_25 : memref<10000x128xf32, #tpu.memory_space<hbm>>) target(%dma_start3A_19 : memref<128x128xf32, #tpu.memory_space<vmem>>) offsets(%dma_start3A_22 : memref<128xi32, #tpu.memory_space<vmem>>) semaphore(%arg8 : memref<!tpu.dma_semaphore, #tpu.memory_space<semaphore_mem>>)
    %dma_wait3A = arith.constant 0 : i32
    %dma_wait3A_26 = arith.constant 0 : i32
    %dma_wait3A_27 = arith.constant 0 : i32
    %dma_wait3A_28 = arith.constant 0 : i32
    %dma_wait3A_29 = tpu.memref_slice %arg6[%dma_wait3A_26, %dma_wait3A_27, %dma_wait3A_28] : memref<2x128x128xf32, #tpu.memory_space<vmem>> -> memref<1x128x128xf32, #tpu.memory_space<vmem>>
    %dma_wait3A_30 = tpu.memref_squeeze %dma_wait3A_29 : memref<1x128x128xf32, #tpu.memory_space<vmem>> -> memref<128x128xf32, #tpu.memory_space<vmem>>
    %dma_wait3A_31 = arith.constant 0 : i32
    %dma_wait3A_32 = tpu.memref_slice %arg5[%dma_wait3A, %dma_wait3A_31] : memref<20x128xi32, #tpu.memory_space<vmem>> -> memref<1x128xi32, #tpu.memory_space<vmem>>
    %dma_wait3A_33 = tpu.memref_squeeze %dma_wait3A_32 : memref<1x128xi32, #tpu.memory_space<vmem>> -> memref<128xi32, #tpu.memory_space<vmem>>
    %dma_wait3A_34 = arith.constant 0 : i32
    %dma_wait3A_35 = arith.constant 0 : i32
    %dma_wait3A_36 = tpu.memref_slice %arg2[%dma_wait3A_34, %dma_wait3A_35] : memref<10000x128xf32, #tpu.memory_space<hbm>> -> memref<10000x128xf32, #tpu.memory_space<hbm>>
    tpu.wait_indirect_dma semaphore(%arg7 : memref<!tpu.dma_semaphore, #tpu.memory_space<semaphore_mem>>) src(%dma_wait3A_36 : memref<10000x128xf32, #tpu.memory_space<hbm>>) dst(%dma_wait3A_30 : memref<128x128xf32, #tpu.memory_space<vmem>>)
    %add3A_37 = arith.constant 0 : i32
    %add3A_38 = arith.addi %mul3A_2, %add3A_37 : i32
    %run_scoped3A = arith.constant 0 : i32
    "tpu.region"() ({
      %run_scoped3A_540 = tpu.sem_alloc : memref<!tpu.dma_semaphore, #tpu.memory_space<semaphore_mem>>
      %dma_start3A_541 = arith.constant 0 : i32
      %dma_start3A_542 = arith.constant 0 : i32
      %dma_start3A_543 = tpu.memref_slice %arg6[%run_scoped3A, %dma_start3A_541, %dma_start3A_542] : memref<2x128x128xf32, #tpu.memory_space<vmem>> -> memref<1x128x128xf32, #tpu.memory_space<vmem>>
      %dma_start3A_544 = tpu.memref_squeeze %dma_start3A_543 : memref<1x128x128xf32, #tpu.memory_space<vmem>> -> memref<128x128xf32, #tpu.memory_space<vmem>>
      %dma_start3A_545 = arith.constant 0 : i32
      %dma_start3A_546 = tpu.memref_slice %arg4[%add3A_38, %dma_start3A_545] : memref<81920x128xf32, #tpu.memory_space<hbm>> -> memref<128x128xf32, #tpu.memory_space<hbm>>
      %dma_start3A_547 = arith.constant 0 : i32
      %dma_start3A_548 = tpu.memref_slice %arg4[%add3A_38, %dma_start3A_547] : memref<81920x128xf32, #tpu.memory_space<hbm>> -> memref<128x128xf32, #tpu.memory_space<hbm>>
      %dma_start3A_549 = arith.constant 0 : i32
      %dma_start3A_550 = arith.constant 0 : i32
      %dma_start3A_551 = tpu.memref_slice %arg6[%run_scoped3A, %dma_start3A_549, %dma_start3A_550] : memref<2x128x128xf32, #tpu.memory_space<vmem>> -> memref<1x128x128xf32, #tpu.memory_space<vmem>>
      %dma_start3A_552 = tpu.memref_squeeze %dma_start3A_551 : memref<1x128x128xf32, #tpu.memory_space<vmem>> -> memref<128x128xf32, #tpu.memory_space<vmem>>
      tpu.enqueue_dma source(%dma_start3A_552 : memref<128x128xf32, #tpu.memory_space<vmem>>) target(%dma_start3A_548 : memref<128x128xf32, #tpu.memory_space<hbm>>) target_semaphore(%run_scoped3A_540 : memref<!tpu.dma_semaphore, #tpu.memory_space<semaphore_mem>>)
      %dma_wait3A_553 = arith.constant 0 : i32
      %dma_wait3A_554 = arith.constant 0 : i32
      %dma_wait3A_555 = tpu.memref_slice %arg6[%run_scoped3A, %dma_wait3A_553, %dma_wait3A_554] : memref<2x128x128xf32, #tpu.memory_space<vmem>> -> memref<1x128x128xf32, #tpu.memory_space<vmem>>
      %dma_wait3A_556 = tpu.memref_squeeze %dma_wait3A_555 : memref<1x128x128xf32, #tpu.memory_space<vmem>> -> memref<128x128xf32, #tpu.memory_space<vmem>>
      %dma_wait3A_557 = arith.constant 0 : i32
      %dma_wait3A_558 = tpu.memref_slice %arg4[%add3A_38, %dma_wait3A_557] : memref<81920x128xf32, #tpu.memory_space<hbm>> -> memref<128x128xf32, #tpu.memory_space<hbm>>
      %dma_wait3A_559 = arith.constant 0 : i32
      %dma_wait3A_560 = tpu.memref_slice %arg4[%add3A_38, %dma_wait3A_559] : memref<81920x128xf32, #tpu.memory_space<hbm>> -> memref<128x128xf32, #tpu.memory_space<hbm>>
      %dma_wait3A_561 = arith.constant 0 : i32
      %dma_wait3A_562 = arith.constant 0 : i32
      %dma_wait3A_563 = tpu.memref_slice %arg6[%run_scoped3A, %dma_wait3A_561, %dma_wait3A_562] : memref<2x128x128xf32, #tpu.memory_space<vmem>> -> memref<1x128x128xf32, #tpu.memory_space<vmem>>
      %dma_wait3A_564 = tpu.memref_squeeze %dma_wait3A_563 : memref<1x128x128xf32, #tpu.memory_space<vmem>> -> memref<128x128xf32, #tpu.memory_space<vmem>>
      tpu.wait_dma2 semaphore(%run_scoped3A_540 : memref<!tpu.dma_semaphore, #tpu.memory_space<semaphore_mem>>) src(%dma_wait3A_564 : memref<128x128xf32, #tpu.memory_space<vmem>>) dst(%dma_wait3A_560 : memref<128x128xf32, #tpu.memory_space<hbm>>)
      tpu.yield
    }) : () -> ()
    %dma_start3A_39 = arith.constant 2 : i32
    %dma_start3A_40 = arith.constant 0 : i32
    %dma_start3A_41 = arith.constant 0 : i32
    %dma_start3A_42 = arith.constant 0 : i32
    %dma_start3A_43 = tpu.memref_slice %arg6[%dma_start3A_40, %dma_start3A_41, %dma_start3A_42] : memref<2x128x128xf32, #tpu.memory_space<vmem>> -> memref<1x128x128xf32, #tpu.memory_space<vmem>>
    %dma_start3A_44 = tpu.memref_squeeze %dma_start3A_43 : memref<1x128x128xf32, #tpu.memory_space<vmem>> -> memref<128x128xf32, #tpu.memory_space<vmem>>
    %dma_start3A_45 = arith.constant 0 : i32
    %dma_start3A_46 = tpu.memref_slice %arg5[%dma_start3A_39, %dma_start3A_45] : memref<20x128xi32, #tpu.memory_space<vmem>> -> memref<1x128xi32, #tpu.memory_space<vmem>>
    %dma_start3A_47 = tpu.memref_squeeze %dma_start3A_46 : memref<1x128xi32, #tpu.memory_space<vmem>> -> memref<128xi32, #tpu.memory_space<vmem>>
    %dma_start3A_48 = arith.constant 0 : i32
    %dma_start3A_49 = arith.constant 0 : i32
    %dma_start3A_50 = tpu.memref_slice %arg2[%dma_start3A_48, %dma_start3A_49] : memref<10000x128xf32, #tpu.memory_space<hbm>> -> memref<10000x128xf32, #tpu.memory_space<hbm>>
    tpu.enqueue_indirect_dma source(%dma_start3A_50 : memref<10000x128xf32, #tpu.memory_space<hbm>>) target(%dma_start3A_44 : memref<128x128xf32, #tpu.memory_space<vmem>>) offsets(%dma_start3A_47 : memref<128xi32, #tpu.memory_space<vmem>>) semaphore(%arg7 : memref<!tpu.dma_semaphore, #tpu.memory_space<semaphore_mem>>)
    %dma_wait3A_51 = arith.constant 1 : i32
    %dma_wait3A_52 = arith.constant 1 : i32
    %dma_wait3A_53 = arith.constant 0 : i32
    %dma_wait3A_54 = arith.constant 0 : i32
    %dma_wait3A_55 = tpu.memref_slice %arg6[%dma_wait3A_52, %dma_wait3A_53, %dma_wait3A_54] : memref<2x128x128xf32, #tpu.memory_space<vmem>> -> memref<1x128x128xf32, #tpu.memory_space<vmem>>
    %dma_wait3A_56 = tpu.memref_squeeze %dma_wait3A_55 : memref<1x128x128xf32, #tpu.memory_space<vmem>> -> memref<128x128xf32, #tpu.memory_space<vmem>>
    %dma_wait3A_57 = arith.constant 0 : i32
    %dma_wait3A_58 = tpu.memref_slice %arg5[%dma_wait3A_51, %dma_wait3A_57] : memref<20x128xi32, #tpu.memory_space<vmem>> -> memref<1x128xi32, #tpu.memory_space<vmem>>
    %dma_wait3A_59 = tpu.memref_squeeze %dma_wait3A_58 : memref<1x128xi32, #tpu.memory_space<vmem>> -> memref<128xi32, #tpu.memory_space<vmem>>
    %dma_wait3A_60 = arith.constant 0 : i32
    %dma_wait3A_61 = arith.constant 0 : i32
    %dma_wait3A_62 = tpu.memref_slice %arg2[%dma_wait3A_60, %dma_wait3A_61] : memref<10000x128xf32, #tpu.memory_space<hbm>> -> memref<10000x128xf32, #tpu.memory_space<hbm>>
    tpu.wait_indirect_dma semaphore(%arg8 : memref<!tpu.dma_semaphore, #tpu.memory_space<semaphore_mem>>) src(%dma_wait3A_62 : memref<10000x128xf32, #tpu.memory_space<hbm>>) dst(%dma_wait3A_56 : memref<128x128xf32, #tpu.memory_space<vmem>>)
    %add3A_63 = arith.constant 128 : i32
    %add3A_64 = arith.addi %mul3A_2, %add3A_63 : i32
    %run_scoped3A_65 = arith.constant 1 : i32
    "tpu.region"() ({
      %run_scoped3A_540 = tpu.sem_alloc : memref<!tpu.dma_semaphore, #tpu.memory_space<semaphore_mem>>
      %dma_start3A_541 = arith.constant 0 : i32
      %dma_start3A_542 = arith.constant 0 : i32
      %dma_start3A_543 = tpu.memref_slice %arg6[%run_scoped3A_65, %dma_start3A_541, %dma_start3A_542] : memref<2x128x128xf32, #tpu.memory_space<vmem>> -> memref<1x128x128xf32, #tpu.memory_space<vmem>>
      %dma_start3A_544 = tpu.memref_squeeze %dma_start3A_543 : memref<1x128x128xf32, #tpu.memory_space<vmem>> -> memref<128x128xf32, #tpu.memory_space<vmem>>
      %dma_start3A_545 = arith.constant 0 : i32
      %dma_start3A_546 = tpu.memref_slice %arg4[%add3A_64, %dma_start3A_545] : memref<81920x128xf32, #tpu.memory_space<hbm>> -> memref<128x128xf32, #tpu.memory_space<hbm>>
      %dma_start3A_547 = arith.constant 0 : i32
      %dma_start3A_548 = tpu.memref_slice %arg4[%add3A_64, %dma_start3A_547] : memref<81920x128xf32, #tpu.memory_space<hbm>> -> memref<128x128xf32, #tpu.memory_space<hbm>>
      %dma_start3A_549 = arith.constant 0 : i32
      %dma_start3A_550 = arith.constant 0 : i32
      %dma_start3A_551 = tpu.memref_slice %arg6[%run_scoped3A_65, %dma_start3A_549, %dma_start3A_550] : memref<2x128x128xf32, #tpu.memory_space<vmem>> -> memref<1x128x128xf32, #tpu.memory_space<vmem>>
      %dma_start3A_552 = tpu.memref_squeeze %dma_start3A_551 : memref<1x128x128xf32, #tpu.memory_space<vmem>> -> memref<128x128xf32, #tpu.memory_space<vmem>>
      tpu.enqueue_dma source(%dma_start3A_552 : memref<128x128xf32, #tpu.memory_space<vmem>>) target(%dma_start3A_548 : memref<128x128xf32, #tpu.memory_space<hbm>>) target_semaphore(%run_scoped3A_540 : memref<!tpu.dma_semaphore, #tpu.memory_space<semaphore_mem>>)
      %dma_wait3A_553 = arith.constant 0 : i32
      %dma_wait3A_554 = arith.constant 0 : i32
      %dma_wait3A_555 = tpu.memref_slice %arg6[%run_scoped3A_65, %dma_wait3A_553, %dma_wait3A_554] : memref<2x128x128xf32, #tpu.memory_space<vmem>> -> memref<1x128x128xf32, #tpu.memory_space<vmem>>
      %dma_wait3A_556 = tpu.memref_squeeze %dma_wait3A_555 : memref<1x128x128xf32, #tpu.memory_space<vmem>> -> memref<128x128xf32, #tpu.memory_space<vmem>>
      %dma_wait3A_557 = arith.constant 0 : i32
      %dma_wait3A_558 = tpu.memref_slice %arg4[%add3A_64, %dma_wait3A_557] : memref<81920x128xf32, #tpu.memory_space<hbm>> -> memref<128x128xf32, #tpu.memory_space<hbm>>
      %dma_wait3A_559 = arith.constant 0 : i32
      %dma_wait3A_560 = tpu.memref_slice %arg4[%add3A_64, %dma_wait3A_559] : memref<81920x128xf32, #tpu.memory_space<hbm>> -> memref<128x128xf32, #tpu.memory_space<hbm>>
      %dma_wait3A_561 = arith.constant 0 : i32
      %dma_wait3A_562 = arith.constant 0 : i32
      %dma_wait3A_563 = tpu.memref_slice %arg6[%run_scoped3A_65, %dma_wait3A_561, %dma_wait3A_562] : memref<2x128x128xf32, #tpu.memory_space<vmem>> -> memref<1x128x128xf32, #tpu.memory_space<vmem>>
      %dma_wait3A_564 = tpu.memref_squeeze %dma_wait3A_563 : memref<1x128x128xf32, #tpu.memory_space<vmem>> -> memref<128x128xf32, #tpu.memory_space<vmem>>
      tpu.wait_dma2 semaphore(%run_scoped3A_540 : memref<!tpu.dma_semaphore, #tpu.memory_space<semaphore_mem>>) src(%dma_wait3A_564 : memref<128x128xf32, #tpu.memory_space<vmem>>) dst(%dma_wait3A_560 : memref<128x128xf32, #tpu.memory_space<hbm>>)
      tpu.yield
    }) : () -> ()
    %dma_start3A_66 = arith.constant 3 : i32
    %dma_start3A_67 = arith.constant 1 : i32
    %dma_start3A_68 = arith.constant 0 : i32
    %dma_start3A_69 = arith.constant 0 : i32
    %dma_start3A_70 = tpu.memref_slice %arg6[%dma_start3A_67, %dma_start3A_68, %dma_start3A_69] : memref<2x128x128xf32, #tpu.memory_space<vmem>> -> memref<1x128x128xf32, #tpu.memory_space<vmem>>
    %dma_start3A_71 = tpu.memref_squeeze %dma_start3A_70 : memref<1x128x128xf32, #tpu.memory_space<vmem>> -> memref<128x128xf32, #tpu.memory_space<vmem>>
    %dma_start3A_72 = arith.constant 0 : i32
    %dma_start3A_73 = tpu.memref_slice %arg5[%dma_start3A_66, %dma_start3A_72] : memref<20x128xi32, #tpu.memory_space<vmem>> -> memref<1x128xi32, #tpu.memory_space<vmem>>
    %dma_start3A_74 = tpu.memref_squeeze %dma_start3A_73 : memref<1x128xi32, #tpu.memory_space<vmem>> -> memref<128xi32, #tpu.memory_space<vmem>>
    %dma_start3A_75 = arith.constant 0 : i32
    %dma_start3A_76 = arith.constant 0 : i32
    %dma_start3A_77 = tpu.memref_slice %arg2[%dma_start3A_75, %dma_start3A_76] : memref<10000x128xf32, #tpu.memory_space<hbm>> -> memref<10000x128xf32, #tpu.memory_space<hbm>>
    tpu.enqueue_indirect_dma source(%dma_start3A_77 : memref<10000x128xf32, #tpu.memory_space<hbm>>) target(%dma_start3A_71 : memref<128x128xf32, #tpu.memory_space<vmem>>) offsets(%dma_start3A_74 : memref<128xi32, #tpu.memory_space<vmem>>) semaphore(%arg8 : memref<!tpu.dma_semaphore, #tpu.memory_space<semaphore_mem>>)
    %dma_wait3A_78 = arith.constant 2 : i32
    %dma_wait3A_79 = arith.constant 0 : i32
    %dma_wait3A_80 = arith.constant 0 : i32
    %dma_wait3A_81 = arith.constant 0 : i32
    %dma_wait3A_82 = tpu.memref_slice %arg6[%dma_wait3A_79, %dma_wait3A_80, %dma_wait3A_81] : memref<2x128x128xf32, #tpu.memory_space<vmem>> -> memref<1x128x128xf32, #tpu.memory_space<vmem>>
    %dma_wait3A_83 = tpu.memref_squeeze %dma_wait3A_82 : memref<1x128x128xf32, #tpu.memory_space<vmem>> -> memref<128x128xf32, #tpu.memory_space<vmem>>
    %dma_wait3A_84 = arith.constant 0 : i32
    %dma_wait3A_85 = tpu.memref_slice %arg5[%dma_wait3A_78, %dma_wait3A_84] : memref<20x128xi32, #tpu.memory_space<vmem>> -> memref<1x128xi32, #tpu.memory_space<vmem>>
    %dma_wait3A_86 = tpu.memref_squeeze %dma_wait3A_85 : memref<1x128xi32, #tpu.memory_space<vmem>> -> memref<128xi32, #tpu.memory_space<vmem>>
    %dma_wait3A_87 = arith.constant 0 : i32
    %dma_wait3A_88 = arith.constant 0 : i32
    %dma_wait3A_89 = tpu.memref_slice %arg2[%dma_wait3A_87, %dma_wait3A_88] : memref<10000x128xf32, #tpu.memory_space<hbm>> -> memref<10000x128xf32, #tpu.memory_space<hbm>>
    tpu.wait_indirect_dma semaphore(%arg7 : memref<!tpu.dma_semaphore, #tpu.memory_space<semaphore_mem>>) src(%dma_wait3A_89 : memref<10000x128xf32, #tpu.memory_space<hbm>>) dst(%dma_wait3A_83 : memref<128x128xf32, #tpu.memory_space<vmem>>)
    %add3A_90 = arith.constant 256 : i32
    %add3A_91 = arith.addi %mul3A_2, %add3A_90 : i32
    %run_scoped3A_92 = arith.constant 0 : i32
    "tpu.region"() ({
      %run_scoped3A_540 = tpu.sem_alloc : memref<!tpu.dma_semaphore, #tpu.memory_space<semaphore_mem>>
      %dma_start3A_541 = arith.constant 0 : i32
      %dma_start3A_542 = arith.constant 0 : i32
      %dma_start3A_543 = tpu.memref_slice %arg6[%run_scoped3A_92, %dma_start3A_541, %dma_start3A_542] : memref<2x128x128xf32, #tpu.memory_space<vmem>> -> memref<1x128x128xf32, #tpu.memory_space<vmem>>
      %dma_start3A_544 = tpu.memref_squeeze %dma_start3A_543 : memref<1x128x128xf32, #tpu.memory_space<vmem>> -> memref<128x128xf32, #tpu.memory_space<vmem>>
      %dma_start3A_545 = arith.constant 0 : i32
      %dma_start3A_546 = tpu.memref_slice %arg4[%add3A_91, %dma_start3A_545] : memref<81920x128xf32, #tpu.memory_space<hbm>> -> memref<128x128xf32, #tpu.memory_space<hbm>>
      %dma_start3A_547 = arith.constant 0 : i32
      %dma_start3A_548 = tpu.memref_slice %arg4[%add3A_91, %dma_start3A_547] : memref<81920x128xf32, #tpu.memory_space<hbm>> -> memref<128x128xf32, #tpu.memory_space<hbm>>
      %dma_start3A_549 = arith.constant 0 : i32
      %dma_start3A_550 = arith.constant 0 : i32
      %dma_start3A_551 = tpu.memref_slice %arg6[%run_scoped3A_92, %dma_start3A_549, %dma_start3A_550] : memref<2x128x128xf32, #tpu.memory_space<vmem>> -> memref<1x128x128xf32, #tpu.memory_space<vmem>>
      %dma_start3A_552 = tpu.memref_squeeze %dma_start3A_551 : memref<1x128x128xf32, #tpu.memory_space<vmem>> -> memref<128x128xf32, #tpu.memory_space<vmem>>
      tpu.enqueue_dma source(%dma_start3A_552 : memref<128x128xf32, #tpu.memory_space<vmem>>) target(%dma_start3A_548 : memref<128x128xf32, #tpu.memory_space<hbm>>) target_semaphore(%run_scoped3A_540 : memref<!tpu.dma_semaphore, #tpu.memory_space<semaphore_mem>>)
      %dma_wait3A_553 = arith.constant 0 : i32
      %dma_wait3A_554 = arith.constant 0 : i32
      %dma_wait3A_555 = tpu.memref_slice %arg6[%run_scoped3A_92, %dma_wait3A_553, %dma_wait3A_554] : memref<2x128x128xf32, #tpu.memory_space<vmem>> -> memref<1x128x128xf32, #tpu.memory_space<vmem>>
      %dma_wait3A_556 = tpu.memref_squeeze %dma_wait3A_555 : memref<1x128x128xf32, #tpu.memory_space<vmem>> -> memref<128x128xf32, #tpu.memory_space<vmem>>
      %dma_wait3A_557 = arith.constant 0 : i32
      %dma_wait3A_558 = tpu.memref_slice %arg4[%add3A_91, %dma_wait3A_557] : memref<81920x128xf32, #tpu.memory_space<hbm>> -> memref<128x128xf32, #tpu.memory_space<hbm>>
      %dma_wait3A_559 = arith.constant 0 : i32
      %dma_wait3A_560 = tpu.memref_slice %arg4[%add3A_91, %dma_wait3A_559] : memref<81920x128xf32, #tpu.memory_space<hbm>> -> memref<128x128xf32, #tpu.memory_space<hbm>>
      %dma_wait3A_561 = arith.constant 0 : i32
      %dma_wait3A_562 = arith.constant 0 : i32
      %dma_wait3A_563 = tpu.memref_slice %arg6[%run_scoped3A_92, %dma_wait3A_561, %dma_wait3A_562] : memref<2x128x128xf32, #tpu.memory_space<vmem>> -> memref<1x128x128xf32, #tpu.memory_space<vmem>>
      %dma_wait3A_564 = tpu.memref_squeeze %dma_wait3A_563 : memref<1x128x128xf32, #tpu.memory_space<vmem>> -> memref<128x128xf32, #tpu.memory_space<vmem>>
      tpu.wait_dma2 semaphore(%run_scoped3A_540 : memref<!tpu.dma_semaphore, #tpu.memory_space<semaphore_mem>>) src(%dma_wait3A_564 : memref<128x128xf32, #tpu.memory_space<vmem>>) dst(%dma_wait3A_560 : memref<128x128xf32, #tpu.memory_space<hbm>>)
      tpu.yield
    }) : () -> ()
    %dma_start3A_93 = arith.constant 4 : i32
    %dma_start3A_94 = arith.constant 0 : i32
    %dma_start3A_95 = arith.constant 0 : i32
    %dma_start3A_96 = arith.constant 0 : i32
    %dma_start3A_97 = tpu.memref_slice %arg6[%dma_start3A_94, %dma_start3A_95, %dma_start3A_96] : memref<2x128x128xf32, #tpu.memory_space<vmem>> -> memref<1x128x128xf32, #tpu.memory_space<vmem>>
    %dma_start3A_98 = tpu.memref_squeeze %dma_start3A_97 : memref<1x128x128xf32, #tpu.memory_space<vmem>> -> memref<128x128xf32, #tpu.memory_space<vmem>>
    %dma_start3A_99 = arith.constant 0 : i32
    %dma_start3A_100 = tpu.memref_slice %arg5[%dma_start3A_93, %dma_start3A_99] : memref<20x128xi32, #tpu.memory_space<vmem>> -> memref<1x128xi32, #tpu.memory_space<vmem>>
    %dma_start3A_101 = tpu.memref_squeeze %dma_start3A_100 : memref<1x128xi32, #tpu.memory_space<vmem>> -> memref<128xi32, #tpu.memory_space<vmem>>
    %dma_start3A_102 = arith.constant 0 : i32
    %dma_start3A_103 = arith.constant 0 : i32
    %dma_start3A_104 = tpu.memref_slice %arg2[%dma_start3A_102, %dma_start3A_103] : memref<10000x128xf32, #tpu.memory_space<hbm>> -> memref<10000x128xf32, #tpu.memory_space<hbm>>
    tpu.enqueue_indirect_dma source(%dma_start3A_104 : memref<10000x128xf32, #tpu.memory_space<hbm>>) target(%dma_start3A_98 : memref<128x128xf32, #tpu.memory_space<vmem>>) offsets(%dma_start3A_101 : memref<128xi32, #tpu.memory_space<vmem>>) semaphore(%arg7 : memref<!tpu.dma_semaphore, #tpu.memory_space<semaphore_mem>>)
    %dma_wait3A_105 = arith.constant 3 : i32
    %dma_wait3A_106 = arith.constant 1 : i32
    %dma_wait3A_107 = arith.constant 0 : i32
    %dma_wait3A_108 = arith.constant 0 : i32
    %dma_wait3A_109 = tpu.memref_slice %arg6[%dma_wait3A_106, %dma_wait3A_107, %dma_wait3A_108] : memref<2x128x128xf32, #tpu.memory_space<vmem>> -> memref<1x128x128xf32, #tpu.memory_space<vmem>>
    %dma_wait3A_110 = tpu.memref_squeeze %dma_wait3A_109 : memref<1x128x128xf32, #tpu.memory_space<vmem>> -> memref<128x128xf32, #tpu.memory_space<vmem>>
    %dma_wait3A_111 = arith.constant 0 : i32
    %dma_wait3A_112 = tpu.memref_slice %arg5[%dma_wait3A_105, %dma_wait3A_111] : memref<20x128xi32, #tpu.memory_space<vmem>> -> memref<1x128xi32, #tpu.memory_space<vmem>>
    %dma_wait3A_113 = tpu.memref_squeeze %dma_wait3A_112 : memref<1x128xi32, #tpu.memory_space<vmem>> -> memref<128xi32, #tpu.memory_space<vmem>>
    %dma_wait3A_114 = arith.constant 0 : i32
    %dma_wait3A_115 = arith.constant 0 : i32
    %dma_wait3A_116 = tpu.memref_slice %arg2[%dma_wait3A_114, %dma_wait3A_115] : memref<10000x128xf32, #tpu.memory_space<hbm>> -> memref<10000x128xf32, #tpu.memory_space<hbm>>
    tpu.wait_indirect_dma semaphore(%arg8 : memref<!tpu.dma_semaphore, #tpu.memory_space<semaphore_mem>>) src(%dma_wait3A_116 : memref<10000x128xf32, #tpu.memory_space<hbm>>) dst(%dma_wait3A_110 : memref<128x128xf32, #tpu.memory_space<vmem>>)
    %add3A_117 = arith.constant 384 : i32
    %add3A_118 = arith.addi %mul3A_2, %add3A_117 : i32
    %run_scoped3A_119 = arith.constant 1 : i32
    "tpu.region"() ({
      %run_scoped3A_540 = tpu.sem_alloc : memref<!tpu.dma_semaphore, #tpu.memory_space<semaphore_mem>>
      %dma_start3A_541 = arith.constant 0 : i32
      %dma_start3A_542 = arith.constant 0 : i32
      %dma_start3A_543 = tpu.memref_slice %arg6[%run_scoped3A_119, %dma_start3A_541, %dma_start3A_542] : memref<2x128x128xf32, #tpu.memory_space<vmem>> -> memref<1x128x128xf32, #tpu.memory_space<vmem>>
      %dma_start3A_544 = tpu.memref_squeeze %dma_start3A_543 : memref<1x128x128xf32, #tpu.memory_space<vmem>> -> memref<128x128xf32, #tpu.memory_space<vmem>>
      %dma_start3A_545 = arith.constant 0 : i32
      %dma_start3A_546 = tpu.memref_slice %arg4[%add3A_118, %dma_start3A_545] : memref<81920x128xf32, #tpu.memory_space<hbm>> -> memref<128x128xf32, #tpu.memory_space<hbm>>
      %dma_start3A_547 = arith.constant 0 : i32
      %dma_start3A_548 = tpu.memref_slice %arg4[%add3A_118, %dma_start3A_547] : memref<81920x128xf32, #tpu.memory_space<hbm>> -> memref<128x128xf32, #tpu.memory_space<hbm>>
      %dma_start3A_549 = arith.constant 0 : i32
      %dma_start3A_550 = arith.constant 0 : i32
      %dma_start3A_551 = tpu.memref_slice %arg6[%run_scoped3A_119, %dma_start3A_549, %dma_start3A_550] : memref<2x128x128xf32, #tpu.memory_space<vmem>> -> memref<1x128x128xf32, #tpu.memory_space<vmem>>
      %dma_start3A_552 = tpu.memref_squeeze %dma_start3A_551 : memref<1x128x128xf32, #tpu.memory_space<vmem>> -> memref<128x128xf32, #tpu.memory_space<vmem>>
      tpu.enqueue_dma source(%dma_start3A_552 : memref<128x128xf32, #tpu.memory_space<vmem>>) target(%dma_start3A_548 : memref<128x128xf32, #tpu.memory_space<hbm>>) target_semaphore(%run_scoped3A_540 : memref<!tpu.dma_semaphore, #tpu.memory_space<semaphore_mem>>)
      %dma_wait3A_553 = arith.constant 0 : i32
      %dma_wait3A_554 = arith.constant 0 : i32
      %dma_wait3A_555 = tpu.memref_slice %arg6[%run_scoped3A_119, %dma_wait3A_553, %dma_wait3A_554] : memref<2x128x128xf32, #tpu.memory_space<vmem>> -> memref<1x128x128xf32, #tpu.memory_space<vmem>>
      %dma_wait3A_556 = tpu.memref_squeeze %dma_wait3A_555 : memref<1x128x128xf32, #tpu.memory_space<vmem>> -> memref<128x128xf32, #tpu.memory_space<vmem>>
      %dma_wait3A_557 = arith.constant 0 : i32
      %dma_wait3A_558 = tpu.memref_slice %arg4[%add3A_118, %dma_wait3A_557] : memref<81920x128xf32, #tpu.memory_space<hbm>> -> memref<128x128xf32, #tpu.memory_space<hbm>>
      %dma_wait3A_559 = arith.constant 0 : i32
      %dma_wait3A_560 = tpu.memref_slice %arg4[%add3A_118, %dma_wait3A_559] : memref<81920x128xf32, #tpu.memory_space<hbm>> -> memref<128x128xf32, #tpu.memory_space<hbm>>
      %dma_wait3A_561 = arith.constant 0 : i32
      %dma_wait3A_562 = arith.constant 0 : i32
      %dma_wait3A_563 = tpu.memref_slice %arg6[%run_scoped3A_119, %dma_wait3A_561, %dma_wait3A_562] : memref<2x128x128xf32, #tpu.memory_space<vmem>> -> memref<1x128x128xf32, #tpu.memory_space<vmem>>
      %dma_wait3A_564 = tpu.memref_squeeze %dma_wait3A_563 : memref<1x128x128xf32, #tpu.memory_space<vmem>> -> memref<128x128xf32, #tpu.memory_space<vmem>>
      tpu.wait_dma2 semaphore(%run_scoped3A_540 : memref<!tpu.dma_semaphore, #tpu.memory_space<semaphore_mem>>) src(%dma_wait3A_564 : memref<128x128xf32, #tpu.memory_space<vmem>>) dst(%dma_wait3A_560 : memref<128x128xf32, #tpu.memory_space<hbm>>)
      tpu.yield
    }) : () -> ()
    %dma_start3A_120 = arith.constant 5 : i32
    %dma_start3A_121 = arith.constant 1 : i32
    %dma_start3A_122 = arith.constant 0 : i32
    %dma_start3A_123 = arith.constant 0 : i32
    %dma_start3A_124 = tpu.memref_slice %arg6[%dma_start3A_121, %dma_start3A_122, %dma_start3A_123] : memref<2x128x128xf32, #tpu.memory_space<vmem>> -> memref<1x128x128xf32, #tpu.memory_space<vmem>>
    %dma_start3A_125 = tpu.memref_squeeze %dma_start3A_124 : memref<1x128x128xf32, #tpu.memory_space<vmem>> -> memref<128x128xf32, #tpu.memory_space<vmem>>
    %dma_start3A_126 = arith.constant 0 : i32
    %dma_start3A_127 = tpu.memref_slice %arg5[%dma_start3A_120, %dma_start3A_126] : memref<20x128xi32, #tpu.memory_space<vmem>> -> memref<1x128xi32, #tpu.memory_space<vmem>>
    %dma_start3A_128 = tpu.memref_squeeze %dma_start3A_127 : memref<1x128xi32, #tpu.memory_space<vmem>> -> memref<128xi32, #tpu.memory_space<vmem>>
    %dma_start3A_129 = arith.constant 0 : i32
    %dma_start3A_130 = arith.constant 0 : i32
    %dma_start3A_131 = tpu.memref_slice %arg2[%dma_start3A_129, %dma_start3A_130] : memref<10000x128xf32, #tpu.memory_space<hbm>> -> memref<10000x128xf32, #tpu.memory_space<hbm>>
    tpu.enqueue_indirect_dma source(%dma_start3A_131 : memref<10000x128xf32, #tpu.memory_space<hbm>>) target(%dma_start3A_125 : memref<128x128xf32, #tpu.memory_space<vmem>>) offsets(%dma_start3A_128 : memref<128xi32, #tpu.memory_space<vmem>>) semaphore(%arg8 : memref<!tpu.dma_semaphore, #tpu.memory_space<semaphore_mem>>)
    %dma_wait3A_132 = arith.constant 4 : i32
    %dma_wait3A_133 = arith.constant 0 : i32
    %dma_wait3A_134 = arith.constant 0 : i32
    %dma_wait3A_135 = arith.constant 0 : i32
    %dma_wait3A_136 = tpu.memref_slice %arg6[%dma_wait3A_133, %dma_wait3A_134, %dma_wait3A_135] : memref<2x128x128xf32, #tpu.memory_space<vmem>> -> memref<1x128x128xf32, #tpu.memory_space<vmem>>
    %dma_wait3A_137 = tpu.memref_squeeze %dma_wait3A_136 : memref<1x128x128xf32, #tpu.memory_space<vmem>> -> memref<128x128xf32, #tpu.memory_space<vmem>>
    %dma_wait3A_138 = arith.constant 0 : i32
    %dma_wait3A_139 = tpu.memref_slice %arg5[%dma_wait3A_132, %dma_wait3A_138] : memref<20x128xi32, #tpu.memory_space<vmem>> -> memref<1x128xi32, #tpu.memory_space<vmem>>
    %dma_wait3A_140 = tpu.memref_squeeze %dma_wait3A_139 : memref<1x128xi32, #tpu.memory_space<vmem>> -> memref<128xi32, #tpu.memory_space<vmem>>
    %dma_wait3A_141 = arith.constant 0 : i32
    %dma_wait3A_142 = arith.constant 0 : i32
    %dma_wait3A_143 = tpu.memref_slice %arg2[%dma_wait3A_141, %dma_wait3A_142] : memref<10000x128xf32, #tpu.memory_space<hbm>> -> memref<10000x128xf32, #tpu.memory_space<hbm>>
    tpu.wait_indirect_dma semaphore(%arg7 : memref<!tpu.dma_semaphore, #tpu.memory_space<semaphore_mem>>) src(%dma_wait3A_143 : memref<10000x128xf32, #tpu.memory_space<hbm>>) dst(%dma_wait3A_137 : memref<128x128xf32, #tpu.memory_space<vmem>>)
    %add3A_144 = arith.constant 512 : i32
    %add3A_145 = arith.addi %mul3A_2, %add3A_144 : i32
    %run_scoped3A_146 = arith.constant 0 : i32
    "tpu.region"() ({
      %run_scoped3A_540 = tpu.sem_alloc : memref<!tpu.dma_semaphore, #tpu.memory_space<semaphore_mem>>
      %dma_start3A_541 = arith.constant 0 : i32
      %dma_start3A_542 = arith.constant 0 : i32
      %dma_start3A_543 = tpu.memref_slice %arg6[%run_scoped3A_146, %dma_start3A_541, %dma_start3A_542] : memref<2x128x128xf32, #tpu.memory_space<vmem>> -> memref<1x128x128xf32, #tpu.memory_space<vmem>>
      %dma_start3A_544 = tpu.memref_squeeze %dma_start3A_543 : memref<1x128x128xf32, #tpu.memory_space<vmem>> -> memref<128x128xf32, #tpu.memory_space<vmem>>
      %dma_start3A_545 = arith.constant 0 : i32
      %dma_start3A_546 = tpu.memref_slice %arg4[%add3A_145, %dma_start3A_545] : memref<81920x128xf32, #tpu.memory_space<hbm>> -> memref<128x128xf32, #tpu.memory_space<hbm>>
      %dma_start3A_547 = arith.constant 0 : i32
      %dma_start3A_548 = tpu.memref_slice %arg4[%add3A_145, %dma_start3A_547] : memref<81920x128xf32, #tpu.memory_space<hbm>> -> memref<128x128xf32, #tpu.memory_space<hbm>>
      %dma_start3A_549 = arith.constant 0 : i32
      %dma_start3A_550 = arith.constant 0 : i32
      %dma_start3A_551 = tpu.memref_slice %arg6[%run_scoped3A_146, %dma_start3A_549, %dma_start3A_550] : memref<2x128x128xf32, #tpu.memory_space<vmem>> -> memref<1x128x128xf32, #tpu.memory_space<vmem>>
      %dma_start3A_552 = tpu.memref_squeeze %dma_start3A_551 : memref<1x128x128xf32, #tpu.memory_space<vmem>> -> memref<128x128xf32, #tpu.memory_space<vmem>>
      tpu.enqueue_dma source(%dma_start3A_552 : memref<128x128xf32, #tpu.memory_space<vmem>>) target(%dma_start3A_548 : memref<128x128xf32, #tpu.memory_space<hbm>>) target_semaphore(%run_scoped3A_540 : memref<!tpu.dma_semaphore, #tpu.memory_space<semaphore_mem>>)
      %dma_wait3A_553 = arith.constant 0 : i32
      %dma_wait3A_554 = arith.constant 0 : i32
      %dma_wait3A_555 = tpu.memref_slice %arg6[%run_scoped3A_146, %dma_wait3A_553, %dma_wait3A_554] : memref<2x128x128xf32, #tpu.memory_space<vmem>> -> memref<1x128x128xf32, #tpu.memory_space<vmem>>
      %dma_wait3A_556 = tpu.memref_squeeze %dma_wait3A_555 : memref<1x128x128xf32, #tpu.memory_space<vmem>> -> memref<128x128xf32, #tpu.memory_space<vmem>>
      %dma_wait3A_557 = arith.constant 0 : i32
      %dma_wait3A_558 = tpu.memref_slice %arg4[%add3A_145, %dma_wait3A_557] : memref<81920x128xf32, #tpu.memory_space<hbm>> -> memref<128x128xf32, #tpu.memory_space<hbm>>
      %dma_wait3A_559 = arith.constant 0 : i32
      %dma_wait3A_560 = tpu.memref_slice %arg4[%add3A_145, %dma_wait3A_559] : memref<81920x128xf32, #tpu.memory_space<hbm>> -> memref<128x128xf32, #tpu.memory_space<hbm>>
      %dma_wait3A_561 = arith.constant 0 : i32
      %dma_wait3A_562 = arith.constant 0 : i32
      %dma_wait3A_563 = tpu.memref_slice %arg6[%run_scoped3A_146, %dma_wait3A_561, %dma_wait3A_562] : memref<2x128x128xf32, #tpu.memory_space<vmem>> -> memref<1x128x128xf32, #tpu.memory_space<vmem>>
      %dma_wait3A_564 = tpu.memref_squeeze %dma_wait3A_563 : memref<1x128x128xf32, #tpu.memory_space<vmem>> -> memref<128x128xf32, #tpu.memory_space<vmem>>
      tpu.wait_dma2 semaphore(%run_scoped3A_540 : memref<!tpu.dma_semaphore, #tpu.memory_space<semaphore_mem>>) src(%dma_wait3A_564 : memref<128x128xf32, #tpu.memory_space<vmem>>) dst(%dma_wait3A_560 : memref<128x128xf32, #tpu.memory_space<hbm>>)
      tpu.yield
    }) : () -> ()
    %dma_start3A_147 = arith.constant 6 : i32
    %dma_start3A_148 = arith.constant 0 : i32
    %dma_start3A_149 = arith.constant 0 : i32
    %dma_start3A_150 = arith.constant 0 : i32
    %dma_start3A_151 = tpu.memref_slice %arg6[%dma_start3A_148, %dma_start3A_149, %dma_start3A_150] : memref<2x128x128xf32, #tpu.memory_space<vmem>> -> memref<1x128x128xf32, #tpu.memory_space<vmem>>
    %dma_start3A_152 = tpu.memref_squeeze %dma_start3A_151 : memref<1x128x128xf32, #tpu.memory_space<vmem>> -> memref<128x128xf32, #tpu.memory_space<vmem>>
    %dma_start3A_153 = arith.constant 0 : i32
    %dma_start3A_154 = tpu.memref_slice %arg5[%dma_start3A_147, %dma_start3A_153] : memref<20x128xi32, #tpu.memory_space<vmem>> -> memref<1x128xi32, #tpu.memory_space<vmem>>
    %dma_start3A_155 = tpu.memref_squeeze %dma_start3A_154 : memref<1x128xi32, #tpu.memory_space<vmem>> -> memref<128xi32, #tpu.memory_space<vmem>>
    %dma_start3A_156 = arith.constant 0 : i32
    %dma_start3A_157 = arith.constant 0 : i32
    %dma_start3A_158 = tpu.memref_slice %arg2[%dma_start3A_156, %dma_start3A_157] : memref<10000x128xf32, #tpu.memory_space<hbm>> -> memref<10000x128xf32, #tpu.memory_space<hbm>>
    tpu.enqueue_indirect_dma source(%dma_start3A_158 : memref<10000x128xf32, #tpu.memory_space<hbm>>) target(%dma_start3A_152 : memref<128x128xf32, #tpu.memory_space<vmem>>) offsets(%dma_start3A_155 : memref<128xi32, #tpu.memory_space<vmem>>) semaphore(%arg7 : memref<!tpu.dma_semaphore, #tpu.memory_space<semaphore_mem>>)
    %dma_wait3A_159 = arith.constant 5 : i32
    %dma_wait3A_160 = arith.constant 1 : i32
    %dma_wait3A_161 = arith.constant 0 : i32
    %dma_wait3A_162 = arith.constant 0 : i32
    %dma_wait3A_163 = tpu.memref_slice %arg6[%dma_wait3A_160, %dma_wait3A_161, %dma_wait3A_162] : memref<2x128x128xf32, #tpu.memory_space<vmem>> -> memref<1x128x128xf32, #tpu.memory_space<vmem>>
    %dma_wait3A_164 = tpu.memref_squeeze %dma_wait3A_163 : memref<1x128x128xf32, #tpu.memory_space<vmem>> -> memref<128x128xf32, #tpu.memory_space<vmem>>
    %dma_wait3A_165 = arith.constant 0 : i32
    %dma_wait3A_166 = tpu.memref_slice %arg5[%dma_wait3A_159, %dma_wait3A_165] : memref<20x128xi32, #tpu.memory_space<vmem>> -> memref<1x128xi32, #tpu.memory_space<vmem>>
    %dma_wait3A_167 = tpu.memref_squeeze %dma_wait3A_166 : memref<1x128xi32, #tpu.memory_space<vmem>> -> memref<128xi32, #tpu.memory_space<vmem>>
    %dma_wait3A_168 = arith.constant 0 : i32
    %dma_wait3A_169 = arith.constant 0 : i32
    %dma_wait3A_170 = tpu.memref_slice %arg2[%dma_wait3A_168, %dma_wait3A_169] : memref<10000x128xf32, #tpu.memory_space<hbm>> -> memref<10000x128xf32, #tpu.memory_space<hbm>>
    tpu.wait_indirect_dma semaphore(%arg8 : memref<!tpu.dma_semaphore, #tpu.memory_space<semaphore_mem>>) src(%dma_wait3A_170 : memref<10000x128xf32, #tpu.memory_space<hbm>>) dst(%dma_wait3A_164 : memref<128x128xf32, #tpu.memory_space<vmem>>)
    %add3A_171 = arith.constant 640 : i32
    %add3A_172 = arith.addi %mul3A_2, %add3A_171 : i32
    %run_scoped3A_173 = arith.constant 1 : i32
    "tpu.region"() ({
      %run_scoped3A_540 = tpu.sem_alloc : memref<!tpu.dma_semaphore, #tpu.memory_space<semaphore_mem>>
      %dma_start3A_541 = arith.constant 0 : i32
      %dma_start3A_542 = arith.constant 0 : i32
      %dma_start3A_543 = tpu.memref_slice %arg6[%run_scoped3A_173, %dma_start3A_541, %dma_start3A_542] : memref<2x128x128xf32, #tpu.memory_space<vmem>> -> memref<1x128x128xf32, #tpu.memory_space<vmem>>
      %dma_start3A_544 = tpu.memref_squeeze %dma_start3A_543 : memref<1x128x128xf32, #tpu.memory_space<vmem>> -> memref<128x128xf32, #tpu.memory_space<vmem>>
      %dma_start3A_545 = arith.constant 0 : i32
      %dma_start3A_546 = tpu.memref_slice %arg4[%add3A_172, %dma_start3A_545] : memref<81920x128xf32, #tpu.memory_space<hbm>> -> memref<128x128xf32, #tpu.memory_space<hbm>>
      %dma_start3A_547 = arith.constant 0 : i32
      %dma_start3A_548 = tpu.memref_slice %arg4[%add3A_172, %dma_start3A_547] : memref<81920x128xf32, #tpu.memory_space<hbm>> -> memref<128x128xf32, #tpu.memory_space<hbm>>
      %dma_start3A_549 = arith.constant 0 : i32
      %dma_start3A_550 = arith.constant 0 : i32
      %dma_start3A_551 = tpu.memref_slice %arg6[%run_scoped3A_173, %dma_start3A_549, %dma_start3A_550] : memref<2x128x128xf32, #tpu.memory_space<vmem>> -> memref<1x128x128xf32, #tpu.memory_space<vmem>>
      %dma_start3A_552 = tpu.memref_squeeze %dma_start3A_551 : memref<1x128x128xf32, #tpu.memory_space<vmem>> -> memref<128x128xf32, #tpu.memory_space<vmem>>
      tpu.enqueue_dma source(%dma_start3A_552 : memref<128x128xf32, #tpu.memory_space<vmem>>) target(%dma_start3A_548 : memref<128x128xf32, #tpu.memory_space<hbm>>) target_semaphore(%run_scoped3A_540 : memref<!tpu.dma_semaphore, #tpu.memory_space<semaphore_mem>>)
      %dma_wait3A_553 = arith.constant 0 : i32
      %dma_wait3A_554 = arith.constant 0 : i32
      %dma_wait3A_555 = tpu.memref_slice %arg6[%run_scoped3A_173, %dma_wait3A_553, %dma_wait3A_554] : memref<2x128x128xf32, #tpu.memory_space<vmem>> -> memref<1x128x128xf32, #tpu.memory_space<vmem>>
      %dma_wait3A_556 = tpu.memref_squeeze %dma_wait3A_555 : memref<1x128x128xf32, #tpu.memory_space<vmem>> -> memref<128x128xf32, #tpu.memory_space<vmem>>
      %dma_wait3A_557 = arith.constant 0 : i32
      %dma_wait3A_558 = tpu.memref_slice %arg4[%add3A_172, %dma_wait3A_557] : memref<81920x128xf32, #tpu.memory_space<hbm>> -> memref<128x128xf32, #tpu.memory_space<hbm>>
      %dma_wait3A_559 = arith.constant 0 : i32
      %dma_wait3A_560 = tpu.memref_slice %arg4[%add3A_172, %dma_wait3A_559] : memref<81920x128xf32, #tpu.memory_space<hbm>> -> memref<128x128xf32, #tpu.memory_space<hbm>>
      %dma_wait3A_561 = arith.constant 0 : i32
      %dma_wait3A_562 = arith.constant 0 : i32
      %dma_wait3A_563 = tpu.memref_slice %arg6[%run_scoped3A_173, %dma_wait3A_561, %dma_wait3A_562] : memref<2x128x128xf32, #tpu.memory_space<vmem>> -> memref<1x128x128xf32, #tpu.memory_space<vmem>>
      %dma_wait3A_564 = tpu.memref_squeeze %dma_wait3A_563 : memref<1x128x128xf32, #tpu.memory_space<vmem>> -> memref<128x128xf32, #tpu.memory_space<vmem>>
      tpu.wait_dma2 semaphore(%run_scoped3A_540 : memref<!tpu.dma_semaphore, #tpu.memory_space<semaphore_mem>>) src(%dma_wait3A_564 : memref<128x128xf32, #tpu.memory_space<vmem>>) dst(%dma_wait3A_560 : memref<128x128xf32, #tpu.memory_space<hbm>>)
      tpu.yield
    }) : () -> ()
    %dma_start3A_174 = arith.constant 7 : i32
    %dma_start3A_175 = arith.constant 1 : i32
    %dma_start3A_176 = arith.constant 0 : i32
    %dma_start3A_177 = arith.constant 0 : i32
    %dma_start3A_178 = tpu.memref_slice %arg6[%dma_start3A_175, %dma_start3A_176, %dma_start3A_177] : memref<2x128x128xf32, #tpu.memory_space<vmem>> -> memref<1x128x128xf32, #tpu.memory_space<vmem>>
    %dma_start3A_179 = tpu.memref_squeeze %dma_start3A_178 : memref<1x128x128xf32, #tpu.memory_space<vmem>> -> memref<128x128xf32, #tpu.memory_space<vmem>>
    %dma_start3A_180 = arith.constant 0 : i32
    %dma_start3A_181 = tpu.memref_slice %arg5[%dma_start3A_174, %dma_start3A_180] : memref<20x128xi32, #tpu.memory_space<vmem>> -> memref<1x128xi32, #tpu.memory_space<vmem>>
    %dma_start3A_182 = tpu.memref_squeeze %dma_start3A_181 : memref<1x128xi32, #tpu.memory_space<vmem>> -> memref<128xi32, #tpu.memory_space<vmem>>
    %dma_start3A_183 = arith.constant 0 : i32
    %dma_start3A_184 = arith.constant 0 : i32
    %dma_start3A_185 = tpu.memref_slice %arg2[%dma_start3A_183, %dma_start3A_184] : memref<10000x128xf32, #tpu.memory_space<hbm>> -> memref<10000x128xf32, #tpu.memory_space<hbm>>
    tpu.enqueue_indirect_dma source(%dma_start3A_185 : memref<10000x128xf32, #tpu.memory_space<hbm>>) target(%dma_start3A_179 : memref<128x128xf32, #tpu.memory_space<vmem>>) offsets(%dma_start3A_182 : memref<128xi32, #tpu.memory_space<vmem>>) semaphore(%arg8 : memref<!tpu.dma_semaphore, #tpu.memory_space<semaphore_mem>>)
    %dma_wait3A_186 = arith.constant 6 : i32
    %dma_wait3A_187 = arith.constant 0 : i32
    %dma_wait3A_188 = arith.constant 0 : i32
    %dma_wait3A_189 = arith.constant 0 : i32
    %dma_wait3A_190 = tpu.memref_slice %arg6[%dma_wait3A_187, %dma_wait3A_188, %dma_wait3A_189] : memref<2x128x128xf32, #tpu.memory_space<vmem>> -> memref<1x128x128xf32, #tpu.memory_space<vmem>>
    %dma_wait3A_191 = tpu.memref_squeeze %dma_wait3A_190 : memref<1x128x128xf32, #tpu.memory_space<vmem>> -> memref<128x128xf32, #tpu.memory_space<vmem>>
    %dma_wait3A_192 = arith.constant 0 : i32
    %dma_wait3A_193 = tpu.memref_slice %arg5[%dma_wait3A_186, %dma_wait3A_192] : memref<20x128xi32, #tpu.memory_space<vmem>> -> memref<1x128xi32, #tpu.memory_space<vmem>>
    %dma_wait3A_194 = tpu.memref_squeeze %dma_wait3A_193 : memref<1x128xi32, #tpu.memory_space<vmem>> -> memref<128xi32, #tpu.memory_space<vmem>>
    %dma_wait3A_195 = arith.constant 0 : i32
    %dma_wait3A_196 = arith.constant 0 : i32
    %dma_wait3A_197 = tpu.memref_slice %arg2[%dma_wait3A_195, %dma_wait3A_196] : memref<10000x128xf32, #tpu.memory_space<hbm>> -> memref<10000x128xf32, #tpu.memory_space<hbm>>
    tpu.wait_indirect_dma semaphore(%arg7 : memref<!tpu.dma_semaphore, #tpu.memory_space<semaphore_mem>>) src(%dma_wait3A_197 : memref<10000x128xf32, #tpu.memory_space<hbm>>) dst(%dma_wait3A_191 : memref<128x128xf32, #tpu.memory_space<vmem>>)
    %add3A_198 = arith.constant 768 : i32
    %add3A_199 = arith.addi %mul3A_2, %add3A_198 : i32
    %run_scoped3A_200 = arith.constant 0 : i32
    "tpu.region"() ({
      %run_scoped3A_540 = tpu.sem_alloc : memref<!tpu.dma_semaphore, #tpu.memory_space<semaphore_mem>>
      %dma_start3A_541 = arith.constant 0 : i32
      %dma_start3A_542 = arith.constant 0 : i32
      %dma_start3A_543 = tpu.memref_slice %arg6[%run_scoped3A_200, %dma_start3A_541, %dma_start3A_542] : memref<2x128x128xf32, #tpu.memory_space<vmem>> -> memref<1x128x128xf32, #tpu.memory_space<vmem>>
      %dma_start3A_544 = tpu.memref_squeeze %dma_start3A_543 : memref<1x128x128xf32, #tpu.memory_space<vmem>> -> memref<128x128xf32, #tpu.memory_space<vmem>>
      %dma_start3A_545 = arith.constant 0 : i32
      %dma_start3A_546 = tpu.memref_slice %arg4[%add3A_199, %dma_start3A_545] : memref<81920x128xf32, #tpu.memory_space<hbm>> -> memref<128x128xf32, #tpu.memory_space<hbm>>
      %dma_start3A_547 = arith.constant 0 : i32
      %dma_start3A_548 = tpu.memref_slice %arg4[%add3A_199, %dma_start3A_547] : memref<81920x128xf32, #tpu.memory_space<hbm>> -> memref<128x128xf32, #tpu.memory_space<hbm>>
      %dma_start3A_549 = arith.constant 0 : i32
      %dma_start3A_550 = arith.constant 0 : i32
      %dma_start3A_551 = tpu.memref_slice %arg6[%run_scoped3A_200, %dma_start3A_549, %dma_start3A_550] : memref<2x128x128xf32, #tpu.memory_space<vmem>> -> memref<1x128x128xf32, #tpu.memory_space<vmem>>
      %dma_start3A_552 = tpu.memref_squeeze %dma_start3A_551 : memref<1x128x128xf32, #tpu.memory_space<vmem>> -> memref<128x128xf32, #tpu.memory_space<vmem>>
      tpu.enqueue_dma source(%dma_start3A_552 : memref<128x128xf32, #tpu.memory_space<vmem>>) target(%dma_start3A_548 : memref<128x128xf32, #tpu.memory_space<hbm>>) target_semaphore(%run_scoped3A_540 : memref<!tpu.dma_semaphore, #tpu.memory_space<semaphore_mem>>)
      %dma_wait3A_553 = arith.constant 0 : i32
      %dma_wait3A_554 = arith.constant 0 : i32
      %dma_wait3A_555 = tpu.memref_slice %arg6[%run_scoped3A_200, %dma_wait3A_553, %dma_wait3A_554] : memref<2x128x128xf32, #tpu.memory_space<vmem>> -> memref<1x128x128xf32, #tpu.memory_space<vmem>>
      %dma_wait3A_556 = tpu.memref_squeeze %dma_wait3A_555 : memref<1x128x128xf32, #tpu.memory_space<vmem>> -> memref<128x128xf32, #tpu.memory_space<vmem>>
      %dma_wait3A_557 = arith.constant 0 : i32
      %dma_wait3A_558 = tpu.memref_slice %arg4[%add3A_199, %dma_wait3A_557] : memref<81920x128xf32, #tpu.memory_space<hbm>> -> memref<128x128xf32, #tpu.memory_space<hbm>>
      %dma_wait3A_559 = arith.constant 0 : i32
      %dma_wait3A_560 = tpu.memref_slice %arg4[%add3A_199, %dma_wait3A_559] : memref<81920x128xf32, #tpu.memory_space<hbm>> -> memref<128x128xf32, #tpu.memory_space<hbm>>
      %dma_wait3A_561 = arith.constant 0 : i32
      %dma_wait3A_562 = arith.constant 0 : i32
      %dma_wait3A_563 = tpu.memref_slice %arg6[%run_scoped3A_200, %dma_wait3A_561, %dma_wait3A_562] : memref<2x128x128xf32, #tpu.memory_space<vmem>> -> memref<1x128x128xf32, #tpu.memory_space<vmem>>
      %dma_wait3A_564 = tpu.memref_squeeze %dma_wait3A_563 : memref<1x128x128xf32, #tpu.memory_space<vmem>> -> memref<128x128xf32, #tpu.memory_space<vmem>>
      tpu.wait_dma2 semaphore(%run_scoped3A_540 : memref<!tpu.dma_semaphore, #tpu.memory_space<semaphore_mem>>) src(%dma_wait3A_564 : memref<128x128xf32, #tpu.memory_space<vmem>>) dst(%dma_wait3A_560 : memref<128x128xf32, #tpu.memory_space<hbm>>)
      tpu.yield
    }) : () -> ()
    %dma_start3A_201 = arith.constant 8 : i32
    %dma_start3A_202 = arith.constant 0 : i32
    %dma_start3A_203 = arith.constant 0 : i32
    %dma_start3A_204 = arith.constant 0 : i32
    %dma_start3A_205 = tpu.memref_slice %arg6[%dma_start3A_202, %dma_start3A_203, %dma_start3A_204] : memref<2x128x128xf32, #tpu.memory_space<vmem>> -> memref<1x128x128xf32, #tpu.memory_space<vmem>>
    %dma_start3A_206 = tpu.memref_squeeze %dma_start3A_205 : memref<1x128x128xf32, #tpu.memory_space<vmem>> -> memref<128x128xf32, #tpu.memory_space<vmem>>
    %dma_start3A_207 = arith.constant 0 : i32
    %dma_start3A_208 = tpu.memref_slice %arg5[%dma_start3A_201, %dma_start3A_207] : memref<20x128xi32, #tpu.memory_space<vmem>> -> memref<1x128xi32, #tpu.memory_space<vmem>>
    %dma_start3A_209 = tpu.memref_squeeze %dma_start3A_208 : memref<1x128xi32, #tpu.memory_space<vmem>> -> memref<128xi32, #tpu.memory_space<vmem>>
    %dma_start3A_210 = arith.constant 0 : i32
    %dma_start3A_211 = arith.constant 0 : i32
    %dma_start3A_212 = tpu.memref_slice %arg2[%dma_start3A_210, %dma_start3A_211] : memref<10000x128xf32, #tpu.memory_space<hbm>> -> memref<10000x128xf32, #tpu.memory_space<hbm>>
    tpu.enqueue_indirect_dma source(%dma_start3A_212 : memref<10000x128xf32, #tpu.memory_space<hbm>>) target(%dma_start3A_206 : memref<128x128xf32, #tpu.memory_space<vmem>>) offsets(%dma_start3A_209 : memref<128xi32, #tpu.memory_space<vmem>>) semaphore(%arg7 : memref<!tpu.dma_semaphore, #tpu.memory_space<semaphore_mem>>)
    %dma_wait3A_213 = arith.constant 7 : i32
    %dma_wait3A_214 = arith.constant 1 : i32
    %dma_wait3A_215 = arith.constant 0 : i32
    %dma_wait3A_216 = arith.constant 0 : i32
    %dma_wait3A_217 = tpu.memref_slice %arg6[%dma_wait3A_214, %dma_wait3A_215, %dma_wait3A_216] : memref<2x128x128xf32, #tpu.memory_space<vmem>> -> memref<1x128x128xf32, #tpu.memory_space<vmem>>
    %dma_wait3A_218 = tpu.memref_squeeze %dma_wait3A_217 : memref<1x128x128xf32, #tpu.memory_space<vmem>> -> memref<128x128xf32, #tpu.memory_space<vmem>>
    %dma_wait3A_219 = arith.constant 0 : i32
    %dma_wait3A_220 = tpu.memref_slice %arg5[%dma_wait3A_213, %dma_wait3A_219] : memref<20x128xi32, #tpu.memory_space<vmem>> -> memref<1x128xi32, #tpu.memory_space<vmem>>
    %dma_wait3A_221 = tpu.memref_squeeze %dma_wait3A_220 : memref<1x128xi32, #tpu.memory_space<vmem>> -> memref<128xi32, #tpu.memory_space<vmem>>
    %dma_wait3A_222 = arith.constant 0 : i32
    %dma_wait3A_223 = arith.constant 0 : i32
    %dma_wait3A_224 = tpu.memref_slice %arg2[%dma_wait3A_222, %dma_wait3A_223] : memref<10000x128xf32, #tpu.memory_space<hbm>> -> memref<10000x128xf32, #tpu.memory_space<hbm>>
    tpu.wait_indirect_dma semaphore(%arg8 : memref<!tpu.dma_semaphore, #tpu.memory_space<semaphore_mem>>) src(%dma_wait3A_224 : memref<10000x128xf32, #tpu.memory_space<hbm>>) dst(%dma_wait3A_218 : memref<128x128xf32, #tpu.memory_space<vmem>>)
    %add3A_225 = arith.constant 896 : i32
    %add3A_226 = arith.addi %mul3A_2, %add3A_225 : i32
    %run_scoped3A_227 = arith.constant 1 : i32
    "tpu.region"() ({
      %run_scoped3A_540 = tpu.sem_alloc : memref<!tpu.dma_semaphore, #tpu.memory_space<semaphore_mem>>
      %dma_start3A_541 = arith.constant 0 : i32
      %dma_start3A_542 = arith.constant 0 : i32
      %dma_start3A_543 = tpu.memref_slice %arg6[%run_scoped3A_227, %dma_start3A_541, %dma_start3A_542] : memref<2x128x128xf32, #tpu.memory_space<vmem>> -> memref<1x128x128xf32, #tpu.memory_space<vmem>>
      %dma_start3A_544 = tpu.memref_squeeze %dma_start3A_543 : memref<1x128x128xf32, #tpu.memory_space<vmem>> -> memref<128x128xf32, #tpu.memory_space<vmem>>
      %dma_start3A_545 = arith.constant 0 : i32
      %dma_start3A_546 = tpu.memref_slice %arg4[%add3A_226, %dma_start3A_545] : memref<81920x128xf32, #tpu.memory_space<hbm>> -> memref<128x128xf32, #tpu.memory_space<hbm>>
      %dma_start3A_547 = arith.constant 0 : i32
      %dma_start3A_548 = tpu.memref_slice %arg4[%add3A_226, %dma_start3A_547] : memref<81920x128xf32, #tpu.memory_space<hbm>> -> memref<128x128xf32, #tpu.memory_space<hbm>>
      %dma_start3A_549 = arith.constant 0 : i32
      %dma_start3A_550 = arith.constant 0 : i32
      %dma_start3A_551 = tpu.memref_slice %arg6[%run_scoped3A_227, %dma_start3A_549, %dma_start3A_550] : memref<2x128x128xf32, #tpu.memory_space<vmem>> -> memref<1x128x128xf32, #tpu.memory_space<vmem>>
      %dma_start3A_552 = tpu.memref_squeeze %dma_start3A_551 : memref<1x128x128xf32, #tpu.memory_space<vmem>> -> memref<128x128xf32, #tpu.memory_space<vmem>>
      tpu.enqueue_dma source(%dma_start3A_552 : memref<128x128xf32, #tpu.memory_space<vmem>>) target(%dma_start3A_548 : memref<128x128xf32, #tpu.memory_space<hbm>>) target_semaphore(%run_scoped3A_540 : memref<!tpu.dma_semaphore, #tpu.memory_space<semaphore_mem>>)
      %dma_wait3A_553 = arith.constant 0 : i32
      %dma_wait3A_554 = arith.constant 0 : i32
      %dma_wait3A_555 = tpu.memref_slice %arg6[%run_scoped3A_227, %dma_wait3A_553, %dma_wait3A_554] : memref<2x128x128xf32, #tpu.memory_space<vmem>> -> memref<1x128x128xf32, #tpu.memory_space<vmem>>
      %dma_wait3A_556 = tpu.memref_squeeze %dma_wait3A_555 : memref<1x128x128xf32, #tpu.memory_space<vmem>> -> memref<128x128xf32, #tpu.memory_space<vmem>>
      %dma_wait3A_557 = arith.constant 0 : i32
      %dma_wait3A_558 = tpu.memref_slice %arg4[%add3A_226, %dma_wait3A_557] : memref<81920x128xf32, #tpu.memory_space<hbm>> -> memref<128x128xf32, #tpu.memory_space<hbm>>
      %dma_wait3A_559 = arith.constant 0 : i32
      %dma_wait3A_560 = tpu.memref_slice %arg4[%add3A_226, %dma_wait3A_559] : memref<81920x128xf32, #tpu.memory_space<hbm>> -> memref<128x128xf32, #tpu.memory_space<hbm>>
      %dma_wait3A_561 = arith.constant 0 : i32
      %dma_wait3A_562 = arith.constant 0 : i32
      %dma_wait3A_563 = tpu.memref_slice %arg6[%run_scoped3A_227, %dma_wait3A_561, %dma_wait3A_562] : memref<2x128x128xf32, #tpu.memory_space<vmem>> -> memref<1x128x128xf32, #tpu.memory_space<vmem>>
      %dma_wait3A_564 = tpu.memref_squeeze %dma_wait3A_563 : memref<1x128x128xf32, #tpu.memory_space<vmem>> -> memref<128x128xf32, #tpu.memory_space<vmem>>
      tpu.wait_dma2 semaphore(%run_scoped3A_540 : memref<!tpu.dma_semaphore, #tpu.memory_space<semaphore_mem>>) src(%dma_wait3A_564 : memref<128x128xf32, #tpu.memory_space<vmem>>) dst(%dma_wait3A_560 : memref<128x128xf32, #tpu.memory_space<hbm>>)
      tpu.yield
    }) : () -> ()
    %dma_start3A_228 = arith.constant 9 : i32
    %dma_start3A_229 = arith.constant 1 : i32
    %dma_start3A_230 = arith.constant 0 : i32
    %dma_start3A_231 = arith.constant 0 : i32
    %dma_start3A_232 = tpu.memref_slice %arg6[%dma_start3A_229, %dma_start3A_230, %dma_start3A_231] : memref<2x128x128xf32, #tpu.memory_space<vmem>> -> memref<1x128x128xf32, #tpu.memory_space<vmem>>
    %dma_start3A_233 = tpu.memref_squeeze %dma_start3A_232 : memref<1x128x128xf32, #tpu.memory_space<vmem>> -> memref<128x128xf32, #tpu.memory_space<vmem>>
    %dma_start3A_234 = arith.constant 0 : i32
    %dma_start3A_235 = tpu.memref_slice %arg5[%dma_start3A_228, %dma_start3A_234] : memref<20x128xi32, #tpu.memory_space<vmem>> -> memref<1x128xi32, #tpu.memory_space<vmem>>
    %dma_start3A_236 = tpu.memref_squeeze %dma_start3A_235 : memref<1x128xi32, #tpu.memory_space<vmem>> -> memref<128xi32, #tpu.memory_space<vmem>>
    %dma_start3A_237 = arith.constant 0 : i32
    %dma_start3A_238 = arith.constant 0 : i32
    %dma_start3A_239 = tpu.memref_slice %arg2[%dma_start3A_237, %dma_start3A_238] : memref<10000x128xf32, #tpu.memory_space<hbm>> -> memref<10000x128xf32, #tpu.memory_space<hbm>>
    tpu.enqueue_indirect_dma source(%dma_start3A_239 : memref<10000x128xf32, #tpu.memory_space<hbm>>) target(%dma_start3A_233 : memref<128x128xf32, #tpu.memory_space<vmem>>) offsets(%dma_start3A_236 : memref<128xi32, #tpu.memory_space<vmem>>) semaphore(%arg8 : memref<!tpu.dma_semaphore, #tpu.memory_space<semaphore_mem>>)
    %dma_wait3A_240 = arith.constant 8 : i32
    %dma_wait3A_241 = arith.constant 0 : i32
    %dma_wait3A_242 = arith.constant 0 : i32
    %dma_wait3A_243 = arith.constant 0 : i32
    %dma_wait3A_244 = tpu.memref_slice %arg6[%dma_wait3A_241, %dma_wait3A_242, %dma_wait3A_243] : memref<2x128x128xf32, #tpu.memory_space<vmem>> -> memref<1x128x128xf32, #tpu.memory_space<vmem>>
    %dma_wait3A_245 = tpu.memref_squeeze %dma_wait3A_244 : memref<1x128x128xf32, #tpu.memory_space<vmem>> -> memref<128x128xf32, #tpu.memory_space<vmem>>
    %dma_wait3A_246 = arith.constant 0 : i32
    %dma_wait3A_247 = tpu.memref_slice %arg5[%dma_wait3A_240, %dma_wait3A_246] : memref<20x128xi32, #tpu.memory_space<vmem>> -> memref<1x128xi32, #tpu.memory_space<vmem>>
    %dma_wait3A_248 = tpu.memref_squeeze %dma_wait3A_247 : memref<1x128xi32, #tpu.memory_space<vmem>> -> memref<128xi32, #tpu.memory_space<vmem>>
    %dma_wait3A_249 = arith.constant 0 : i32
    %dma_wait3A_250 = arith.constant 0 : i32
    %dma_wait3A_251 = tpu.memref_slice %arg2[%dma_wait3A_249, %dma_wait3A_250] : memref<10000x128xf32, #tpu.memory_space<hbm>> -> memref<10000x128xf32, #tpu.memory_space<hbm>>
    tpu.wait_indirect_dma semaphore(%arg7 : memref<!tpu.dma_semaphore, #tpu.memory_space<semaphore_mem>>) src(%dma_wait3A_251 : memref<10000x128xf32, #tpu.memory_space<hbm>>) dst(%dma_wait3A_245 : memref<128x128xf32, #tpu.memory_space<vmem>>)
    %add3A_252 = arith.constant 1024 : i32
    %add3A_253 = arith.addi %mul3A_2, %add3A_252 : i32
    %run_scoped3A_254 = arith.constant 0 : i32
    "tpu.region"() ({
      %run_scoped3A_540 = tpu.sem_alloc : memref<!tpu.dma_semaphore, #tpu.memory_space<semaphore_mem>>
      %dma_start3A_541 = arith.constant 0 : i32
      %dma_start3A_542 = arith.constant 0 : i32
      %dma_start3A_543 = tpu.memref_slice %arg6[%run_scoped3A_254, %dma_start3A_541, %dma_start3A_542] : memref<2x128x128xf32, #tpu.memory_space<vmem>> -> memref<1x128x128xf32, #tpu.memory_space<vmem>>
      %dma_start3A_544 = tpu.memref_squeeze %dma_start3A_543 : memref<1x128x128xf32, #tpu.memory_space<vmem>> -> memref<128x128xf32, #tpu.memory_space<vmem>>
      %dma_start3A_545 = arith.constant 0 : i32
      %dma_start3A_546 = tpu.memref_slice %arg4[%add3A_253, %dma_start3A_545] : memref<81920x128xf32, #tpu.memory_space<hbm>> -> memref<128x128xf32, #tpu.memory_space<hbm>>
      %dma_start3A_547 = arith.constant 0 : i32
      %dma_start3A_548 = tpu.memref_slice %arg4[%add3A_253, %dma_start3A_547] : memref<81920x128xf32, #tpu.memory_space<hbm>> -> memref<128x128xf32, #tpu.memory_space<hbm>>
      %dma_start3A_549 = arith.constant 0 : i32
      %dma_start3A_550 = arith.constant 0 : i32
      %dma_start3A_551 = tpu.memref_slice %arg6[%run_scoped3A_254, %dma_start3A_549, %dma_start3A_550] : memref<2x128x128xf32, #tpu.memory_space<vmem>> -> memref<1x128x128xf32, #tpu.memory_space<vmem>>
      %dma_start3A_552 = tpu.memref_squeeze %dma_start3A_551 : memref<1x128x128xf32, #tpu.memory_space<vmem>> -> memref<128x128xf32, #tpu.memory_space<vmem>>
      tpu.enqueue_dma source(%dma_start3A_552 : memref<128x128xf32, #tpu.memory_space<vmem>>) target(%dma_start3A_548 : memref<128x128xf32, #tpu.memory_space<hbm>>) target_semaphore(%run_scoped3A_540 : memref<!tpu.dma_semaphore, #tpu.memory_space<semaphore_mem>>)
      %dma_wait3A_553 = arith.constant 0 : i32
      %dma_wait3A_554 = arith.constant 0 : i32
      %dma_wait3A_555 = tpu.memref_slice %arg6[%run_scoped3A_254, %dma_wait3A_553, %dma_wait3A_554] : memref<2x128x128xf32, #tpu.memory_space<vmem>> -> memref<1x128x128xf32, #tpu.memory_space<vmem>>
      %dma_wait3A_556 = tpu.memref_squeeze %dma_wait3A_555 : memref<1x128x128xf32, #tpu.memory_space<vmem>> -> memref<128x128xf32, #tpu.memory_space<vmem>>
      %dma_wait3A_557 = arith.constant 0 : i32
      %dma_wait3A_558 = tpu.memref_slice %arg4[%add3A_253, %dma_wait3A_557] : memref<81920x128xf32, #tpu.memory_space<hbm>> -> memref<128x128xf32, #tpu.memory_space<hbm>>
      %dma_wait3A_559 = arith.constant 0 : i32
      %dma_wait3A_560 = tpu.memref_slice %arg4[%add3A_253, %dma_wait3A_559] : memref<81920x128xf32, #tpu.memory_space<hbm>> -> memref<128x128xf32, #tpu.memory_space<hbm>>
      %dma_wait3A_561 = arith.constant 0 : i32
      %dma_wait3A_562 = arith.constant 0 : i32
      %dma_wait3A_563 = tpu.memref_slice %arg6[%run_scoped3A_254, %dma_wait3A_561, %dma_wait3A_562] : memref<2x128x128xf32, #tpu.memory_space<vmem>> -> memref<1x128x128xf32, #tpu.memory_space<vmem>>
      %dma_wait3A_564 = tpu.memref_squeeze %dma_wait3A_563 : memref<1x128x128xf32, #tpu.memory_space<vmem>> -> memref<128x128xf32, #tpu.memory_space<vmem>>
      tpu.wait_dma2 semaphore(%run_scoped3A_540 : memref<!tpu.dma_semaphore, #tpu.memory_space<semaphore_mem>>) src(%dma_wait3A_564 : memref<128x128xf32, #tpu.memory_space<vmem>>) dst(%dma_wait3A_560 : memref<128x128xf32, #tpu.memory_space<hbm>>)
      tpu.yield
    }) : () -> ()
    %dma_start3A_255 = arith.constant 10 : i32
    %dma_start3A_256 = arith.constant 0 : i32
    %dma_start3A_257 = arith.constant 0 : i32
    %dma_start3A_258 = arith.constant 0 : i32
    %dma_start3A_259 = tpu.memref_slice %arg6[%dma_start3A_256, %dma_start3A_257, %dma_start3A_258] : memref<2x128x128xf32, #tpu.memory_space<vmem>> -> memref<1x128x128xf32, #tpu.memory_space<vmem>>
    %dma_start3A_260 = tpu.memref_squeeze %dma_start3A_259 : memref<1x128x128xf32, #tpu.memory_space<vmem>> -> memref<128x128xf32, #tpu.memory_space<vmem>>
    %dma_start3A_261 = arith.constant 0 : i32
    %dma_start3A_262 = tpu.memref_slice %arg5[%dma_start3A_255, %dma_start3A_261] : memref<20x128xi32, #tpu.memory_space<vmem>> -> memref<1x128xi32, #tpu.memory_space<vmem>>
    %dma_start3A_263 = tpu.memref_squeeze %dma_start3A_262 : memref<1x128xi32, #tpu.memory_space<vmem>> -> memref<128xi32, #tpu.memory_space<vmem>>
    %dma_start3A_264 = arith.constant 0 : i32
    %dma_start3A_265 = arith.constant 0 : i32
    %dma_start3A_266 = tpu.memref_slice %arg2[%dma_start3A_264, %dma_start3A_265] : memref<10000x128xf32, #tpu.memory_space<hbm>> -> memref<10000x128xf32, #tpu.memory_space<hbm>>
    tpu.enqueue_indirect_dma source(%dma_start3A_266 : memref<10000x128xf32, #tpu.memory_space<hbm>>) target(%dma_start3A_260 : memref<128x128xf32, #tpu.memory_space<vmem>>) offsets(%dma_start3A_263 : memref<128xi32, #tpu.memory_space<vmem>>) semaphore(%arg7 : memref<!tpu.dma_semaphore, #tpu.memory_space<semaphore_mem>>)
    %dma_wait3A_267 = arith.constant 9 : i32
    %dma_wait3A_268 = arith.constant 1 : i32
    %dma_wait3A_269 = arith.constant 0 : i32
    %dma_wait3A_270 = arith.constant 0 : i32
    %dma_wait3A_271 = tpu.memref_slice %arg6[%dma_wait3A_268, %dma_wait3A_269, %dma_wait3A_270] : memref<2x128x128xf32, #tpu.memory_space<vmem>> -> memref<1x128x128xf32, #tpu.memory_space<vmem>>
    %dma_wait3A_272 = tpu.memref_squeeze %dma_wait3A_271 : memref<1x128x128xf32, #tpu.memory_space<vmem>> -> memref<128x128xf32, #tpu.memory_space<vmem>>
    %dma_wait3A_273 = arith.constant 0 : i32
    %dma_wait3A_274 = tpu.memref_slice %arg5[%dma_wait3A_267, %dma_wait3A_273] : memref<20x128xi32, #tpu.memory_space<vmem>> -> memref<1x128xi32, #tpu.memory_space<vmem>>
    %dma_wait3A_275 = tpu.memref_squeeze %dma_wait3A_274 : memref<1x128xi32, #tpu.memory_space<vmem>> -> memref<128xi32, #tpu.memory_space<vmem>>
    %dma_wait3A_276 = arith.constant 0 : i32
    %dma_wait3A_277 = arith.constant 0 : i32
    %dma_wait3A_278 = tpu.memref_slice %arg2[%dma_wait3A_276, %dma_wait3A_277] : memref<10000x128xf32, #tpu.memory_space<hbm>> -> memref<10000x128xf32, #tpu.memory_space<hbm>>
    tpu.wait_indirect_dma semaphore(%arg8 : memref<!tpu.dma_semaphore, #tpu.memory_space<semaphore_mem>>) src(%dma_wait3A_278 : memref<10000x128xf32, #tpu.memory_space<hbm>>) dst(%dma_wait3A_272 : memref<128x128xf32, #tpu.memory_space<vmem>>)
    %add3A_279 = arith.constant 1152 : i32
    %add3A_280 = arith.addi %mul3A_2, %add3A_279 : i32
    %run_scoped3A_281 = arith.constant 1 : i32
    "tpu.region"() ({
      %run_scoped3A_540 = tpu.sem_alloc : memref<!tpu.dma_semaphore, #tpu.memory_space<semaphore_mem>>
      %dma_start3A_541 = arith.constant 0 : i32
      %dma_start3A_542 = arith.constant 0 : i32
      %dma_start3A_543 = tpu.memref_slice %arg6[%run_scoped3A_281, %dma_start3A_541, %dma_start3A_542] : memref<2x128x128xf32, #tpu.memory_space<vmem>> -> memref<1x128x128xf32, #tpu.memory_space<vmem>>
      %dma_start3A_544 = tpu.memref_squeeze %dma_start3A_543 : memref<1x128x128xf32, #tpu.memory_space<vmem>> -> memref<128x128xf32, #tpu.memory_space<vmem>>
      %dma_start3A_545 = arith.constant 0 : i32
      %dma_start3A_546 = tpu.memref_slice %arg4[%add3A_280, %dma_start3A_545] : memref<81920x128xf32, #tpu.memory_space<hbm>> -> memref<128x128xf32, #tpu.memory_space<hbm>>
      %dma_start3A_547 = arith.constant 0 : i32
      %dma_start3A_548 = tpu.memref_slice %arg4[%add3A_280, %dma_start3A_547] : memref<81920x128xf32, #tpu.memory_space<hbm>> -> memref<128x128xf32, #tpu.memory_space<hbm>>
      %dma_start3A_549 = arith.constant 0 : i32
      %dma_start3A_550 = arith.constant 0 : i32
      %dma_start3A_551 = tpu.memref_slice %arg6[%run_scoped3A_281, %dma_start3A_549, %dma_start3A_550] : memref<2x128x128xf32, #tpu.memory_space<vmem>> -> memref<1x128x128xf32, #tpu.memory_space<vmem>>
      %dma_start3A_552 = tpu.memref_squeeze %dma_start3A_551 : memref<1x128x128xf32, #tpu.memory_space<vmem>> -> memref<128x128xf32, #tpu.memory_space<vmem>>
      tpu.enqueue_dma source(%dma_start3A_552 : memref<128x128xf32, #tpu.memory_space<vmem>>) target(%dma_start3A_548 : memref<128x128xf32, #tpu.memory_space<hbm>>) target_semaphore(%run_scoped3A_540 : memref<!tpu.dma_semaphore, #tpu.memory_space<semaphore_mem>>)
      %dma_wait3A_553 = arith.constant 0 : i32
      %dma_wait3A_554 = arith.constant 0 : i32
      %dma_wait3A_555 = tpu.memref_slice %arg6[%run_scoped3A_281, %dma_wait3A_553, %dma_wait3A_554] : memref<2x128x128xf32, #tpu.memory_space<vmem>> -> memref<1x128x128xf32, #tpu.memory_space<vmem>>
      %dma_wait3A_556 = tpu.memref_squeeze %dma_wait3A_555 : memref<1x128x128xf32, #tpu.memory_space<vmem>> -> memref<128x128xf32, #tpu.memory_space<vmem>>
      %dma_wait3A_557 = arith.constant 0 : i32
      %dma_wait3A_558 = tpu.memref_slice %arg4[%add3A_280, %dma_wait3A_557] : memref<81920x128xf32, #tpu.memory_space<hbm>> -> memref<128x128xf32, #tpu.memory_space<hbm>>
      %dma_wait3A_559 = arith.constant 0 : i32
      %dma_wait3A_560 = tpu.memref_slice %arg4[%add3A_280, %dma_wait3A_559] : memref<81920x128xf32, #tpu.memory_space<hbm>> -> memref<128x128xf32, #tpu.memory_space<hbm>>
      %dma_wait3A_561 = arith.constant 0 : i32
      %dma_wait3A_562 = arith.constant 0 : i32
      %dma_wait3A_563 = tpu.memref_slice %arg6[%run_scoped3A_281, %dma_wait3A_561, %dma_wait3A_562] : memref<2x128x128xf32, #tpu.memory_space<vmem>> -> memref<1x128x128xf32, #tpu.memory_space<vmem>>
      %dma_wait3A_564 = tpu.memref_squeeze %dma_wait3A_563 : memref<1x128x128xf32, #tpu.memory_space<vmem>> -> memref<128x128xf32, #tpu.memory_space<vmem>>
      tpu.wait_dma2 semaphore(%run_scoped3A_540 : memref<!tpu.dma_semaphore, #tpu.memory_space<semaphore_mem>>) src(%dma_wait3A_564 : memref<128x128xf32, #tpu.memory_space<vmem>>) dst(%dma_wait3A_560 : memref<128x128xf32, #tpu.memory_space<hbm>>)
      tpu.yield
    }) : () -> ()
    %dma_start3A_282 = arith.constant 11 : i32
    %dma_start3A_283 = arith.constant 1 : i32
    %dma_start3A_284 = arith.constant 0 : i32
    %dma_start3A_285 = arith.constant 0 : i32
    %dma_start3A_286 = tpu.memref_slice %arg6[%dma_start3A_283, %dma_start3A_284, %dma_start3A_285] : memref<2x128x128xf32, #tpu.memory_space<vmem>> -> memref<1x128x128xf32, #tpu.memory_space<vmem>>
    %dma_start3A_287 = tpu.memref_squeeze %dma_start3A_286 : memref<1x128x128xf32, #tpu.memory_space<vmem>> -> memref<128x128xf32, #tpu.memory_space<vmem>>
    %dma_start3A_288 = arith.constant 0 : i32
    %dma_start3A_289 = tpu.memref_slice %arg5[%dma_start3A_282, %dma_start3A_288] : memref<20x128xi32, #tpu.memory_space<vmem>> -> memref<1x128xi32, #tpu.memory_space<vmem>>
    %dma_start3A_290 = tpu.memref_squeeze %dma_start3A_289 : memref<1x128xi32, #tpu.memory_space<vmem>> -> memref<128xi32, #tpu.memory_space<vmem>>
    %dma_start3A_291 = arith.constant 0 : i32
    %dma_start3A_292 = arith.constant 0 : i32
    %dma_start3A_293 = tpu.memref_slice %arg2[%dma_start3A_291, %dma_start3A_292] : memref<10000x128xf32, #tpu.memory_space<hbm>> -> memref<10000x128xf32, #tpu.memory_space<hbm>>
    tpu.enqueue_indirect_dma source(%dma_start3A_293 : memref<10000x128xf32, #tpu.memory_space<hbm>>) target(%dma_start3A_287 : memref<128x128xf32, #tpu.memory_space<vmem>>) offsets(%dma_start3A_290 : memref<128xi32, #tpu.memory_space<vmem>>) semaphore(%arg8 : memref<!tpu.dma_semaphore, #tpu.memory_space<semaphore_mem>>)
    %dma_wait3A_294 = arith.constant 10 : i32
    %dma_wait3A_295 = arith.constant 0 : i32
    %dma_wait3A_296 = arith.constant 0 : i32
    %dma_wait3A_297 = arith.constant 0 : i32
    %dma_wait3A_298 = tpu.memref_slice %arg6[%dma_wait3A_295, %dma_wait3A_296, %dma_wait3A_297] : memref<2x128x128xf32, #tpu.memory_space<vmem>> -> memref<1x128x128xf32, #tpu.memory_space<vmem>>
    %dma_wait3A_299 = tpu.memref_squeeze %dma_wait3A_298 : memref<1x128x128xf32, #tpu.memory_space<vmem>> -> memref<128x128xf32, #tpu.memory_space<vmem>>
    %dma_wait3A_300 = arith.constant 0 : i32
    %dma_wait3A_301 = tpu.memref_slice %arg5[%dma_wait3A_294, %dma_wait3A_300] : memref<20x128xi32, #tpu.memory_space<vmem>> -> memref<1x128xi32, #tpu.memory_space<vmem>>
    %dma_wait3A_302 = tpu.memref_squeeze %dma_wait3A_301 : memref<1x128xi32, #tpu.memory_space<vmem>> -> memref<128xi32, #tpu.memory_space<vmem>>
    %dma_wait3A_303 = arith.constant 0 : i32
    %dma_wait3A_304 = arith.constant 0 : i32
    %dma_wait3A_305 = tpu.memref_slice %arg2[%dma_wait3A_303, %dma_wait3A_304] : memref<10000x128xf32, #tpu.memory_space<hbm>> -> memref<10000x128xf32, #tpu.memory_space<hbm>>
    tpu.wait_indirect_dma semaphore(%arg7 : memref<!tpu.dma_semaphore, #tpu.memory_space<semaphore_mem>>) src(%dma_wait3A_305 : memref<10000x128xf32, #tpu.memory_space<hbm>>) dst(%dma_wait3A_299 : memref<128x128xf32, #tpu.memory_space<vmem>>)
    %add3A_306 = arith.constant 1280 : i32
    %add3A_307 = arith.addi %mul3A_2, %add3A_306 : i32
    %run_scoped3A_308 = arith.constant 0 : i32
    "tpu.region"() ({
      %run_scoped3A_540 = tpu.sem_alloc : memref<!tpu.dma_semaphore, #tpu.memory_space<semaphore_mem>>
      %dma_start3A_541 = arith.constant 0 : i32
      %dma_start3A_542 = arith.constant 0 : i32
      %dma_start3A_543 = tpu.memref_slice %arg6[%run_scoped3A_308, %dma_start3A_541, %dma_start3A_542] : memref<2x128x128xf32, #tpu.memory_space<vmem>> -> memref<1x128x128xf32, #tpu.memory_space<vmem>>
      %dma_start3A_544 = tpu.memref_squeeze %dma_start3A_543 : memref<1x128x128xf32, #tpu.memory_space<vmem>> -> memref<128x128xf32, #tpu.memory_space<vmem>>
      %dma_start3A_545 = arith.constant 0 : i32
      %dma_start3A_546 = tpu.memref_slice %arg4[%add3A_307, %dma_start3A_545] : memref<81920x128xf32, #tpu.memory_space<hbm>> -> memref<128x128xf32, #tpu.memory_space<hbm>>
      %dma_start3A_547 = arith.constant 0 : i32
      %dma_start3A_548 = tpu.memref_slice %arg4[%add3A_307, %dma_start3A_547] : memref<81920x128xf32, #tpu.memory_space<hbm>> -> memref<128x128xf32, #tpu.memory_space<hbm>>
      %dma_start3A_549 = arith.constant 0 : i32
      %dma_start3A_550 = arith.constant 0 : i32
      %dma_start3A_551 = tpu.memref_slice %arg6[%run_scoped3A_308, %dma_start3A_549, %dma_start3A_550] : memref<2x128x128xf32, #tpu.memory_space<vmem>> -> memref<1x128x128xf32, #tpu.memory_space<vmem>>
      %dma_start3A_552 = tpu.memref_squeeze %dma_start3A_551 : memref<1x128x128xf32, #tpu.memory_space<vmem>> -> memref<128x128xf32, #tpu.memory_space<vmem>>
      tpu.enqueue_dma source(%dma_start3A_552 : memref<128x128xf32, #tpu.memory_space<vmem>>) target(%dma_start3A_548 : memref<128x128xf32, #tpu.memory_space<hbm>>) target_semaphore(%run_scoped3A_540 : memref<!tpu.dma_semaphore, #tpu.memory_space<semaphore_mem>>)
      %dma_wait3A_553 = arith.constant 0 : i32
      %dma_wait3A_554 = arith.constant 0 : i32
      %dma_wait3A_555 = tpu.memref_slice %arg6[%run_scoped3A_308, %dma_wait3A_553, %dma_wait3A_554] : memref<2x128x128xf32, #tpu.memory_space<vmem>> -> memref<1x128x128xf32, #tpu.memory_space<vmem>>
      %dma_wait3A_556 = tpu.memref_squeeze %dma_wait3A_555 : memref<1x128x128xf32, #tpu.memory_space<vmem>> -> memref<128x128xf32, #tpu.memory_space<vmem>>
      %dma_wait3A_557 = arith.constant 0 : i32
      %dma_wait3A_558 = tpu.memref_slice %arg4[%add3A_307, %dma_wait3A_557] : memref<81920x128xf32, #tpu.memory_space<hbm>> -> memref<128x128xf32, #tpu.memory_space<hbm>>
      %dma_wait3A_559 = arith.constant 0 : i32
      %dma_wait3A_560 = tpu.memref_slice %arg4[%add3A_307, %dma_wait3A_559] : memref<81920x128xf32, #tpu.memory_space<hbm>> -> memref<128x128xf32, #tpu.memory_space<hbm>>
      %dma_wait3A_561 = arith.constant 0 : i32
      %dma_wait3A_562 = arith.constant 0 : i32
      %dma_wait3A_563 = tpu.memref_slice %arg6[%run_scoped3A_308, %dma_wait3A_561, %dma_wait3A_562] : memref<2x128x128xf32, #tpu.memory_space<vmem>> -> memref<1x128x128xf32, #tpu.memory_space<vmem>>
      %dma_wait3A_564 = tpu.memref_squeeze %dma_wait3A_563 : memref<1x128x128xf32, #tpu.memory_space<vmem>> -> memref<128x128xf32, #tpu.memory_space<vmem>>
      tpu.wait_dma2 semaphore(%run_scoped3A_540 : memref<!tpu.dma_semaphore, #tpu.memory_space<semaphore_mem>>) src(%dma_wait3A_564 : memref<128x128xf32, #tpu.memory_space<vmem>>) dst(%dma_wait3A_560 : memref<128x128xf32, #tpu.memory_space<hbm>>)
      tpu.yield
    }) : () -> ()
    %dma_start3A_309 = arith.constant 12 : i32
    %dma_start3A_310 = arith.constant 0 : i32
    %dma_start3A_311 = arith.constant 0 : i32
    %dma_start3A_312 = arith.constant 0 : i32
    %dma_start3A_313 = tpu.memref_slice %arg6[%dma_start3A_310, %dma_start3A_311, %dma_start3A_312] : memref<2x128x128xf32, #tpu.memory_space<vmem>> -> memref<1x128x128xf32, #tpu.memory_space<vmem>>
    %dma_start3A_314 = tpu.memref_squeeze %dma_start3A_313 : memref<1x128x128xf32, #tpu.memory_space<vmem>> -> memref<128x128xf32, #tpu.memory_space<vmem>>
    %dma_start3A_315 = arith.constant 0 : i32
    %dma_start3A_316 = tpu.memref_slice %arg5[%dma_start3A_309, %dma_start3A_315] : memref<20x128xi32, #tpu.memory_space<vmem>> -> memref<1x128xi32, #tpu.memory_space<vmem>>
    %dma_start3A_317 = tpu.memref_squeeze %dma_start3A_316 : memref<1x128xi32, #tpu.memory_space<vmem>> -> memref<128xi32, #tpu.memory_space<vmem>>
    %dma_start3A_318 = arith.constant 0 : i32
    %dma_start3A_319 = arith.constant 0 : i32
    %dma_start3A_320 = tpu.memref_slice %arg2[%dma_start3A_318, %dma_start3A_319] : memref<10000x128xf32, #tpu.memory_space<hbm>> -> memref<10000x128xf32, #tpu.memory_space<hbm>>
    tpu.enqueue_indirect_dma source(%dma_start3A_320 : memref<10000x128xf32, #tpu.memory_space<hbm>>) target(%dma_start3A_314 : memref<128x128xf32, #tpu.memory_space<vmem>>) offsets(%dma_start3A_317 : memref<128xi32, #tpu.memory_space<vmem>>) semaphore(%arg7 : memref<!tpu.dma_semaphore, #tpu.memory_space<semaphore_mem>>)
    %dma_wait3A_321 = arith.constant 11 : i32
    %dma_wait3A_322 = arith.constant 1 : i32
    %dma_wait3A_323 = arith.constant 0 : i32
    %dma_wait3A_324 = arith.constant 0 : i32
    %dma_wait3A_325 = tpu.memref_slice %arg6[%dma_wait3A_322, %dma_wait3A_323, %dma_wait3A_324] : memref<2x128x128xf32, #tpu.memory_space<vmem>> -> memref<1x128x128xf32, #tpu.memory_space<vmem>>
    %dma_wait3A_326 = tpu.memref_squeeze %dma_wait3A_325 : memref<1x128x128xf32, #tpu.memory_space<vmem>> -> memref<128x128xf32, #tpu.memory_space<vmem>>
    %dma_wait3A_327 = arith.constant 0 : i32
    %dma_wait3A_328 = tpu.memref_slice %arg5[%dma_wait3A_321, %dma_wait3A_327] : memref<20x128xi32, #tpu.memory_space<vmem>> -> memref<1x128xi32, #tpu.memory_space<vmem>>
    %dma_wait3A_329 = tpu.memref_squeeze %dma_wait3A_328 : memref<1x128xi32, #tpu.memory_space<vmem>> -> memref<128xi32, #tpu.memory_space<vmem>>
    %dma_wait3A_330 = arith.constant 0 : i32
    %dma_wait3A_331 = arith.constant 0 : i32
    %dma_wait3A_332 = tpu.memref_slice %arg2[%dma_wait3A_330, %dma_wait3A_331] : memref<10000x128xf32, #tpu.memory_space<hbm>> -> memref<10000x128xf32, #tpu.memory_space<hbm>>
    tpu.wait_indirect_dma semaphore(%arg8 : memref<!tpu.dma_semaphore, #tpu.memory_space<semaphore_mem>>) src(%dma_wait3A_332 : memref<10000x128xf32, #tpu.memory_space<hbm>>) dst(%dma_wait3A_326 : memref<128x128xf32, #tpu.memory_space<vmem>>)
    %add3A_333 = arith.constant 1408 : i32
    %add3A_334 = arith.addi %mul3A_2, %add3A_333 : i32
    %run_scoped3A_335 = arith.constant 1 : i32
    "tpu.region"() ({
      %run_scoped3A_540 = tpu.sem_alloc : memref<!tpu.dma_semaphore, #tpu.memory_space<semaphore_mem>>
      %dma_start3A_541 = arith.constant 0 : i32
      %dma_start3A_542 = arith.constant 0 : i32
      %dma_start3A_543 = tpu.memref_slice %arg6[%run_scoped3A_335, %dma_start3A_541, %dma_start3A_542] : memref<2x128x128xf32, #tpu.memory_space<vmem>> -> memref<1x128x128xf32, #tpu.memory_space<vmem>>
      %dma_start3A_544 = tpu.memref_squeeze %dma_start3A_543 : memref<1x128x128xf32, #tpu.memory_space<vmem>> -> memref<128x128xf32, #tpu.memory_space<vmem>>
      %dma_start3A_545 = arith.constant 0 : i32
      %dma_start3A_546 = tpu.memref_slice %arg4[%add3A_334, %dma_start3A_545] : memref<81920x128xf32, #tpu.memory_space<hbm>> -> memref<128x128xf32, #tpu.memory_space<hbm>>
      %dma_start3A_547 = arith.constant 0 : i32
      %dma_start3A_548 = tpu.memref_slice %arg4[%add3A_334, %dma_start3A_547] : memref<81920x128xf32, #tpu.memory_space<hbm>> -> memref<128x128xf32, #tpu.memory_space<hbm>>
      %dma_start3A_549 = arith.constant 0 : i32
      %dma_start3A_550 = arith.constant 0 : i32
      %dma_start3A_551 = tpu.memref_slice %arg6[%run_scoped3A_335, %dma_start3A_549, %dma_start3A_550] : memref<2x128x128xf32, #tpu.memory_space<vmem>> -> memref<1x128x128xf32, #tpu.memory_space<vmem>>
      %dma_start3A_552 = tpu.memref_squeeze %dma_start3A_551 : memref<1x128x128xf32, #tpu.memory_space<vmem>> -> memref<128x128xf32, #tpu.memory_space<vmem>>
      tpu.enqueue_dma source(%dma_start3A_552 : memref<128x128xf32, #tpu.memory_space<vmem>>) target(%dma_start3A_548 : memref<128x128xf32, #tpu.memory_space<hbm>>) target_semaphore(%run_scoped3A_540 : memref<!tpu.dma_semaphore, #tpu.memory_space<semaphore_mem>>)
      %dma_wait3A_553 = arith.constant 0 : i32
      %dma_wait3A_554 = arith.constant 0 : i32
      %dma_wait3A_555 = tpu.memref_slice %arg6[%run_scoped3A_335, %dma_wait3A_553, %dma_wait3A_554] : memref<2x128x128xf32, #tpu.memory_space<vmem>> -> memref<1x128x128xf32, #tpu.memory_space<vmem>>
      %dma_wait3A_556 = tpu.memref_squeeze %dma_wait3A_555 : memref<1x128x128xf32, #tpu.memory_space<vmem>> -> memref<128x128xf32, #tpu.memory_space<vmem>>
      %dma_wait3A_557 = arith.constant 0 : i32
      %dma_wait3A_558 = tpu.memref_slice %arg4[%add3A_334, %dma_wait3A_557] : memref<81920x128xf32, #tpu.memory_space<hbm>> -> memref<128x128xf32, #tpu.memory_space<hbm>>
      %dma_wait3A_559 = arith.constant 0 : i32
      %dma_wait3A_560 = tpu.memref_slice %arg4[%add3A_334, %dma_wait3A_559] : memref<81920x128xf32, #tpu.memory_space<hbm>> -> memref<128x128xf32, #tpu.memory_space<hbm>>
      %dma_wait3A_561 = arith.constant 0 : i32
      %dma_wait3A_562 = arith.constant 0 : i32
      %dma_wait3A_563 = tpu.memref_slice %arg6[%run_scoped3A_335, %dma_wait3A_561, %dma_wait3A_562] : memref<2x128x128xf32, #tpu.memory_space<vmem>> -> memref<1x128x128xf32, #tpu.memory_space<vmem>>
      %dma_wait3A_564 = tpu.memref_squeeze %dma_wait3A_563 : memref<1x128x128xf32, #tpu.memory_space<vmem>> -> memref<128x128xf32, #tpu.memory_space<vmem>>
      tpu.wait_dma2 semaphore(%run_scoped3A_540 : memref<!tpu.dma_semaphore, #tpu.memory_space<semaphore_mem>>) src(%dma_wait3A_564 : memref<128x128xf32, #tpu.memory_space<vmem>>) dst(%dma_wait3A_560 : memref<128x128xf32, #tpu.memory_space<hbm>>)
      tpu.yield
    }) : () -> ()
    %dma_start3A_336 = arith.constant 13 : i32
    %dma_start3A_337 = arith.constant 1 : i32
    %dma_start3A_338 = arith.constant 0 : i32
    %dma_start3A_339 = arith.constant 0 : i32
    %dma_start3A_340 = tpu.memref_slice %arg6[%dma_start3A_337, %dma_start3A_338, %dma_start3A_339] : memref<2x128x128xf32, #tpu.memory_space<vmem>> -> memref<1x128x128xf32, #tpu.memory_space<vmem>>
    %dma_start3A_341 = tpu.memref_squeeze %dma_start3A_340 : memref<1x128x128xf32, #tpu.memory_space<vmem>> -> memref<128x128xf32, #tpu.memory_space<vmem>>
    %dma_start3A_342 = arith.constant 0 : i32
    %dma_start3A_343 = tpu.memref_slice %arg5[%dma_start3A_336, %dma_start3A_342] : memref<20x128xi32, #tpu.memory_space<vmem>> -> memref<1x128xi32, #tpu.memory_space<vmem>>
    %dma_start3A_344 = tpu.memref_squeeze %dma_start3A_343 : memref<1x128xi32, #tpu.memory_space<vmem>> -> memref<128xi32, #tpu.memory_space<vmem>>
    %dma_start3A_345 = arith.constant 0 : i32
    %dma_start3A_346 = arith.constant 0 : i32
    %dma_start3A_347 = tpu.memref_slice %arg2[%dma_start3A_345, %dma_start3A_346] : memref<10000x128xf32, #tpu.memory_space<hbm>> -> memref<10000x128xf32, #tpu.memory_space<hbm>>
    tpu.enqueue_indirect_dma source(%dma_start3A_347 : memref<10000x128xf32, #tpu.memory_space<hbm>>) target(%dma_start3A_341 : memref<128x128xf32, #tpu.memory_space<vmem>>) offsets(%dma_start3A_344 : memref<128xi32, #tpu.memory_space<vmem>>) semaphore(%arg8 : memref<!tpu.dma_semaphore, #tpu.memory_space<semaphore_mem>>)
    %dma_wait3A_348 = arith.constant 12 : i32
    %dma_wait3A_349 = arith.constant 0 : i32
    %dma_wait3A_350 = arith.constant 0 : i32
    %dma_wait3A_351 = arith.constant 0 : i32
    %dma_wait3A_352 = tpu.memref_slice %arg6[%dma_wait3A_349, %dma_wait3A_350, %dma_wait3A_351] : memref<2x128x128xf32, #tpu.memory_space<vmem>> -> memref<1x128x128xf32, #tpu.memory_space<vmem>>
    %dma_wait3A_353 = tpu.memref_squeeze %dma_wait3A_352 : memref<1x128x128xf32, #tpu.memory_space<vmem>> -> memref<128x128xf32, #tpu.memory_space<vmem>>
    %dma_wait3A_354 = arith.constant 0 : i32
    %dma_wait3A_355 = tpu.memref_slice %arg5[%dma_wait3A_348, %dma_wait3A_354] : memref<20x128xi32, #tpu.memory_space<vmem>> -> memref<1x128xi32, #tpu.memory_space<vmem>>
    %dma_wait3A_356 = tpu.memref_squeeze %dma_wait3A_355 : memref<1x128xi32, #tpu.memory_space<vmem>> -> memref<128xi32, #tpu.memory_space<vmem>>
    %dma_wait3A_357 = arith.constant 0 : i32
    %dma_wait3A_358 = arith.constant 0 : i32
    %dma_wait3A_359 = tpu.memref_slice %arg2[%dma_wait3A_357, %dma_wait3A_358] : memref<10000x128xf32, #tpu.memory_space<hbm>> -> memref<10000x128xf32, #tpu.memory_space<hbm>>
    tpu.wait_indirect_dma semaphore(%arg7 : memref<!tpu.dma_semaphore, #tpu.memory_space<semaphore_mem>>) src(%dma_wait3A_359 : memref<10000x128xf32, #tpu.memory_space<hbm>>) dst(%dma_wait3A_353 : memref<128x128xf32, #tpu.memory_space<vmem>>)
    %add3A_360 = arith.constant 1536 : i32
    %add3A_361 = arith.addi %mul3A_2, %add3A_360 : i32
    %run_scoped3A_362 = arith.constant 0 : i32
    "tpu.region"() ({
      %run_scoped3A_540 = tpu.sem_alloc : memref<!tpu.dma_semaphore, #tpu.memory_space<semaphore_mem>>
      %dma_start3A_541 = arith.constant 0 : i32
      %dma_start3A_542 = arith.constant 0 : i32
      %dma_start3A_543 = tpu.memref_slice %arg6[%run_scoped3A_362, %dma_start3A_541, %dma_start3A_542] : memref<2x128x128xf32, #tpu.memory_space<vmem>> -> memref<1x128x128xf32, #tpu.memory_space<vmem>>
      %dma_start3A_544 = tpu.memref_squeeze %dma_start3A_543 : memref<1x128x128xf32, #tpu.memory_space<vmem>> -> memref<128x128xf32, #tpu.memory_space<vmem>>
      %dma_start3A_545 = arith.constant 0 : i32
      %dma_start3A_546 = tpu.memref_slice %arg4[%add3A_361, %dma_start3A_545] : memref<81920x128xf32, #tpu.memory_space<hbm>> -> memref<128x128xf32, #tpu.memory_space<hbm>>
      %dma_start3A_547 = arith.constant 0 : i32
      %dma_start3A_548 = tpu.memref_slice %arg4[%add3A_361, %dma_start3A_547] : memref<81920x128xf32, #tpu.memory_space<hbm>> -> memref<128x128xf32, #tpu.memory_space<hbm>>
      %dma_start3A_549 = arith.constant 0 : i32
      %dma_start3A_550 = arith.constant 0 : i32
      %dma_start3A_551 = tpu.memref_slice %arg6[%run_scoped3A_362, %dma_start3A_549, %dma_start3A_550] : memref<2x128x128xf32, #tpu.memory_space<vmem>> -> memref<1x128x128xf32, #tpu.memory_space<vmem>>
      %dma_start3A_552 = tpu.memref_squeeze %dma_start3A_551 : memref<1x128x128xf32, #tpu.memory_space<vmem>> -> memref<128x128xf32, #tpu.memory_space<vmem>>
      tpu.enqueue_dma source(%dma_start3A_552 : memref<128x128xf32, #tpu.memory_space<vmem>>) target(%dma_start3A_548 : memref<128x128xf32, #tpu.memory_space<hbm>>) target_semaphore(%run_scoped3A_540 : memref<!tpu.dma_semaphore, #tpu.memory_space<semaphore_mem>>)
      %dma_wait3A_553 = arith.constant 0 : i32
      %dma_wait3A_554 = arith.constant 0 : i32
      %dma_wait3A_555 = tpu.memref_slice %arg6[%run_scoped3A_362, %dma_wait3A_553, %dma_wait3A_554] : memref<2x128x128xf32, #tpu.memory_space<vmem>> -> memref<1x128x128xf32, #tpu.memory_space<vmem>>
      %dma_wait3A_556 = tpu.memref_squeeze %dma_wait3A_555 : memref<1x128x128xf32, #tpu.memory_space<vmem>> -> memref<128x128xf32, #tpu.memory_space<vmem>>
      %dma_wait3A_557 = arith.constant 0 : i32
      %dma_wait3A_558 = tpu.memref_slice %arg4[%add3A_361, %dma_wait3A_557] : memref<81920x128xf32, #tpu.memory_space<hbm>> -> memref<128x128xf32, #tpu.memory_space<hbm>>
      %dma_wait3A_559 = arith.constant 0 : i32
      %dma_wait3A_560 = tpu.memref_slice %arg4[%add3A_361, %dma_wait3A_559] : memref<81920x128xf32, #tpu.memory_space<hbm>> -> memref<128x128xf32, #tpu.memory_space<hbm>>
      %dma_wait3A_561 = arith.constant 0 : i32
      %dma_wait3A_562 = arith.constant 0 : i32
      %dma_wait3A_563 = tpu.memref_slice %arg6[%run_scoped3A_362, %dma_wait3A_561, %dma_wait3A_562] : memref<2x128x128xf32, #tpu.memory_space<vmem>> -> memref<1x128x128xf32, #tpu.memory_space<vmem>>
      %dma_wait3A_564 = tpu.memref_squeeze %dma_wait3A_563 : memref<1x128x128xf32, #tpu.memory_space<vmem>> -> memref<128x128xf32, #tpu.memory_space<vmem>>
      tpu.wait_dma2 semaphore(%run_scoped3A_540 : memref<!tpu.dma_semaphore, #tpu.memory_space<semaphore_mem>>) src(%dma_wait3A_564 : memref<128x128xf32, #tpu.memory_space<vmem>>) dst(%dma_wait3A_560 : memref<128x128xf32, #tpu.memory_space<hbm>>)
      tpu.yield
    }) : () -> ()
    %dma_start3A_363 = arith.constant 14 : i32
    %dma_start3A_364 = arith.constant 0 : i32
    %dma_start3A_365 = arith.constant 0 : i32
    %dma_start3A_366 = arith.constant 0 : i32
    %dma_start3A_367 = tpu.memref_slice %arg6[%dma_start3A_364, %dma_start3A_365, %dma_start3A_366] : memref<2x128x128xf32, #tpu.memory_space<vmem>> -> memref<1x128x128xf32, #tpu.memory_space<vmem>>
    %dma_start3A_368 = tpu.memref_squeeze %dma_start3A_367 : memref<1x128x128xf32, #tpu.memory_space<vmem>> -> memref<128x128xf32, #tpu.memory_space<vmem>>
    %dma_start3A_369 = arith.constant 0 : i32
    %dma_start3A_370 = tpu.memref_slice %arg5[%dma_start3A_363, %dma_start3A_369] : memref<20x128xi32, #tpu.memory_space<vmem>> -> memref<1x128xi32, #tpu.memory_space<vmem>>
    %dma_start3A_371 = tpu.memref_squeeze %dma_start3A_370 : memref<1x128xi32, #tpu.memory_space<vmem>> -> memref<128xi32, #tpu.memory_space<vmem>>
    %dma_start3A_372 = arith.constant 0 : i32
    %dma_start3A_373 = arith.constant 0 : i32
    %dma_start3A_374 = tpu.memref_slice %arg2[%dma_start3A_372, %dma_start3A_373] : memref<10000x128xf32, #tpu.memory_space<hbm>> -> memref<10000x128xf32, #tpu.memory_space<hbm>>
    tpu.enqueue_indirect_dma source(%dma_start3A_374 : memref<10000x128xf32, #tpu.memory_space<hbm>>) target(%dma_start3A_368 : memref<128x128xf32, #tpu.memory_space<vmem>>) offsets(%dma_start3A_371 : memref<128xi32, #tpu.memory_space<vmem>>) semaphore(%arg7 : memref<!tpu.dma_semaphore, #tpu.memory_space<semaphore_mem>>)
    %dma_wait3A_375 = arith.constant 13 : i32
    %dma_wait3A_376 = arith.constant 1 : i32
    %dma_wait3A_377 = arith.constant 0 : i32
    %dma_wait3A_378 = arith.constant 0 : i32
    %dma_wait3A_379 = tpu.memref_slice %arg6[%dma_wait3A_376, %dma_wait3A_377, %dma_wait3A_378] : memref<2x128x128xf32, #tpu.memory_space<vmem>> -> memref<1x128x128xf32, #tpu.memory_space<vmem>>
    %dma_wait3A_380 = tpu.memref_squeeze %dma_wait3A_379 : memref<1x128x128xf32, #tpu.memory_space<vmem>> -> memref<128x128xf32, #tpu.memory_space<vmem>>
    %dma_wait3A_381 = arith.constant 0 : i32
    %dma_wait3A_382 = tpu.memref_slice %arg5[%dma_wait3A_375, %dma_wait3A_381] : memref<20x128xi32, #tpu.memory_space<vmem>> -> memref<1x128xi32, #tpu.memory_space<vmem>>
    %dma_wait3A_383 = tpu.memref_squeeze %dma_wait3A_382 : memref<1x128xi32, #tpu.memory_space<vmem>> -> memref<128xi32, #tpu.memory_space<vmem>>
    %dma_wait3A_384 = arith.constant 0 : i32
    %dma_wait3A_385 = arith.constant 0 : i32
    %dma_wait3A_386 = tpu.memref_slice %arg2[%dma_wait3A_384, %dma_wait3A_385] : memref<10000x128xf32, #tpu.memory_space<hbm>> -> memref<10000x128xf32, #tpu.memory_space<hbm>>
    tpu.wait_indirect_dma semaphore(%arg8 : memref<!tpu.dma_semaphore, #tpu.memory_space<semaphore_mem>>) src(%dma_wait3A_386 : memref<10000x128xf32, #tpu.memory_space<hbm>>) dst(%dma_wait3A_380 : memref<128x128xf32, #tpu.memory_space<vmem>>)
    %add3A_387 = arith.constant 1664 : i32
    %add3A_388 = arith.addi %mul3A_2, %add3A_387 : i32
    %run_scoped3A_389 = arith.constant 1 : i32
    "tpu.region"() ({
      %run_scoped3A_540 = tpu.sem_alloc : memref<!tpu.dma_semaphore, #tpu.memory_space<semaphore_mem>>
      %dma_start3A_541 = arith.constant 0 : i32
      %dma_start3A_542 = arith.constant 0 : i32
      %dma_start3A_543 = tpu.memref_slice %arg6[%run_scoped3A_389, %dma_start3A_541, %dma_start3A_542] : memref<2x128x128xf32, #tpu.memory_space<vmem>> -> memref<1x128x128xf32, #tpu.memory_space<vmem>>
      %dma_start3A_544 = tpu.memref_squeeze %dma_start3A_543 : memref<1x128x128xf32, #tpu.memory_space<vmem>> -> memref<128x128xf32, #tpu.memory_space<vmem>>
      %dma_start3A_545 = arith.constant 0 : i32
      %dma_start3A_546 = tpu.memref_slice %arg4[%add3A_388, %dma_start3A_545] : memref<81920x128xf32, #tpu.memory_space<hbm>> -> memref<128x128xf32, #tpu.memory_space<hbm>>
      %dma_start3A_547 = arith.constant 0 : i32
      %dma_start3A_548 = tpu.memref_slice %arg4[%add3A_388, %dma_start3A_547] : memref<81920x128xf32, #tpu.memory_space<hbm>> -> memref<128x128xf32, #tpu.memory_space<hbm>>
      %dma_start3A_549 = arith.constant 0 : i32
      %dma_start3A_550 = arith.constant 0 : i32
      %dma_start3A_551 = tpu.memref_slice %arg6[%run_scoped3A_389, %dma_start3A_549, %dma_start3A_550] : memref<2x128x128xf32, #tpu.memory_space<vmem>> -> memref<1x128x128xf32, #tpu.memory_space<vmem>>
      %dma_start3A_552 = tpu.memref_squeeze %dma_start3A_551 : memref<1x128x128xf32, #tpu.memory_space<vmem>> -> memref<128x128xf32, #tpu.memory_space<vmem>>
      tpu.enqueue_dma source(%dma_start3A_552 : memref<128x128xf32, #tpu.memory_space<vmem>>) target(%dma_start3A_548 : memref<128x128xf32, #tpu.memory_space<hbm>>) target_semaphore(%run_scoped3A_540 : memref<!tpu.dma_semaphore, #tpu.memory_space<semaphore_mem>>)
      %dma_wait3A_553 = arith.constant 0 : i32
      %dma_wait3A_554 = arith.constant 0 : i32
      %dma_wait3A_555 = tpu.memref_slice %arg6[%run_scoped3A_389, %dma_wait3A_553, %dma_wait3A_554] : memref<2x128x128xf32, #tpu.memory_space<vmem>> -> memref<1x128x128xf32, #tpu.memory_space<vmem>>
      %dma_wait3A_556 = tpu.memref_squeeze %dma_wait3A_555 : memref<1x128x128xf32, #tpu.memory_space<vmem>> -> memref<128x128xf32, #tpu.memory_space<vmem>>
      %dma_wait3A_557 = arith.constant 0 : i32
      %dma_wait3A_558 = tpu.memref_slice %arg4[%add3A_388, %dma_wait3A_557] : memref<81920x128xf32, #tpu.memory_space<hbm>> -> memref<128x128xf32, #tpu.memory_space<hbm>>
      %dma_wait3A_559 = arith.constant 0 : i32
      %dma_wait3A_560 = tpu.memref_slice %arg4[%add3A_388, %dma_wait3A_559] : memref<81920x128xf32, #tpu.memory_space<hbm>> -> memref<128x128xf32, #tpu.memory_space<hbm>>
      %dma_wait3A_561 = arith.constant 0 : i32
      %dma_wait3A_562 = arith.constant 0 : i32
      %dma_wait3A_563 = tpu.memref_slice %arg6[%run_scoped3A_389, %dma_wait3A_561, %dma_wait3A_562] : memref<2x128x128xf32, #tpu.memory_space<vmem>> -> memref<1x128x128xf32, #tpu.memory_space<vmem>>
      %dma_wait3A_564 = tpu.memref_squeeze %dma_wait3A_563 : memref<1x128x128xf32, #tpu.memory_space<vmem>> -> memref<128x128xf32, #tpu.memory_space<vmem>>
      tpu.wait_dma2 semaphore(%run_scoped3A_540 : memref<!tpu.dma_semaphore, #tpu.memory_space<semaphore_mem>>) src(%dma_wait3A_564 : memref<128x128xf32, #tpu.memory_space<vmem>>) dst(%dma_wait3A_560 : memref<128x128xf32, #tpu.memory_space<hbm>>)
      tpu.yield
    }) : () -> ()
    %dma_start3A_390 = arith.constant 15 : i32
    %dma_start3A_391 = arith.constant 1 : i32
    %dma_start3A_392 = arith.constant 0 : i32
    %dma_start3A_393 = arith.constant 0 : i32
    %dma_start3A_394 = tpu.memref_slice %arg6[%dma_start3A_391, %dma_start3A_392, %dma_start3A_393] : memref<2x128x128xf32, #tpu.memory_space<vmem>> -> memref<1x128x128xf32, #tpu.memory_space<vmem>>
    %dma_start3A_395 = tpu.memref_squeeze %dma_start3A_394 : memref<1x128x128xf32, #tpu.memory_space<vmem>> -> memref<128x128xf32, #tpu.memory_space<vmem>>
    %dma_start3A_396 = arith.constant 0 : i32
    %dma_start3A_397 = tpu.memref_slice %arg5[%dma_start3A_390, %dma_start3A_396] : memref<20x128xi32, #tpu.memory_space<vmem>> -> memref<1x128xi32, #tpu.memory_space<vmem>>
    %dma_start3A_398 = tpu.memref_squeeze %dma_start3A_397 : memref<1x128xi32, #tpu.memory_space<vmem>> -> memref<128xi32, #tpu.memory_space<vmem>>
    %dma_start3A_399 = arith.constant 0 : i32
    %dma_start3A_400 = arith.constant 0 : i32
    %dma_start3A_401 = tpu.memref_slice %arg2[%dma_start3A_399, %dma_start3A_400] : memref<10000x128xf32, #tpu.memory_space<hbm>> -> memref<10000x128xf32, #tpu.memory_space<hbm>>
    tpu.enqueue_indirect_dma source(%dma_start3A_401 : memref<10000x128xf32, #tpu.memory_space<hbm>>) target(%dma_start3A_395 : memref<128x128xf32, #tpu.memory_space<vmem>>) offsets(%dma_start3A_398 : memref<128xi32, #tpu.memory_space<vmem>>) semaphore(%arg8 : memref<!tpu.dma_semaphore, #tpu.memory_space<semaphore_mem>>)
    %dma_wait3A_402 = arith.constant 14 : i32
    %dma_wait3A_403 = arith.constant 0 : i32
    %dma_wait3A_404 = arith.constant 0 : i32
    %dma_wait3A_405 = arith.constant 0 : i32
    %dma_wait3A_406 = tpu.memref_slice %arg6[%dma_wait3A_403, %dma_wait3A_404, %dma_wait3A_405] : memref<2x128x128xf32, #tpu.memory_space<vmem>> -> memref<1x128x128xf32, #tpu.memory_space<vmem>>
    %dma_wait3A_407 = tpu.memref_squeeze %dma_wait3A_406 : memref<1x128x128xf32, #tpu.memory_space<vmem>> -> memref<128x128xf32, #tpu.memory_space<vmem>>
    %dma_wait3A_408 = arith.constant 0 : i32
    %dma_wait3A_409 = tpu.memref_slice %arg5[%dma_wait3A_402, %dma_wait3A_408] : memref<20x128xi32, #tpu.memory_space<vmem>> -> memref<1x128xi32, #tpu.memory_space<vmem>>
    %dma_wait3A_410 = tpu.memref_squeeze %dma_wait3A_409 : memref<1x128xi32, #tpu.memory_space<vmem>> -> memref<128xi32, #tpu.memory_space<vmem>>
    %dma_wait3A_411 = arith.constant 0 : i32
    %dma_wait3A_412 = arith.constant 0 : i32
    %dma_wait3A_413 = tpu.memref_slice %arg2[%dma_wait3A_411, %dma_wait3A_412] : memref<10000x128xf32, #tpu.memory_space<hbm>> -> memref<10000x128xf32, #tpu.memory_space<hbm>>
    tpu.wait_indirect_dma semaphore(%arg7 : memref<!tpu.dma_semaphore, #tpu.memory_space<semaphore_mem>>) src(%dma_wait3A_413 : memref<10000x128xf32, #tpu.memory_space<hbm>>) dst(%dma_wait3A_407 : memref<128x128xf32, #tpu.memory_space<vmem>>)
    %add3A_414 = arith.constant 1792 : i32
    %add3A_415 = arith.addi %mul3A_2, %add3A_414 : i32
    %run_scoped3A_416 = arith.constant 0 : i32
    "tpu.region"() ({
      %run_scoped3A_540 = tpu.sem_alloc : memref<!tpu.dma_semaphore, #tpu.memory_space<semaphore_mem>>
      %dma_start3A_541 = arith.constant 0 : i32
      %dma_start3A_542 = arith.constant 0 : i32
      %dma_start3A_543 = tpu.memref_slice %arg6[%run_scoped3A_416, %dma_start3A_541, %dma_start3A_542] : memref<2x128x128xf32, #tpu.memory_space<vmem>> -> memref<1x128x128xf32, #tpu.memory_space<vmem>>
      %dma_start3A_544 = tpu.memref_squeeze %dma_start3A_543 : memref<1x128x128xf32, #tpu.memory_space<vmem>> -> memref<128x128xf32, #tpu.memory_space<vmem>>
      %dma_start3A_545 = arith.constant 0 : i32
      %dma_start3A_546 = tpu.memref_slice %arg4[%add3A_415, %dma_start3A_545] : memref<81920x128xf32, #tpu.memory_space<hbm>> -> memref<128x128xf32, #tpu.memory_space<hbm>>
      %dma_start3A_547 = arith.constant 0 : i32
      %dma_start3A_548 = tpu.memref_slice %arg4[%add3A_415, %dma_start3A_547] : memref<81920x128xf32, #tpu.memory_space<hbm>> -> memref<128x128xf32, #tpu.memory_space<hbm>>
      %dma_start3A_549 = arith.constant 0 : i32
      %dma_start3A_550 = arith.constant 0 : i32
      %dma_start3A_551 = tpu.memref_slice %arg6[%run_scoped3A_416, %dma_start3A_549, %dma_start3A_550] : memref<2x128x128xf32, #tpu.memory_space<vmem>> -> memref<1x128x128xf32, #tpu.memory_space<vmem>>
      %dma_start3A_552 = tpu.memref_squeeze %dma_start3A_551 : memref<1x128x128xf32, #tpu.memory_space<vmem>> -> memref<128x128xf32, #tpu.memory_space<vmem>>
      tpu.enqueue_dma source(%dma_start3A_552 : memref<128x128xf32, #tpu.memory_space<vmem>>) target(%dma_start3A_548 : memref<128x128xf32, #tpu.memory_space<hbm>>) target_semaphore(%run_scoped3A_540 : memref<!tpu.dma_semaphore, #tpu.memory_space<semaphore_mem>>)
      %dma_wait3A_553 = arith.constant 0 : i32
      %dma_wait3A_554 = arith.constant 0 : i32
      %dma_wait3A_555 = tpu.memref_slice %arg6[%run_scoped3A_416, %dma_wait3A_553, %dma_wait3A_554] : memref<2x128x128xf32, #tpu.memory_space<vmem>> -> memref<1x128x128xf32, #tpu.memory_space<vmem>>
      %dma_wait3A_556 = tpu.memref_squeeze %dma_wait3A_555 : memref<1x128x128xf32, #tpu.memory_space<vmem>> -> memref<128x128xf32, #tpu.memory_space<vmem>>
      %dma_wait3A_557 = arith.constant 0 : i32
      %dma_wait3A_558 = tpu.memref_slice %arg4[%add3A_415, %dma_wait3A_557] : memref<81920x128xf32, #tpu.memory_space<hbm>> -> memref<128x128xf32, #tpu.memory_space<hbm>>
      %dma_wait3A_559 = arith.constant 0 : i32
      %dma_wait3A_560 = tpu.memref_slice %arg4[%add3A_415, %dma_wait3A_559] : memref<81920x128xf32, #tpu.memory_space<hbm>> -> memref<128x128xf32, #tpu.memory_space<hbm>>
      %dma_wait3A_561 = arith.constant 0 : i32
      %dma_wait3A_562 = arith.constant 0 : i32
      %dma_wait3A_563 = tpu.memref_slice %arg6[%run_scoped3A_416, %dma_wait3A_561, %dma_wait3A_562] : memref<2x128x128xf32, #tpu.memory_space<vmem>> -> memref<1x128x128xf32, #tpu.memory_space<vmem>>
      %dma_wait3A_564 = tpu.memref_squeeze %dma_wait3A_563 : memref<1x128x128xf32, #tpu.memory_space<vmem>> -> memref<128x128xf32, #tpu.memory_space<vmem>>
      tpu.wait_dma2 semaphore(%run_scoped3A_540 : memref<!tpu.dma_semaphore, #tpu.memory_space<semaphore_mem>>) src(%dma_wait3A_564 : memref<128x128xf32, #tpu.memory_space<vmem>>) dst(%dma_wait3A_560 : memref<128x128xf32, #tpu.memory_space<hbm>>)
      tpu.yield
    }) : () -> ()
    %dma_start3A_417 = arith.constant 16 : i32
    %dma_start3A_418 = arith.constant 0 : i32
    %dma_start3A_419 = arith.constant 0 : i32
    %dma_start3A_420 = arith.constant 0 : i32
    %dma_start3A_421 = tpu.memref_slice %arg6[%dma_start3A_418, %dma_start3A_419, %dma_start3A_420] : memref<2x128x128xf32, #tpu.memory_space<vmem>> -> memref<1x128x128xf32, #tpu.memory_space<vmem>>
    %dma_start3A_422 = tpu.memref_squeeze %dma_start3A_421 : memref<1x128x128xf32, #tpu.memory_space<vmem>> -> memref<128x128xf32, #tpu.memory_space<vmem>>
    %dma_start3A_423 = arith.constant 0 : i32
    %dma_start3A_424 = tpu.memref_slice %arg5[%dma_start3A_417, %dma_start3A_423] : memref<20x128xi32, #tpu.memory_space<vmem>> -> memref<1x128xi32, #tpu.memory_space<vmem>>
    %dma_start3A_425 = tpu.memref_squeeze %dma_start3A_424 : memref<1x128xi32, #tpu.memory_space<vmem>> -> memref<128xi32, #tpu.memory_space<vmem>>
    %dma_start3A_426 = arith.constant 0 : i32
    %dma_start3A_427 = arith.constant 0 : i32
    %dma_start3A_428 = tpu.memref_slice %arg2[%dma_start3A_426, %dma_start3A_427] : memref<10000x128xf32, #tpu.memory_space<hbm>> -> memref<10000x128xf32, #tpu.memory_space<hbm>>
    tpu.enqueue_indirect_dma source(%dma_start3A_428 : memref<10000x128xf32, #tpu.memory_space<hbm>>) target(%dma_start3A_422 : memref<128x128xf32, #tpu.memory_space<vmem>>) offsets(%dma_start3A_425 : memref<128xi32, #tpu.memory_space<vmem>>) semaphore(%arg7 : memref<!tpu.dma_semaphore, #tpu.memory_space<semaphore_mem>>)
    %dma_wait3A_429 = arith.constant 15 : i32
    %dma_wait3A_430 = arith.constant 1 : i32
    %dma_wait3A_431 = arith.constant 0 : i32
    %dma_wait3A_432 = arith.constant 0 : i32
    %dma_wait3A_433 = tpu.memref_slice %arg6[%dma_wait3A_430, %dma_wait3A_431, %dma_wait3A_432] : memref<2x128x128xf32, #tpu.memory_space<vmem>> -> memref<1x128x128xf32, #tpu.memory_space<vmem>>
    %dma_wait3A_434 = tpu.memref_squeeze %dma_wait3A_433 : memref<1x128x128xf32, #tpu.memory_space<vmem>> -> memref<128x128xf32, #tpu.memory_space<vmem>>
    %dma_wait3A_435 = arith.constant 0 : i32
    %dma_wait3A_436 = tpu.memref_slice %arg5[%dma_wait3A_429, %dma_wait3A_435] : memref<20x128xi32, #tpu.memory_space<vmem>> -> memref<1x128xi32, #tpu.memory_space<vmem>>
    %dma_wait3A_437 = tpu.memref_squeeze %dma_wait3A_436 : memref<1x128xi32, #tpu.memory_space<vmem>> -> memref<128xi32, #tpu.memory_space<vmem>>
    %dma_wait3A_438 = arith.constant 0 : i32
    %dma_wait3A_439 = arith.constant 0 : i32
    %dma_wait3A_440 = tpu.memref_slice %arg2[%dma_wait3A_438, %dma_wait3A_439] : memref<10000x128xf32, #tpu.memory_space<hbm>> -> memref<10000x128xf32, #tpu.memory_space<hbm>>
    tpu.wait_indirect_dma semaphore(%arg8 : memref<!tpu.dma_semaphore, #tpu.memory_space<semaphore_mem>>) src(%dma_wait3A_440 : memref<10000x128xf32, #tpu.memory_space<hbm>>) dst(%dma_wait3A_434 : memref<128x128xf32, #tpu.memory_space<vmem>>)
    %add3A_441 = arith.constant 1920 : i32
    %add3A_442 = arith.addi %mul3A_2, %add3A_441 : i32
    %run_scoped3A_443 = arith.constant 1 : i32
    "tpu.region"() ({
      %run_scoped3A_540 = tpu.sem_alloc : memref<!tpu.dma_semaphore, #tpu.memory_space<semaphore_mem>>
      %dma_start3A_541 = arith.constant 0 : i32
      %dma_start3A_542 = arith.constant 0 : i32
      %dma_start3A_543 = tpu.memref_slice %arg6[%run_scoped3A_443, %dma_start3A_541, %dma_start3A_542] : memref<2x128x128xf32, #tpu.memory_space<vmem>> -> memref<1x128x128xf32, #tpu.memory_space<vmem>>
      %dma_start3A_544 = tpu.memref_squeeze %dma_start3A_543 : memref<1x128x128xf32, #tpu.memory_space<vmem>> -> memref<128x128xf32, #tpu.memory_space<vmem>>
      %dma_start3A_545 = arith.constant 0 : i32
      %dma_start3A_546 = tpu.memref_slice %arg4[%add3A_442, %dma_start3A_545] : memref<81920x128xf32, #tpu.memory_space<hbm>> -> memref<128x128xf32, #tpu.memory_space<hbm>>
      %dma_start3A_547 = arith.constant 0 : i32
      %dma_start3A_548 = tpu.memref_slice %arg4[%add3A_442, %dma_start3A_547] : memref<81920x128xf32, #tpu.memory_space<hbm>> -> memref<128x128xf32, #tpu.memory_space<hbm>>
      %dma_start3A_549 = arith.constant 0 : i32
      %dma_start3A_550 = arith.constant 0 : i32
      %dma_start3A_551 = tpu.memref_slice %arg6[%run_scoped3A_443, %dma_start3A_549, %dma_start3A_550] : memref<2x128x128xf32, #tpu.memory_space<vmem>> -> memref<1x128x128xf32, #tpu.memory_space<vmem>>
      %dma_start3A_552 = tpu.memref_squeeze %dma_start3A_551 : memref<1x128x128xf32, #tpu.memory_space<vmem>> -> memref<128x128xf32, #tpu.memory_space<vmem>>
      tpu.enqueue_dma source(%dma_start3A_552 : memref<128x128xf32, #tpu.memory_space<vmem>>) target(%dma_start3A_548 : memref<128x128xf32, #tpu.memory_space<hbm>>) target_semaphore(%run_scoped3A_540 : memref<!tpu.dma_semaphore, #tpu.memory_space<semaphore_mem>>)
      %dma_wait3A_553 = arith.constant 0 : i32
      %dma_wait3A_554 = arith.constant 0 : i32
      %dma_wait3A_555 = tpu.memref_slice %arg6[%run_scoped3A_443, %dma_wait3A_553, %dma_wait3A_554] : memref<2x128x128xf32, #tpu.memory_space<vmem>> -> memref<1x128x128xf32, #tpu.memory_space<vmem>>
      %dma_wait3A_556 = tpu.memref_squeeze %dma_wait3A_555 : memref<1x128x128xf32, #tpu.memory_space<vmem>> -> memref<128x128xf32, #tpu.memory_space<vmem>>
      %dma_wait3A_557 = arith.constant 0 : i32
      %dma_wait3A_558 = tpu.memref_slice %arg4[%add3A_442, %dma_wait3A_557] : memref<81920x128xf32, #tpu.memory_space<hbm>> -> memref<128x128xf32, #tpu.memory_space<hbm>>
      %dma_wait3A_559 = arith.constant 0 : i32
      %dma_wait3A_560 = tpu.memref_slice %arg4[%add3A_442, %dma_wait3A_559] : memref<81920x128xf32, #tpu.memory_space<hbm>> -> memref<128x128xf32, #tpu.memory_space<hbm>>
      %dma_wait3A_561 = arith.constant 0 : i32
      %dma_wait3A_562 = arith.constant 0 : i32
      %dma_wait3A_563 = tpu.memref_slice %arg6[%run_scoped3A_443, %dma_wait3A_561, %dma_wait3A_562] : memref<2x128x128xf32, #tpu.memory_space<vmem>> -> memref<1x128x128xf32, #tpu.memory_space<vmem>>
      %dma_wait3A_564 = tpu.memref_squeeze %dma_wait3A_563 : memref<1x128x128xf32, #tpu.memory_space<vmem>> -> memref<128x128xf32, #tpu.memory_space<vmem>>
      tpu.wait_dma2 semaphore(%run_scoped3A_540 : memref<!tpu.dma_semaphore, #tpu.memory_space<semaphore_mem>>) src(%dma_wait3A_564 : memref<128x128xf32, #tpu.memory_space<vmem>>) dst(%dma_wait3A_560 : memref<128x128xf32, #tpu.memory_space<hbm>>)
      tpu.yield
    }) : () -> ()
    %dma_start3A_444 = arith.constant 17 : i32
    %dma_start3A_445 = arith.constant 1 : i32
    %dma_start3A_446 = arith.constant 0 : i32
    %dma_start3A_447 = arith.constant 0 : i32
    %dma_start3A_448 = tpu.memref_slice %arg6[%dma_start3A_445, %dma_start3A_446, %dma_start3A_447] : memref<2x128x128xf32, #tpu.memory_space<vmem>> -> memref<1x128x128xf32, #tpu.memory_space<vmem>>
    %dma_start3A_449 = tpu.memref_squeeze %dma_start3A_448 : memref<1x128x128xf32, #tpu.memory_space<vmem>> -> memref<128x128xf32, #tpu.memory_space<vmem>>
    %dma_start3A_450 = arith.constant 0 : i32
    %dma_start3A_451 = tpu.memref_slice %arg5[%dma_start3A_444, %dma_start3A_450] : memref<20x128xi32, #tpu.memory_space<vmem>> -> memref<1x128xi32, #tpu.memory_space<vmem>>
    %dma_start3A_452 = tpu.memref_squeeze %dma_start3A_451 : memref<1x128xi32, #tpu.memory_space<vmem>> -> memref<128xi32, #tpu.memory_space<vmem>>
    %dma_start3A_453 = arith.constant 0 : i32
    %dma_start3A_454 = arith.constant 0 : i32
    %dma_start3A_455 = tpu.memref_slice %arg2[%dma_start3A_453, %dma_start3A_454] : memref<10000x128xf32, #tpu.memory_space<hbm>> -> memref<10000x128xf32, #tpu.memory_space<hbm>>
    tpu.enqueue_indirect_dma source(%dma_start3A_455 : memref<10000x128xf32, #tpu.memory_space<hbm>>) target(%dma_start3A_449 : memref<128x128xf32, #tpu.memory_space<vmem>>) offsets(%dma_start3A_452 : memref<128xi32, #tpu.memory_space<vmem>>) semaphore(%arg8 : memref<!tpu.dma_semaphore, #tpu.memory_space<semaphore_mem>>)
    %dma_wait3A_456 = arith.constant 16 : i32
    %dma_wait3A_457 = arith.constant 0 : i32
    %dma_wait3A_458 = arith.constant 0 : i32
    %dma_wait3A_459 = arith.constant 0 : i32
    %dma_wait3A_460 = tpu.memref_slice %arg6[%dma_wait3A_457, %dma_wait3A_458, %dma_wait3A_459] : memref<2x128x128xf32, #tpu.memory_space<vmem>> -> memref<1x128x128xf32, #tpu.memory_space<vmem>>
    %dma_wait3A_461 = tpu.memref_squeeze %dma_wait3A_460 : memref<1x128x128xf32, #tpu.memory_space<vmem>> -> memref<128x128xf32, #tpu.memory_space<vmem>>
    %dma_wait3A_462 = arith.constant 0 : i32
    %dma_wait3A_463 = tpu.memref_slice %arg5[%dma_wait3A_456, %dma_wait3A_462] : memref<20x128xi32, #tpu.memory_space<vmem>> -> memref<1x128xi32, #tpu.memory_space<vmem>>
    %dma_wait3A_464 = tpu.memref_squeeze %dma_wait3A_463 : memref<1x128xi32, #tpu.memory_space<vmem>> -> memref<128xi32, #tpu.memory_space<vmem>>
    %dma_wait3A_465 = arith.constant 0 : i32
    %dma_wait3A_466 = arith.constant 0 : i32
    %dma_wait3A_467 = tpu.memref_slice %arg2[%dma_wait3A_465, %dma_wait3A_466] : memref<10000x128xf32, #tpu.memory_space<hbm>> -> memref<10000x128xf32, #tpu.memory_space<hbm>>
    tpu.wait_indirect_dma semaphore(%arg7 : memref<!tpu.dma_semaphore, #tpu.memory_space<semaphore_mem>>) src(%dma_wait3A_467 : memref<10000x128xf32, #tpu.memory_space<hbm>>) dst(%dma_wait3A_461 : memref<128x128xf32, #tpu.memory_space<vmem>>)
    %add3A_468 = arith.constant 2048 : i32
    %add3A_469 = arith.addi %mul3A_2, %add3A_468 : i32
    %run_scoped3A_470 = arith.constant 0 : i32
    "tpu.region"() ({
      %run_scoped3A_540 = tpu.sem_alloc : memref<!tpu.dma_semaphore, #tpu.memory_space<semaphore_mem>>
      %dma_start3A_541 = arith.constant 0 : i32
      %dma_start3A_542 = arith.constant 0 : i32
      %dma_start3A_543 = tpu.memref_slice %arg6[%run_scoped3A_470, %dma_start3A_541, %dma_start3A_542] : memref<2x128x128xf32, #tpu.memory_space<vmem>> -> memref<1x128x128xf32, #tpu.memory_space<vmem>>
      %dma_start3A_544 = tpu.memref_squeeze %dma_start3A_543 : memref<1x128x128xf32, #tpu.memory_space<vmem>> -> memref<128x128xf32, #tpu.memory_space<vmem>>
      %dma_start3A_545 = arith.constant 0 : i32
      %dma_start3A_546 = tpu.memref_slice %arg4[%add3A_469, %dma_start3A_545] : memref<81920x128xf32, #tpu.memory_space<hbm>> -> memref<128x128xf32, #tpu.memory_space<hbm>>
      %dma_start3A_547 = arith.constant 0 : i32
      %dma_start3A_548 = tpu.memref_slice %arg4[%add3A_469, %dma_start3A_547] : memref<81920x128xf32, #tpu.memory_space<hbm>> -> memref<128x128xf32, #tpu.memory_space<hbm>>
      %dma_start3A_549 = arith.constant 0 : i32
      %dma_start3A_550 = arith.constant 0 : i32
      %dma_start3A_551 = tpu.memref_slice %arg6[%run_scoped3A_470, %dma_start3A_549, %dma_start3A_550] : memref<2x128x128xf32, #tpu.memory_space<vmem>> -> memref<1x128x128xf32, #tpu.memory_space<vmem>>
      %dma_start3A_552 = tpu.memref_squeeze %dma_start3A_551 : memref<1x128x128xf32, #tpu.memory_space<vmem>> -> memref<128x128xf32, #tpu.memory_space<vmem>>
      tpu.enqueue_dma source(%dma_start3A_552 : memref<128x128xf32, #tpu.memory_space<vmem>>) target(%dma_start3A_548 : memref<128x128xf32, #tpu.memory_space<hbm>>) target_semaphore(%run_scoped3A_540 : memref<!tpu.dma_semaphore, #tpu.memory_space<semaphore_mem>>)
      %dma_wait3A_553 = arith.constant 0 : i32
      %dma_wait3A_554 = arith.constant 0 : i32
      %dma_wait3A_555 = tpu.memref_slice %arg6[%run_scoped3A_470, %dma_wait3A_553, %dma_wait3A_554] : memref<2x128x128xf32, #tpu.memory_space<vmem>> -> memref<1x128x128xf32, #tpu.memory_space<vmem>>
      %dma_wait3A_556 = tpu.memref_squeeze %dma_wait3A_555 : memref<1x128x128xf32, #tpu.memory_space<vmem>> -> memref<128x128xf32, #tpu.memory_space<vmem>>
      %dma_wait3A_557 = arith.constant 0 : i32
      %dma_wait3A_558 = tpu.memref_slice %arg4[%add3A_469, %dma_wait3A_557] : memref<81920x128xf32, #tpu.memory_space<hbm>> -> memref<128x128xf32, #tpu.memory_space<hbm>>
      %dma_wait3A_559 = arith.constant 0 : i32
      %dma_wait3A_560 = tpu.memref_slice %arg4[%add3A_469, %dma_wait3A_559] : memref<81920x128xf32, #tpu.memory_space<hbm>> -> memref<128x128xf32, #tpu.memory_space<hbm>>
      %dma_wait3A_561 = arith.constant 0 : i32
      %dma_wait3A_562 = arith.constant 0 : i32
      %dma_wait3A_563 = tpu.memref_slice %arg6[%run_scoped3A_470, %dma_wait3A_561, %dma_wait3A_562] : memref<2x128x128xf32, #tpu.memory_space<vmem>> -> memref<1x128x128xf32, #tpu.memory_space<vmem>>
      %dma_wait3A_564 = tpu.memref_squeeze %dma_wait3A_563 : memref<1x128x128xf32, #tpu.memory_space<vmem>> -> memref<128x128xf32, #tpu.memory_space<vmem>>
      tpu.wait_dma2 semaphore(%run_scoped3A_540 : memref<!tpu.dma_semaphore, #tpu.memory_space<semaphore_mem>>) src(%dma_wait3A_564 : memref<128x128xf32, #tpu.memory_space<vmem>>) dst(%dma_wait3A_560 : memref<128x128xf32, #tpu.memory_space<hbm>>)
      tpu.yield
    }) : () -> ()
    %dma_start3A_471 = arith.constant 18 : i32
    %dma_start3A_472 = arith.constant 0 : i32
    %dma_start3A_473 = arith.constant 0 : i32
    %dma_start3A_474 = arith.constant 0 : i32
    %dma_start3A_475 = tpu.memref_slice %arg6[%dma_start3A_472, %dma_start3A_473, %dma_start3A_474] : memref<2x128x128xf32, #tpu.memory_space<vmem>> -> memref<1x128x128xf32, #tpu.memory_space<vmem>>
    %dma_start3A_476 = tpu.memref_squeeze %dma_start3A_475 : memref<1x128x128xf32, #tpu.memory_space<vmem>> -> memref<128x128xf32, #tpu.memory_space<vmem>>
    %dma_start3A_477 = arith.constant 0 : i32
    %dma_start3A_478 = tpu.memref_slice %arg5[%dma_start3A_471, %dma_start3A_477] : memref<20x128xi32, #tpu.memory_space<vmem>> -> memref<1x128xi32, #tpu.memory_space<vmem>>
    %dma_start3A_479 = tpu.memref_squeeze %dma_start3A_478 : memref<1x128xi32, #tpu.memory_space<vmem>> -> memref<128xi32, #tpu.memory_space<vmem>>
    %dma_start3A_480 = arith.constant 0 : i32
    %dma_start3A_481 = arith.constant 0 : i32
    %dma_start3A_482 = tpu.memref_slice %arg2[%dma_start3A_480, %dma_start3A_481] : memref<10000x128xf32, #tpu.memory_space<hbm>> -> memref<10000x128xf32, #tpu.memory_space<hbm>>
    tpu.enqueue_indirect_dma source(%dma_start3A_482 : memref<10000x128xf32, #tpu.memory_space<hbm>>) target(%dma_start3A_476 : memref<128x128xf32, #tpu.memory_space<vmem>>) offsets(%dma_start3A_479 : memref<128xi32, #tpu.memory_space<vmem>>) semaphore(%arg7 : memref<!tpu.dma_semaphore, #tpu.memory_space<semaphore_mem>>)
    %dma_wait3A_483 = arith.constant 17 : i32
    %dma_wait3A_484 = arith.constant 1 : i32
    %dma_wait3A_485 = arith.constant 0 : i32
    %dma_wait3A_486 = arith.constant 0 : i32
    %dma_wait3A_487 = tpu.memref_slice %arg6[%dma_wait3A_484, %dma_wait3A_485, %dma_wait3A_486] : memref<2x128x128xf32, #tpu.memory_space<vmem>> -> memref<1x128x128xf32, #tpu.memory_space<vmem>>
    %dma_wait3A_488 = tpu.memref_squeeze %dma_wait3A_487 : memref<1x128x128xf32, #tpu.memory_space<vmem>> -> memref<128x128xf32, #tpu.memory_space<vmem>>
    %dma_wait3A_489 = arith.constant 0 : i32
    %dma_wait3A_490 = tpu.memref_slice %arg5[%dma_wait3A_483, %dma_wait3A_489] : memref<20x128xi32, #tpu.memory_space<vmem>> -> memref<1x128xi32, #tpu.memory_space<vmem>>
    %dma_wait3A_491 = tpu.memref_squeeze %dma_wait3A_490 : memref<1x128xi32, #tpu.memory_space<vmem>> -> memref<128xi32, #tpu.memory_space<vmem>>
    %dma_wait3A_492 = arith.constant 0 : i32
    %dma_wait3A_493 = arith.constant 0 : i32
    %dma_wait3A_494 = tpu.memref_slice %arg2[%dma_wait3A_492, %dma_wait3A_493] : memref<10000x128xf32, #tpu.memory_space<hbm>> -> memref<10000x128xf32, #tpu.memory_space<hbm>>
    tpu.wait_indirect_dma semaphore(%arg8 : memref<!tpu.dma_semaphore, #tpu.memory_space<semaphore_mem>>) src(%dma_wait3A_494 : memref<10000x128xf32, #tpu.memory_space<hbm>>) dst(%dma_wait3A_488 : memref<128x128xf32, #tpu.memory_space<vmem>>)
    %add3A_495 = arith.constant 2176 : i32
    %add3A_496 = arith.addi %mul3A_2, %add3A_495 : i32
    %run_scoped3A_497 = arith.constant 1 : i32
    "tpu.region"() ({
      %run_scoped3A_540 = tpu.sem_alloc : memref<!tpu.dma_semaphore, #tpu.memory_space<semaphore_mem>>
      %dma_start3A_541 = arith.constant 0 : i32
      %dma_start3A_542 = arith.constant 0 : i32
      %dma_start3A_543 = tpu.memref_slice %arg6[%run_scoped3A_497, %dma_start3A_541, %dma_start3A_542] : memref<2x128x128xf32, #tpu.memory_space<vmem>> -> memref<1x128x128xf32, #tpu.memory_space<vmem>>
      %dma_start3A_544 = tpu.memref_squeeze %dma_start3A_543 : memref<1x128x128xf32, #tpu.memory_space<vmem>> -> memref<128x128xf32, #tpu.memory_space<vmem>>
      %dma_start3A_545 = arith.constant 0 : i32
      %dma_start3A_546 = tpu.memref_slice %arg4[%add3A_496, %dma_start3A_545] : memref<81920x128xf32, #tpu.memory_space<hbm>> -> memref<128x128xf32, #tpu.memory_space<hbm>>
      %dma_start3A_547 = arith.constant 0 : i32
      %dma_start3A_548 = tpu.memref_slice %arg4[%add3A_496, %dma_start3A_547] : memref<81920x128xf32, #tpu.memory_space<hbm>> -> memref<128x128xf32, #tpu.memory_space<hbm>>
      %dma_start3A_549 = arith.constant 0 : i32
      %dma_start3A_550 = arith.constant 0 : i32
      %dma_start3A_551 = tpu.memref_slice %arg6[%run_scoped3A_497, %dma_start3A_549, %dma_start3A_550] : memref<2x128x128xf32, #tpu.memory_space<vmem>> -> memref<1x128x128xf32, #tpu.memory_space<vmem>>
      %dma_start3A_552 = tpu.memref_squeeze %dma_start3A_551 : memref<1x128x128xf32, #tpu.memory_space<vmem>> -> memref<128x128xf32, #tpu.memory_space<vmem>>
      tpu.enqueue_dma source(%dma_start3A_552 : memref<128x128xf32, #tpu.memory_space<vmem>>) target(%dma_start3A_548 : memref<128x128xf32, #tpu.memory_space<hbm>>) target_semaphore(%run_scoped3A_540 : memref<!tpu.dma_semaphore, #tpu.memory_space<semaphore_mem>>)
      %dma_wait3A_553 = arith.constant 0 : i32
      %dma_wait3A_554 = arith.constant 0 : i32
      %dma_wait3A_555 = tpu.memref_slice %arg6[%run_scoped3A_497, %dma_wait3A_553, %dma_wait3A_554] : memref<2x128x128xf32, #tpu.memory_space<vmem>> -> memref<1x128x128xf32, #tpu.memory_space<vmem>>
      %dma_wait3A_556 = tpu.memref_squeeze %dma_wait3A_555 : memref<1x128x128xf32, #tpu.memory_space<vmem>> -> memref<128x128xf32, #tpu.memory_space<vmem>>
      %dma_wait3A_557 = arith.constant 0 : i32
      %dma_wait3A_558 = tpu.memref_slice %arg4[%add3A_496, %dma_wait3A_557] : memref<81920x128xf32, #tpu.memory_space<hbm>> -> memref<128x128xf32, #tpu.memory_space<hbm>>
      %dma_wait3A_559 = arith.constant 0 : i32
      %dma_wait3A_560 = tpu.memref_slice %arg4[%add3A_496, %dma_wait3A_559] : memref<81920x128xf32, #tpu.memory_space<hbm>> -> memref<128x128xf32, #tpu.memory_space<hbm>>
      %dma_wait3A_561 = arith.constant 0 : i32
      %dma_wait3A_562 = arith.constant 0 : i32
      %dma_wait3A_563 = tpu.memref_slice %arg6[%run_scoped3A_497, %dma_wait3A_561, %dma_wait3A_562] : memref<2x128x128xf32, #tpu.memory_space<vmem>> -> memref<1x128x128xf32, #tpu.memory_space<vmem>>
      %dma_wait3A_564 = tpu.memref_squeeze %dma_wait3A_563 : memref<1x128x128xf32, #tpu.memory_space<vmem>> -> memref<128x128xf32, #tpu.memory_space<vmem>>
      tpu.wait_dma2 semaphore(%run_scoped3A_540 : memref<!tpu.dma_semaphore, #tpu.memory_space<semaphore_mem>>) src(%dma_wait3A_564 : memref<128x128xf32, #tpu.memory_space<vmem>>) dst(%dma_wait3A_560 : memref<128x128xf32, #tpu.memory_space<hbm>>)
      tpu.yield
    }) : () -> ()
    %dma_start3A_498 = arith.constant 19 : i32
    %dma_start3A_499 = arith.constant 1 : i32
    %dma_start3A_500 = arith.constant 0 : i32
    %dma_start3A_501 = arith.constant 0 : i32
    %dma_start3A_502 = tpu.memref_slice %arg6[%dma_start3A_499, %dma_start3A_500, %dma_start3A_501] : memref<2x128x128xf32, #tpu.memory_space<vmem>> -> memref<1x128x128xf32, #tpu.memory_space<vmem>>
    %dma_start3A_503 = tpu.memref_squeeze %dma_start3A_502 : memref<1x128x128xf32, #tpu.memory_space<vmem>> -> memref<128x128xf32, #tpu.memory_space<vmem>>
    %dma_start3A_504 = arith.constant 0 : i32
    %dma_start3A_505 = tpu.memref_slice %arg5[%dma_start3A_498, %dma_start3A_504] : memref<20x128xi32, #tpu.memory_space<vmem>> -> memref<1x128xi32, #tpu.memory_space<vmem>>
    %dma_start3A_506 = tpu.memref_squeeze %dma_start3A_505 : memref<1x128xi32, #tpu.memory_space<vmem>> -> memref<128xi32, #tpu.memory_space<vmem>>
    %dma_start3A_507 = arith.constant 0 : i32
    %dma_start3A_508 = arith.constant 0 : i32
    %dma_start3A_509 = tpu.memref_slice %arg2[%dma_start3A_507, %dma_start3A_508] : memref<10000x128xf32, #tpu.memory_space<hbm>> -> memref<10000x128xf32, #tpu.memory_space<hbm>>
    tpu.enqueue_indirect_dma source(%dma_start3A_509 : memref<10000x128xf32, #tpu.memory_space<hbm>>) target(%dma_start3A_503 : memref<128x128xf32, #tpu.memory_space<vmem>>) offsets(%dma_start3A_506 : memref<128xi32, #tpu.memory_space<vmem>>) semaphore(%arg8 : memref<!tpu.dma_semaphore, #tpu.memory_space<semaphore_mem>>)
    %dma_wait3A_510 = arith.constant 18 : i32
    %dma_wait3A_511 = arith.constant 0 : i32
    %dma_wait3A_512 = arith.constant 0 : i32
    %dma_wait3A_513 = arith.constant 0 : i32
    %dma_wait3A_514 = tpu.memref_slice %arg6[%dma_wait3A_511, %dma_wait3A_512, %dma_wait3A_513] : memref<2x128x128xf32, #tpu.memory_space<vmem>> -> memref<1x128x128xf32, #tpu.memory_space<vmem>>
    %dma_wait3A_515 = tpu.memref_squeeze %dma_wait3A_514 : memref<1x128x128xf32, #tpu.memory_space<vmem>> -> memref<128x128xf32, #tpu.memory_space<vmem>>
    %dma_wait3A_516 = arith.constant 0 : i32
    %dma_wait3A_517 = tpu.memref_slice %arg5[%dma_wait3A_510, %dma_wait3A_516] : memref<20x128xi32, #tpu.memory_space<vmem>> -> memref<1x128xi32, #tpu.memory_space<vmem>>
    %dma_wait3A_518 = tpu.memref_squeeze %dma_wait3A_517 : memref<1x128xi32, #tpu.memory_space<vmem>> -> memref<128xi32, #tpu.memory_space<vmem>>
    %dma_wait3A_519 = arith.constant 0 : i32
    %dma_wait3A_520 = arith.constant 0 : i32
    %dma_wait3A_521 = tpu.memref_slice %arg2[%dma_wait3A_519, %dma_wait3A_520] : memref<10000x128xf32, #tpu.memory_space<hbm>> -> memref<10000x128xf32, #tpu.memory_space<hbm>>
    tpu.wait_indirect_dma semaphore(%arg7 : memref<!tpu.dma_semaphore, #tpu.memory_space<semaphore_mem>>) src(%dma_wait3A_521 : memref<10000x128xf32, #tpu.memory_space<hbm>>) dst(%dma_wait3A_515 : memref<128x128xf32, #tpu.memory_space<vmem>>)
    %add3A_522 = arith.constant 2304 : i32
    %add3A_523 = arith.addi %mul3A_2, %add3A_522 : i32
    %run_scoped3A_524 = arith.constant 0 : i32
    "tpu.region"() ({
      %run_scoped3A_540 = tpu.sem_alloc : memref<!tpu.dma_semaphore, #tpu.memory_space<semaphore_mem>>
      %dma_start3A_541 = arith.constant 0 : i32
      %dma_start3A_542 = arith.constant 0 : i32
      %dma_start3A_543 = tpu.memref_slice %arg6[%run_scoped3A_524, %dma_start3A_541, %dma_start3A_542] : memref<2x128x128xf32, #tpu.memory_space<vmem>> -> memref<1x128x128xf32, #tpu.memory_space<vmem>>
      %dma_start3A_544 = tpu.memref_squeeze %dma_start3A_543 : memref<1x128x128xf32, #tpu.memory_space<vmem>> -> memref<128x128xf32, #tpu.memory_space<vmem>>
      %dma_start3A_545 = arith.constant 0 : i32
      %dma_start3A_546 = tpu.memref_slice %arg4[%add3A_523, %dma_start3A_545] : memref<81920x128xf32, #tpu.memory_space<hbm>> -> memref<128x128xf32, #tpu.memory_space<hbm>>
      %dma_start3A_547 = arith.constant 0 : i32
      %dma_start3A_548 = tpu.memref_slice %arg4[%add3A_523, %dma_start3A_547] : memref<81920x128xf32, #tpu.memory_space<hbm>> -> memref<128x128xf32, #tpu.memory_space<hbm>>
      %dma_start3A_549 = arith.constant 0 : i32
      %dma_start3A_550 = arith.constant 0 : i32
      %dma_start3A_551 = tpu.memref_slice %arg6[%run_scoped3A_524, %dma_start3A_549, %dma_start3A_550] : memref<2x128x128xf32, #tpu.memory_space<vmem>> -> memref<1x128x128xf32, #tpu.memory_space<vmem>>
      %dma_start3A_552 = tpu.memref_squeeze %dma_start3A_551 : memref<1x128x128xf32, #tpu.memory_space<vmem>> -> memref<128x128xf32, #tpu.memory_space<vmem>>
      tpu.enqueue_dma source(%dma_start3A_552 : memref<128x128xf32, #tpu.memory_space<vmem>>) target(%dma_start3A_548 : memref<128x128xf32, #tpu.memory_space<hbm>>) target_semaphore(%run_scoped3A_540 : memref<!tpu.dma_semaphore, #tpu.memory_space<semaphore_mem>>)
      %dma_wait3A_553 = arith.constant 0 : i32
      %dma_wait3A_554 = arith.constant 0 : i32
      %dma_wait3A_555 = tpu.memref_slice %arg6[%run_scoped3A_524, %dma_wait3A_553, %dma_wait3A_554] : memref<2x128x128xf32, #tpu.memory_space<vmem>> -> memref<1x128x128xf32, #tpu.memory_space<vmem>>
      %dma_wait3A_556 = tpu.memref_squeeze %dma_wait3A_555 : memref<1x128x128xf32, #tpu.memory_space<vmem>> -> memref<128x128xf32, #tpu.memory_space<vmem>>
      %dma_wait3A_557 = arith.constant 0 : i32
      %dma_wait3A_558 = tpu.memref_slice %arg4[%add3A_523, %dma_wait3A_557] : memref<81920x128xf32, #tpu.memory_space<hbm>> -> memref<128x128xf32, #tpu.memory_space<hbm>>
      %dma_wait3A_559 = arith.constant 0 : i32
      %dma_wait3A_560 = tpu.memref_slice %arg4[%add3A_523, %dma_wait3A_559] : memref<81920x128xf32, #tpu.memory_space<hbm>> -> memref<128x128xf32, #tpu.memory_space<hbm>>
      %dma_wait3A_561 = arith.constant 0 : i32
      %dma_wait3A_562 = arith.constant 0 : i32
      %dma_wait3A_563 = tpu.memref_slice %arg6[%run_scoped3A_524, %dma_wait3A_561, %dma_wait3A_562] : memref<2x128x128xf32, #tpu.memory_space<vmem>> -> memref<1x128x128xf32, #tpu.memory_space<vmem>>
      %dma_wait3A_564 = tpu.memref_squeeze %dma_wait3A_563 : memref<1x128x128xf32, #tpu.memory_space<vmem>> -> memref<128x128xf32, #tpu.memory_space<vmem>>
      tpu.wait_dma2 semaphore(%run_scoped3A_540 : memref<!tpu.dma_semaphore, #tpu.memory_space<semaphore_mem>>) src(%dma_wait3A_564 : memref<128x128xf32, #tpu.memory_space<vmem>>) dst(%dma_wait3A_560 : memref<128x128xf32, #tpu.memory_space<hbm>>)
      tpu.yield
    }) : () -> ()
    %dma_wait3A_525 = arith.constant 19 : i32
    %dma_wait3A_526 = arith.constant 1 : i32
    %dma_wait3A_527 = arith.constant 0 : i32
    %dma_wait3A_528 = arith.constant 0 : i32
    %dma_wait3A_529 = tpu.memref_slice %arg6[%dma_wait3A_526, %dma_wait3A_527, %dma_wait3A_528] : memref<2x128x128xf32, #tpu.memory_space<vmem>> -> memref<1x128x128xf32, #tpu.memory_space<vmem>>
    %dma_wait3A_530 = tpu.memref_squeeze %dma_wait3A_529 : memref<1x128x128xf32, #tpu.memory_space<vmem>> -> memref<128x128xf32, #tpu.memory_space<vmem>>
    %dma_wait3A_531 = arith.constant 0 : i32
    %dma_wait3A_532 = tpu.memref_slice %arg5[%dma_wait3A_525, %dma_wait3A_531] : memref<20x128xi32, #tpu.memory_space<vmem>> -> memref<1x128xi32, #tpu.memory_space<vmem>>
    %dma_wait3A_533 = tpu.memref_squeeze %dma_wait3A_532 : memref<1x128xi32, #tpu.memory_space<vmem>> -> memref<128xi32, #tpu.memory_space<vmem>>
    %dma_wait3A_534 = arith.constant 0 : i32
    %dma_wait3A_535 = arith.constant 0 : i32
    %dma_wait3A_536 = tpu.memref_slice %arg2[%dma_wait3A_534, %dma_wait3A_535] : memref<10000x128xf32, #tpu.memory_space<hbm>> -> memref<10000x128xf32, #tpu.memory_space<hbm>>
    tpu.wait_indirect_dma semaphore(%arg8 : memref<!tpu.dma_semaphore, #tpu.memory_space<semaphore_mem>>) src(%dma_wait3A_536 : memref<10000x128xf32, #tpu.memory_space<hbm>>) dst(%dma_wait3A_530 : memref<128x128xf32, #tpu.memory_space<vmem>>)
    %add3A_537 = arith.constant 2432 : i32
    %add3A_538 = arith.addi %mul3A_2, %add3A_537 : i32
    %run_scoped3A_539 = arith.constant 1 : i32
    "tpu.region"() ({
      %run_scoped3A_540 = tpu.sem_alloc : memref<!tpu.dma_semaphore, #tpu.memory_space<semaphore_mem>>
      %dma_start3A_541 = arith.constant 0 : i32
      %dma_start3A_542 = arith.constant 0 : i32
      %dma_start3A_543 = tpu.memref_slice %arg6[%run_scoped3A_539, %dma_start3A_541, %dma_start3A_542] : memref<2x128x128xf32, #tpu.memory_space<vmem>> -> memref<1x128x128xf32, #tpu.memory_space<vmem>>
      %dma_start3A_544 = tpu.memref_squeeze %dma_start3A_543 : memref<1x128x128xf32, #tpu.memory_space<vmem>> -> memref<128x128xf32, #tpu.memory_space<vmem>>
      %dma_start3A_545 = arith.constant 0 : i32
      %dma_start3A_546 = tpu.memref_slice %arg4[%add3A_538, %dma_start3A_545] : memref<81920x128xf32, #tpu.memory_space<hbm>> -> memref<128x128xf32, #tpu.memory_space<hbm>>
      %dma_start3A_547 = arith.constant 0 : i32
      %dma_start3A_548 = tpu.memref_slice %arg4[%add3A_538, %dma_start3A_547] : memref<81920x128xf32, #tpu.memory_space<hbm>> -> memref<128x128xf32, #tpu.memory_space<hbm>>
      %dma_start3A_549 = arith.constant 0 : i32
      %dma_start3A_550 = arith.constant 0 : i32
      %dma_start3A_551 = tpu.memref_slice %arg6[%run_scoped3A_539, %dma_start3A_549, %dma_start3A_550] : memref<2x128x128xf32, #tpu.memory_space<vmem>> -> memref<1x128x128xf32, #tpu.memory_space<vmem>>
      %dma_start3A_552 = tpu.memref_squeeze %dma_start3A_551 : memref<1x128x128xf32, #tpu.memory_space<vmem>> -> memref<128x128xf32, #tpu.memory_space<vmem>>
      tpu.enqueue_dma source(%dma_start3A_552 : memref<128x128xf32, #tpu.memory_space<vmem>>) target(%dma_start3A_548 : memref<128x128xf32, #tpu.memory_space<hbm>>) target_semaphore(%run_scoped3A_540 : memref<!tpu.dma_semaphore, #tpu.memory_space<semaphore_mem>>)
      %dma_wait3A_553 = arith.constant 0 : i32
      %dma_wait3A_554 = arith.constant 0 : i32
      %dma_wait3A_555 = tpu.memref_slice %arg6[%run_scoped3A_539, %dma_wait3A_553, %dma_wait3A_554] : memref<2x128x128xf32, #tpu.memory_space<vmem>> -> memref<1x128x128xf32, #tpu.memory_space<vmem>>
      %dma_wait3A_556 = tpu.memref_squeeze %dma_wait3A_555 : memref<1x128x128xf32, #tpu.memory_space<vmem>> -> memref<128x128xf32, #tpu.memory_space<vmem>>
      %dma_wait3A_557 = arith.constant 0 : i32
      %dma_wait3A_558 = tpu.memref_slice %arg4[%add3A_538, %dma_wait3A_557] : memref<81920x128xf32, #tpu.memory_space<hbm>> -> memref<128x128xf32, #tpu.memory_space<hbm>>
      %dma_wait3A_559 = arith.constant 0 : i32
      %dma_wait3A_560 = tpu.memref_slice %arg4[%add3A_538, %dma_wait3A_559] : memref<81920x128xf32, #tpu.memory_space<hbm>> -> memref<128x128xf32, #tpu.memory_space<hbm>>
      %dma_wait3A_561 = arith.constant 0 : i32
      %dma_wait3A_562 = arith.constant 0 : i32
      %dma_wait3A_563 = tpu.memref_slice %arg6[%run_scoped3A_539, %dma_wait3A_561, %dma_wait3A_562] : memref<2x128x128xf32, #tpu.memory_space<vmem>> -> memref<1x128x128xf32, #tpu.memory_space<vmem>>
      %dma_wait3A_564 = tpu.memref_squeeze %dma_wait3A_563 : memref<1x128x128xf32, #tpu.memory_space<vmem>> -> memref<128x128xf32, #tpu.memory_space<vmem>>
      tpu.wait_dma2 semaphore(%run_scoped3A_540 : memref<!tpu.dma_semaphore, #tpu.memory_space<semaphore_mem>>) src(%dma_wait3A_564 : memref<128x128xf32, #tpu.memory_space<vmem>>) dst(%dma_wait3A_560 : memref<128x128xf32, #tpu.memory_space<hbm>>)
      tpu.yield
    }) : () -> ()
    return
  }
}

module attributes {stable_mosaic.version = 14 : i64} {
  func.func @_tc_body(%arg0: i32, %arg1: i32, %arg2: memref<400x128xf32, #tpu.memory_space<vmem>>, %arg3: memref<3200x128xf32, #tpu.memory_space<vmem>>, %arg4: memref<3200x128xbf16, #tpu.memory_space<vmem>>, %arg5: memref<3200x128xf32, #tpu.memory_space<vmem>>, %arg6: memref<400x8xf32, #tpu.memory_space<vmem>>, %arg7: memref<400x8x8xf32, #tpu.memory_space<vmem>>, %arg8: memref<128x8xf32, #tpu.memory_space<vmem>>, %arg9: memref<8x128x32xbf16, #tpu.memory_space<vmem>>, %arg10: memref<8x32x128xbf16, #tpu.memory_space<vmem>>, %arg11: memref<8x32xf32, #tpu.memory_space<vmem>>, %arg12: memref<32x32xf32, #tpu.memory_space<vmem>>, %arg13: memref<1x1x128xf32, #tpu.memory_space<vmem>>, %arg14: memref<1x1x128xf32, #tpu.memory_space<vmem>>, %arg15: memref<1x128x128xbf16, #tpu.memory_space<vmem>>, %arg16: memref<1x1x128xf32, #tpu.memory_space<vmem>>, %arg17: memref<1x256x128xbf16, #tpu.memory_space<vmem>>, %arg18: memref<1x1x128xf32, #tpu.memory_space<vmem>>, %arg19: memref<1x256x128xbf16, #tpu.memory_space<vmem>>, %arg20: memref<1x1x128xf32, #tpu.memory_space<vmem>>, %arg21: memref<1x128x128xbf16, #tpu.memory_space<vmem>>, %arg22: memref<1x1x128xf32, #tpu.memory_space<vmem>>, %arg23: memref<1x128x128xbf16, #tpu.memory_space<vmem>>, %arg24: memref<1x1x128xf32, #tpu.memory_space<vmem>>, %arg25: memref<1x128x128xbf16, #tpu.memory_space<vmem>>, %arg26: memref<1x1x128xf32, #tpu.memory_space<vmem>>, %arg27: memref<1x128x128xbf16, #tpu.memory_space<vmem>>, %arg28: memref<1x1x128xf32, #tpu.memory_space<vmem>>, %arg29: memref<1x1x128xf32, #tpu.memory_space<vmem>>, %arg30: memref<1x1x128xf32, #tpu.memory_space<vmem>>, %arg31: memref<1x1x128xf32, #tpu.memory_space<vmem>>, %arg32: memref<1x1x128xf32, #tpu.memory_space<vmem>>, %arg33: memref<1x128x128xbf16, #tpu.memory_space<vmem>>, %arg34: memref<1x1x128xf32, #tpu.memory_space<vmem>>, %arg35: memref<1x128x128xbf16, #tpu.memory_space<vmem>>, %arg36: memref<1x1x128xf32, #tpu.memory_space<vmem>>, %arg37: memref<1x128x128xbf16, #tpu.memory_space<vmem>>, %arg38: memref<1x1x128xf32, #tpu.memory_space<vmem>>, %arg39: memref<1x128x128xbf16, #tpu.memory_space<vmem>>, %arg40: memref<1x1x128xf32, #tpu.memory_space<vmem>>, %arg41: memref<400x128xf32, #tpu.memory_space<vmem>>, %arg42: memref<3200x128xf32, #tpu.memory_space<vmem>>, %arg43: memref<400x128xf32, #tpu.memory_space<vmem>>, %arg44: memref<3200x128xf32, #tpu.memory_space<vmem>>, %arg45: memref<400x8xf32, #tpu.memory_space<vmem>>) attributes {dimension_semantics = [#tpu.dimension_semantics<arbitrary>, #tpu.dimension_semantics<arbitrary>], iteration_bounds = array<i64: 25, 8>, scalar_prefetch = 0 : i64, scratch_operands = 3 : i64, tpu.core_type = #tpu.core_type<tc>, window_params = [{transform_indices = @transform_0, window_bounds = array<i64: 400, 128>}, {transform_indices = @transform_1, window_bounds = array<i64: 3200, 128>}, {transform_indices = @transform_2, window_bounds = array<i64: 3200, 128>}, {transform_indices = @transform_3, window_bounds = array<i64: 3200, 128>}, {transform_indices = @transform_4, window_bounds = array<i64: 400, 8>}, {transform_indices = @transform_5, window_bounds = array<i64: 400, 8, 8>}, {pipeline_mode = #tpu.pipeline_mode<synchronous>, transform_indices = @transform_6, window_bounds = array<i64: 128, 8>}, {pipeline_mode = #tpu.pipeline_mode<synchronous>, transform_indices = @transform_7, window_bounds = array<i64: 8, 128, 32>}, {pipeline_mode = #tpu.pipeline_mode<synchronous>, transform_indices = @transform_8, window_bounds = array<i64: 8, 32, 128>}, {pipeline_mode = #tpu.pipeline_mode<synchronous>, transform_indices = @transform_9, window_bounds = array<i64: 8, 32>}, {pipeline_mode = #tpu.pipeline_mode<synchronous>, transform_indices = @transform_10, window_bounds = array<i64: 32, 32>}, {transform_indices = @transform_11, window_bounds = array<i64: 1, 1, 128>}, {transform_indices = @transform_12, window_bounds = array<i64: 1, 1, 128>}, {transform_indices = @transform_13, window_bounds = array<i64: 1, 128, 128>}, {transform_indices = @transform_14, window_bounds = array<i64: 1, 1, 128>}, {transform_indices = @transform_15, window_bounds = array<i64: 1, 256, 128>}, {transform_indices = @transform_16, window_bounds = array<i64: 1, 1, 128>}, {transform_indices = @transform_17, window_bounds = array<i64: 1, 256, 128>}, {transform_indices = @transform_18, window_bounds = array<i64: 1, 1, 128>}, {transform_indices = @transform_19, window_bounds = array<i64: 1, 128, 128>}, {transform_indices = @transform_20, window_bounds = array<i64: 1, 1, 128>}, {transform_indices = @transform_21, window_bounds = array<i64: 1, 128, 128>}, {transform_indices = @transform_22, window_bounds = array<i64: 1, 1, 128>}, {transform_indices = @transform_23, window_bounds = array<i64: 1, 128, 128>}, {transform_indices = @transform_24, window_bounds = array<i64: 1, 1, 128>}, {transform_indices = @transform_25, window_bounds = array<i64: 1, 128, 128>}, {transform_indices = @transform_26, window_bounds = array<i64: 1, 1, 128>}, {transform_indices = @transform_27, window_bounds = array<i64: 1, 1, 128>}, {transform_indices = @transform_28, window_bounds = array<i64: 1, 1, 128>}, {transform_indices = @transform_29, window_bounds = array<i64: 1, 1, 128>}, {transform_indices = @transform_30, window_bounds = array<i64: 1, 1, 128>}, {transform_indices = @transform_31, window_bounds = array<i64: 1, 128, 128>}, {transform_indices = @transform_32, window_bounds = array<i64: 1, 1, 128>}, {transform_indices = @transform_33, window_bounds = array<i64: 1, 128, 128>}, {transform_indices = @transform_34, window_bounds = array<i64: 1, 1, 128>}, {transform_indices = @transform_35, window_bounds = array<i64: 1, 128, 128>}, {transform_indices = @transform_36, window_bounds = array<i64: 1, 1, 128>}, {transform_indices = @transform_37, window_bounds = array<i64: 1, 128, 128>}, {transform_indices = @transform_38, window_bounds = array<i64: 1, 1, 128>}, {transform_indices = @transform_39, window_bounds = array<i64: 400, 128>}, {transform_indices = @transform_40, window_bounds = array<i64: 3200, 128>}]} {
    %get3A = arith.constant 0 : index
    %get3A_0 = arith.constant 0 : index
    %get3A_1 = vector.load %arg2[%get3A, %get3A_0] : memref<400x128xf32, #tpu.memory_space<vmem>>, vector<400x128xf32>
    %get3A_2 = arith.constant 0 : index
    %get3A_3 = arith.constant 0 : index
    %get3A_4 = vector.load %arg4[%get3A_2, %get3A_3] : memref<3200x128xbf16, #tpu.memory_space<vmem>>, vector<3200x128xbf16>
    %get3A_5 = arith.constant 0 : index
    %get3A_6 = arith.constant 0 : index
    %get3A_7 = vector.load %arg5[%get3A_5, %get3A_6] : memref<3200x128xf32, #tpu.memory_space<vmem>>, vector<3200x128xf32>
    %get3A_8 = arith.constant 0 : index
    %get3A_9 = arith.constant 0 : index
    %get3A_10 = vector.load %arg6[%get3A_8, %get3A_9] : memref<400x8xf32, #tpu.memory_space<vmem>>, vector<400x8xf32>
    %get3A_11 = arith.constant 0 : index
    %get3A_12 = arith.constant 0 : index
    %get3A_13 = arith.constant 0 : index
    %get3A_14 = vector.load %arg7[%get3A_11, %get3A_12, %get3A_13] : memref<400x8x8xf32, #tpu.memory_space<vmem>>, vector<400x8x8xf32>
    %reshape3A = vector.shape_cast %get3A_14 : vector<400x8x8xf32> to vector<3200x8xf32>
    %eq3A = arith.constant 0 : i32
    %eq3A_15 = arith.cmpi eq, %arg1, %eq3A : i32
    %convert_element_type3A = arith.extui %eq3A_15 : i1 to i32
    %cond3A = arith.constant 0 : i32
    %cond3A_16 = arith.cmpi ne, %convert_element_type3A, %cond3A : i32
    scf.if %cond3A_16 {
      %reduce_sum3A_654 = arith.constant dense<0.000000e+00> : vector<400xf32>
      %reduce_sum3A_655 = vector.multi_reduction <add>, %get3A_1, %reduce_sum3A_654 [1] : vector<400x128xf32> to vector<400xf32>
      %broadcast_in_dim3A_656 = vector.shape_cast %reduce_sum3A_655 : vector<400xf32> to vector<400x1xf32>
      %div3A_657 = arith.constant 1.280000e+02 : f32
      %div3A_658 = vector.broadcast %div3A_657 : f32 to vector<400x1xf32>
      %div3A_659 = arith.divf %broadcast_in_dim3A_656, %div3A_658 : vector<400x1xf32>
      %sub3A_660 = vector.broadcast %div3A_659 : vector<400x1xf32> to vector<400x128xf32>
      %sub3A_661 = arith.subf %get3A_1, %sub3A_660 : vector<400x128xf32>
      %mul3A_662 = arith.mulf %sub3A_661, %sub3A_661 : vector<400x128xf32>
      %reduce_sum3A_663 = arith.constant dense<0.000000e+00> : vector<400xf32>
      %reduce_sum3A_664 = vector.multi_reduction <add>, %mul3A_662, %reduce_sum3A_663 [1] : vector<400x128xf32> to vector<400xf32>
      %broadcast_in_dim3A_665 = vector.shape_cast %reduce_sum3A_664 : vector<400xf32> to vector<400x1xf32>
      %div3A_666 = arith.constant 1.280000e+02 : f32
      %div3A_667 = vector.broadcast %div3A_666 : f32 to vector<400x1xf32>
      %div3A_668 = arith.divf %broadcast_in_dim3A_665, %div3A_667 : vector<400x1xf32>
      %add3A_669 = arith.constant 9.99999974E-6 : f32
      %add3A_670 = vector.broadcast %add3A_669 : f32 to vector<400x1xf32>
      %add3A_671 = arith.addf %div3A_668, %add3A_670 : vector<400x1xf32>
      %rsqrt3A_672 = math.rsqrt %add3A_671 : vector<400x1xf32>
      %mul3A_673 = vector.broadcast %rsqrt3A_672 : vector<400x1xf32> to vector<400x128xf32>
      %mul3A_674 = arith.mulf %sub3A_661, %mul3A_673 : vector<400x128xf32>
      %swap3A_675 = arith.constant 0 : index
      %swap3A_676 = arith.constant 0 : index
      %swap3A_677 = vector.load %arg43[%swap3A_675, %swap3A_676] : memref<400x128xf32, #tpu.memory_space<vmem>>, vector<400x128xf32>
      tpu.vector_store %arg43[%swap3A_675, %swap3A_676], %mul3A_674 {strides = array<i32>} : memref<400x128xf32, #tpu.memory_space<vmem>>, vector<400x128xf32>,
      %get3A_678 = arith.constant 0 : index
      %get3A_679 = arith.constant 0 : index
      %get3A_680 = vector.load %arg3[%get3A_678, %get3A_679] : memref<3200x128xf32, #tpu.memory_space<vmem>>, vector<3200x128xf32>
      %reduce_sum3A_681 = arith.constant dense<0.000000e+00> : vector<3200xf32>
      %reduce_sum3A_682 = vector.multi_reduction <add>, %get3A_680, %reduce_sum3A_681 [1] : vector<3200x128xf32> to vector<3200xf32>
      %broadcast_in_dim3A_683 = vector.shape_cast %reduce_sum3A_682 : vector<3200xf32> to vector<3200x1xf32>
      %div3A_684 = arith.constant 1.280000e+02 : f32
      %div3A_685 = vector.broadcast %div3A_684 : f32 to vector<3200x1xf32>
      %div3A_686 = arith.divf %broadcast_in_dim3A_683, %div3A_685 : vector<3200x1xf32>
      %sub3A_687 = vector.broadcast %div3A_686 : vector<3200x1xf32> to vector<3200x128xf32>
      %sub3A_688 = arith.subf %get3A_680, %sub3A_687 : vector<3200x128xf32>
      %mul3A_689 = arith.mulf %sub3A_688, %sub3A_688 : vector<3200x128xf32>
      %reduce_sum3A_690 = arith.constant dense<0.000000e+00> : vector<3200xf32>
      %reduce_sum3A_691 = vector.multi_reduction <add>, %mul3A_689, %reduce_sum3A_690 [1] : vector<3200x128xf32> to vector<3200xf32>
      %broadcast_in_dim3A_692 = vector.shape_cast %reduce_sum3A_691 : vector<3200xf32> to vector<3200x1xf32>
      %div3A_693 = arith.constant 1.280000e+02 : f32
      %div3A_694 = vector.broadcast %div3A_693 : f32 to vector<3200x1xf32>
      %div3A_695 = arith.divf %broadcast_in_dim3A_692, %div3A_694 : vector<3200x1xf32>
      %add3A_696 = arith.constant 9.99999974E-6 : f32
      %add3A_697 = vector.broadcast %add3A_696 : f32 to vector<3200x1xf32>
      %add3A_698 = arith.addf %div3A_695, %add3A_697 : vector<3200x1xf32>
      %rsqrt3A_699 = math.rsqrt %add3A_698 : vector<3200x1xf32>
      %mul3A_700 = vector.broadcast %rsqrt3A_699 : vector<3200x1xf32> to vector<3200x128xf32>
      %mul3A_701 = arith.mulf %sub3A_688, %mul3A_700 : vector<3200x128xf32>
      %swap3A_702 = arith.constant 0 : index
      %swap3A_703 = arith.constant 0 : index
      %swap3A_704 = vector.load %arg44[%swap3A_702, %swap3A_703] : memref<3200x128xf32, #tpu.memory_space<vmem>>, vector<3200x128xf32>
      tpu.vector_store %arg44[%swap3A_702, %swap3A_703], %mul3A_701 {strides = array<i32>} : memref<3200x128xf32, #tpu.memory_space<vmem>>, vector<3200x128xf32>,
      %get3A_705 = arith.constant 0 : index
      %get3A_706 = arith.constant 0 : index
      %get3A_707 = vector.load %arg8[%get3A_705, %get3A_706] : memref<128x8xf32, #tpu.memory_space<vmem>>, vector<128x8xf32>
      %dot_general3A_708 = arith.constant dense<0.000000e+00> : vector<400x8xf32>
      %dot_general3A_709 = tpu.matmul %get3A_1, %get3A_707, %dot_general3A_708 {dimension_numbers = #tpu.dot_dimension_numbers<[1], [0], [0], [1], [0, 0, 1, 1], [], []>, transpose_lhs_hint = false} : vector<400x128xf32>, vector<128x8xf32>, vector<400x8xf32> -> vector<400x8xf32>
      %iota3A_710 = tpu.iota {dimensions = array<i32: 1>} : vector<400x8xi32>
      %reduce_max3A_711 = arith.constant dense<0xFF800000> : vector<400xf32>
      %reduce_max3A_712 = vector.multi_reduction <maximumf>, %dot_general3A_709, %reduce_max3A_711 [1] : vector<400x8xf32> to vector<400xf32>
      %broadcast_in_dim3A_713 = vector.shape_cast %reduce_max3A_712 : vector<400xf32> to vector<400x1xf32>
      %eq3A_714 = vector.broadcast %broadcast_in_dim3A_713 : vector<400x1xf32> to vector<400x8xf32>
      %eq3A_715 = arith.cmpf oeq, %dot_general3A_709, %eq3A_714 : vector<400x8xf32>
      %jit3A_716 = arith.constant 8 : i32
      %broadcast_in_dim3A_717 = vector.broadcast %jit3A_716 : i32 to vector<400x8xi32>
      %select_n3A_718 = arith.select %eq3A_715, %iota3A_710, %broadcast_in_dim3A_717 : vector<400x8xi1>, vector<400x8xi32>
      %reduce_min3A = arith.constant dense<2147483647> : vector<400xi32>
      %reduce_min3A_719 = vector.multi_reduction <minsi>, %select_n3A_718, %reduce_min3A [1] : vector<400x8xi32> to vector<400xi32>
      %broadcast_in_dim3A_720 = vector.shape_cast %reduce_min3A_719 : vector<400xi32> to vector<400x1xi32>
      %eq3A_721 = vector.broadcast %broadcast_in_dim3A_720 : vector<400x1xi32> to vector<400x8xi32>
      %eq3A_722 = arith.cmpi eq, %iota3A_710, %eq3A_721 : vector<400x8xi32>
      %jit3A_723 = arith.constant -1.000000e+30 : f32
      %broadcast_in_dim3A_724 = vector.broadcast %jit3A_723 : f32 to vector<400x8xf32>
      %select_n3A_725 = arith.select %eq3A_722, %broadcast_in_dim3A_724, %dot_general3A_709 : vector<400x8xi1>, vector<400x8xf32>
      %reduce_max3A_726 = arith.constant dense<0xFF800000> : vector<400xf32>
      %reduce_max3A_727 = vector.multi_reduction <maximumf>, %select_n3A_725, %reduce_max3A_726 [1] : vector<400x8xf32> to vector<400xf32>
      %broadcast_in_dim3A_728 = vector.shape_cast %reduce_max3A_727 : vector<400xf32> to vector<400x1xf32>
      %eq3A_729 = vector.broadcast %broadcast_in_dim3A_728 : vector<400x1xf32> to vector<400x8xf32>
      %eq3A_730 = arith.cmpf oeq, %select_n3A_725, %eq3A_729 : vector<400x8xf32>
      %jit3A_731 = arith.constant 8 : i32
      %broadcast_in_dim3A_732 = vector.broadcast %jit3A_731 : i32 to vector<400x8xi32>
      %select_n3A_733 = arith.select %eq3A_730, %iota3A_710, %broadcast_in_dim3A_732 : vector<400x8xi1>, vector<400x8xi32>
      %reduce_min3A_734 = arith.constant dense<2147483647> : vector<400xi32>
      %reduce_min3A_735 = vector.multi_reduction <minsi>, %select_n3A_733, %reduce_min3A_734 [1] : vector<400x8xi32> to vector<400xi32>
      %broadcast_in_dim3A_736 = vector.shape_cast %reduce_min3A_735 : vector<400xi32> to vector<400x1xi32>
      %sub3A_737 = arith.subf %broadcast_in_dim3A_728, %broadcast_in_dim3A_713 : vector<400x1xf32>
      %exp3A_738 = math.exp %sub3A_737 : vector<400x1xf32>
      %add3A_739 = arith.constant 1.000000e+00 : f32
      %add3A_740 = vector.broadcast %add3A_739 : f32 to vector<400x1xf32>
      %add3A_741 = arith.addf %add3A_740, %exp3A_738 : vector<400x1xf32>
      %div3A_742 = arith.constant 1.000000e+00 : f32
      %div3A_743 = vector.broadcast %div3A_742 : f32 to vector<400x1xf32>
      %div3A_744 = arith.divf %div3A_743, %add3A_741 : vector<400x1xf32>
      %sub3A_745 = arith.constant 1.000000e+00 : f32
      %sub3A_746 = vector.broadcast %sub3A_745 : f32 to vector<400x1xf32>
      %sub3A_747 = arith.subf %sub3A_746, %div3A_744 : vector<400x1xf32>
      %eq3A_748 = vector.broadcast %broadcast_in_dim3A_720 : vector<400x1xi32> to vector<400x8xi32>
      %eq3A_749 = arith.cmpi eq, %iota3A_710, %eq3A_748 : vector<400x8xi32>
      %jit3A_750 = arith.constant 0.000000e+00 : f32
      %broadcast_in_dim3A_751 = vector.shape_cast %div3A_744 : vector<400x1xf32> to vector<400x1xf32>
      %broadcast_in_dim3A_752 = vector.broadcast %broadcast_in_dim3A_751 : vector<400x1xf32> to vector<400x8xf32>
      %broadcast_in_dim3A_753 = vector.broadcast %jit3A_750 : f32 to vector<400x8xf32>
      %select_n3A_754 = arith.select %eq3A_749, %broadcast_in_dim3A_752, %broadcast_in_dim3A_753 : vector<400x8xi1>, vector<400x8xf32>
      %eq3A_755 = vector.broadcast %broadcast_in_dim3A_736 : vector<400x1xi32> to vector<400x8xi32>
      %eq3A_756 = arith.cmpi eq, %iota3A_710, %eq3A_755 : vector<400x8xi32>
      %jit3A_757 = arith.constant 0.000000e+00 : f32
      %broadcast_in_dim3A_758 = vector.shape_cast %sub3A_747 : vector<400x1xf32> to vector<400x1xf32>
      %broadcast_in_dim3A_759 = vector.broadcast %broadcast_in_dim3A_758 : vector<400x1xf32> to vector<400x8xf32>
      %broadcast_in_dim3A_760 = vector.broadcast %jit3A_757 : f32 to vector<400x8xf32>
      %select_n3A_761 = arith.select %eq3A_756, %broadcast_in_dim3A_759, %broadcast_in_dim3A_760 : vector<400x8xi1>, vector<400x8xf32>
      %add3A_762 = arith.addf %select_n3A_754, %select_n3A_761 : vector<400x8xf32>
      %swap3A_763 = arith.constant 0 : index
      %swap3A_764 = arith.constant 0 : index
      %swap3A_765 = vector.load %arg45[%swap3A_763, %swap3A_764] : memref<400x8xf32, #tpu.memory_space<vmem>>, vector<400x8xf32>
      tpu.vector_store %arg45[%swap3A_763, %swap3A_764], %add3A_762 {strides = array<i32>} : memref<400x8xf32, #tpu.memory_space<vmem>>, vector<400x8xf32>,
      %broadcast_in_dim3A_766 = arith.constant 0.000000e+00 : f32
      %broadcast_in_dim3A_767 = vector.broadcast %broadcast_in_dim3A_766 : f32 to vector<400x128xf32>
      %swap3A_768 = arith.constant 0 : index
      %swap3A_769 = arith.constant 0 : index
      %swap3A_770 = vector.load %arg41[%swap3A_768, %swap3A_769] : memref<400x128xf32, #tpu.memory_space<vmem>>, vector<400x128xf32>
      tpu.vector_store %arg41[%swap3A_768, %swap3A_769], %broadcast_in_dim3A_767 {strides = array<i32>} : memref<400x128xf32, #tpu.memory_space<vmem>>, vector<400x128xf32>,
      %broadcast_in_dim3A_771 = arith.constant 0.000000e+00 : f32
      %broadcast_in_dim3A_772 = vector.broadcast %broadcast_in_dim3A_771 : f32 to vector<3200x128xf32>
      %swap3A_773 = arith.constant 0 : index
      %swap3A_774 = arith.constant 0 : index
      %swap3A_775 = vector.load %arg42[%swap3A_773, %swap3A_774] : memref<3200x128xf32, #tpu.memory_space<vmem>>, vector<3200x128xf32>
      tpu.vector_store %arg42[%swap3A_773, %swap3A_774], %broadcast_in_dim3A_772 {strides = array<i32>} : memref<3200x128xf32, #tpu.memory_space<vmem>>, vector<3200x128xf32>,
    } else {
    }
    %get3A_17 = arith.constant 0 : index
    %get3A_18 = arith.constant 0 : index
    %get3A_19 = vector.load %arg43[%get3A_17, %get3A_18] : memref<400x128xf32, #tpu.memory_space<vmem>>, vector<400x128xf32>
    %get3A_20 = arith.constant 0 : index
    %get3A_21 = arith.constant 0 : index
    %get3A_22 = vector.load %arg44[%get3A_20, %get3A_21] : memref<3200x128xf32, #tpu.memory_space<vmem>>, vector<3200x128xf32>
    %get3A_23 = arith.constant 0 : index
    %get3A_24 = arith.constant 0 : index
    %get3A_25 = vector.load %arg45[%get3A_23, %get3A_24] : memref<400x8xf32, #tpu.memory_space<vmem>>, vector<400x8xf32>
    %get3A_26 = arith.constant 0 : index
    %get3A_27 = arith.constant 0 : index
    %get3A_28 = vector.load %arg11[%get3A_26, %get3A_27] : memref<8x32xf32, #tpu.memory_space<vmem>>, vector<8x32xf32>
    %dot_general3A = arith.constant dense<0.000000e+00> : vector<3200x32xf32>
    %dot_general3A_29 = tpu.matmul %reshape3A, %get3A_28, %dot_general3A {dimension_numbers = #tpu.dot_dimension_numbers<[1], [0], [0], [1], [0, 0, 1, 1], [], []>, transpose_lhs_hint = false} : vector<3200x8xf32>, vector<8x32xf32>, vector<3200x32xf32> -> vector<3200x32xf32>
    %broadcast_in_dim3A = vector.shape_cast %get3A_10 : vector<400x8xf32> to vector<400x8x1xf32>
    %broadcast_in_dim3A_30 = vector.shape_cast %broadcast_in_dim3A : vector<400x8x1xf32> to vector<400x8x1xf32>
    %broadcast_in_dim3A_31 = vector.broadcast %broadcast_in_dim3A_30 : vector<400x8x1xf32> to vector<400x8x128xf32>
    %reshape3A_32 = vector.shape_cast %broadcast_in_dim3A_31 : vector<400x8x128xf32> to vector<3200x128xf32>
    %reduce_sum3A = arith.constant dense<0.000000e+00> : vector<400xf32>
    %reduce_sum3A_33 = vector.multi_reduction <add>, %get3A_10, %reduce_sum3A [1] : vector<400x8xf32> to vector<400xf32>
    %broadcast_in_dim3A_34 = vector.shape_cast %reduce_sum3A_33 : vector<400xf32> to vector<400x1xf32>
    %add3A = arith.constant 9.99999974E-6 : f32
    %add3A_35 = vector.broadcast %add3A : f32 to vector<400x1xf32>
    %add3A_36 = arith.addf %broadcast_in_dim3A_34, %add3A_35 : vector<400x1xf32>
    %get3A_37 = arith.constant 0 : index
    %get3A_38 = arith.constant 0 : index
    %get3A_39 = vector.load %arg12[%get3A_37, %get3A_38] : memref<32x32xf32, #tpu.memory_space<vmem>>, vector<32x32xf32>
    %get3A_40 = arith.constant 0 : index
    %get3A_41 = arith.constant 0 : index
    %get3A_42 = arith.constant 0 : index
    %get3A_43 = vector.load %arg13[%get3A_40, %get3A_41, %get3A_42] : memref<1x1x128xf32, #tpu.memory_space<vmem>>, vector<1x1x128xf32>
    %get3A_44 = vector.shape_cast %get3A_43 : vector<1x1x128xf32> to vector<1x128xf32>
    %get3A_45 = arith.constant 0 : index
    %get3A_46 = arith.constant 0 : index
    %get3A_47 = arith.constant 0 : index
    %get3A_48 = vector.load %arg14[%get3A_45, %get3A_46, %get3A_47] : memref<1x1x128xf32, #tpu.memory_space<vmem>>, vector<1x1x128xf32>
    %get3A_49 = vector.shape_cast %get3A_48 : vector<1x1x128xf32> to vector<1x128xf32>
    %mul3A = vector.broadcast %get3A_44 : vector<1x128xf32> to vector<400x128xf32>
    %mul3A_50 = arith.mulf %get3A_19, %mul3A : vector<400x128xf32>
    %add3A_51 = vector.broadcast %get3A_49 : vector<1x128xf32> to vector<400x128xf32>
    %add3A_52 = arith.addf %mul3A_50, %add3A_51 : vector<400x128xf32>
    %mul3A_53 = vector.broadcast %get3A_44 : vector<1x128xf32> to vector<3200x128xf32>
    %mul3A_54 = arith.mulf %get3A_22, %mul3A_53 : vector<3200x128xf32>
    %add3A_55 = vector.broadcast %get3A_49 : vector<1x128xf32> to vector<3200x128xf32>
    %add3A_56 = arith.addf %mul3A_54, %add3A_55 : vector<3200x128xf32>
    %get3A_57 = arith.constant 0 : index
    %get3A_58 = arith.constant 0 : index
    %get3A_59 = arith.constant 0 : index
    %get3A_60 = vector.load %arg15[%get3A_57, %get3A_58, %get3A_59] : memref<1x128x128xbf16, #tpu.memory_space<vmem>>, vector<1x128x128xbf16>
    %get3A_61 = vector.shape_cast %get3A_60 : vector<1x128x128xbf16> to vector<128x128xbf16>
    %dot_general3A_62 = arith.constant dense<0.000000e+00> : vector<3200x128xf32>
    %dot_general3A_63 = tpu.matmul %get3A_4, %get3A_61, %dot_general3A_62 {dimension_numbers = #tpu.dot_dimension_numbers<[1], [0], [0], [1], [0, 0, 1, 1], [], []>, transpose_lhs_hint = false} : vector<3200x128xbf16>, vector<128x128xbf16>, vector<3200x128xf32> -> vector<3200x128xf32>
    %get3A_64 = arith.constant 0 : index
    %get3A_65 = arith.constant 0 : index
    %get3A_66 = arith.constant 0 : index
    %get3A_67 = vector.load %arg16[%get3A_64, %get3A_65, %get3A_66] : memref<1x1x128xf32, #tpu.memory_space<vmem>>, vector<1x1x128xf32>
    %get3A_68 = vector.shape_cast %get3A_67 : vector<1x1x128xf32> to vector<1x128xf32>
    %add3A_69 = vector.broadcast %get3A_68 : vector<1x128xf32> to vector<3200x128xf32>
    %add3A_70 = arith.addf %dot_general3A_63, %add3A_69 : vector<3200x128xf32>
    %neg3A = arith.constant 0.000000e+00 : f32
    %neg3A_71 = vector.broadcast %neg3A : f32 to vector<3200x128xf32>
    %neg3A_72 = arith.subf %neg3A_71, %add3A_70 : vector<3200x128xf32>
    %exp3A = math.exp %neg3A_72 : vector<3200x128xf32>
    %add3A_73 = arith.constant 1.000000e+00 : f32
    %add3A_74 = vector.broadcast %add3A_73 : f32 to vector<3200x128xf32>
    %add3A_75 = arith.addf %add3A_74, %exp3A : vector<3200x128xf32>
    %div3A = arith.divf %add3A_70, %add3A_75 : vector<3200x128xf32>
    %get3A_76 = arith.constant 0 : index
    %get3A_77 = arith.constant 0 : index
    %get3A_78 = arith.constant 0 : index
    %get3A_79 = vector.load %arg17[%get3A_76, %get3A_77, %get3A_78] : memref<1x256x128xbf16, #tpu.memory_space<vmem>>, vector<1x256x128xbf16>
    %get3A_80 = vector.shape_cast %get3A_79 : vector<1x256x128xbf16> to vector<256x128xbf16>
    %slice3A = vector.extract_strided_slice %get3A_80 {offsets = [0, 0], sizes = [128, 128], strides = [1, 1]} : vector<256x128xbf16> to vector<128x128xbf16>
    %convert_element_type3A_81 = arith.truncf %add3A_52 : vector<400x128xf32> to vector<400x128xbf16>
    %dot_general3A_82 = arith.constant dense<0.000000e+00> : vector<400x128xf32>
    %dot_general3A_83 = tpu.matmul %convert_element_type3A_81, %slice3A, %dot_general3A_82 {dimension_numbers = #tpu.dot_dimension_numbers<[1], [0], [0], [1], [0, 0, 1, 1], [], []>, transpose_lhs_hint = false} : vector<400x128xbf16>, vector<128x128xbf16>, vector<400x128xf32> -> vector<400x128xf32>
    %broadcast_in_dim3A_84 = vector.shape_cast %dot_general3A_83 : vector<400x128xf32> to vector<400x1x128xf32>
    %broadcast_in_dim3A_85 = vector.shape_cast %broadcast_in_dim3A_84 : vector<400x1x128xf32> to vector<400x1x128xf32>
    %broadcast_in_dim3A_86 = vector.broadcast %broadcast_in_dim3A_85 : vector<400x1x128xf32> to vector<400x8x128xf32>
    %reshape3A_87 = vector.shape_cast %broadcast_in_dim3A_86 : vector<400x8x128xf32> to vector<3200x128xf32>
    %slice3A_88 = vector.extract_strided_slice %get3A_80 {offsets = [128, 0], sizes = [128, 128], strides = [1, 1]} : vector<256x128xbf16> to vector<128x128xbf16>
    %convert_element_type3A_89 = arith.truncf %add3A_56 : vector<3200x128xf32> to vector<3200x128xbf16>
    %dot_general3A_90 = arith.constant dense<0.000000e+00> : vector<3200x128xf32>
    %dot_general3A_91 = tpu.matmul %convert_element_type3A_89, %slice3A_88, %dot_general3A_90 {dimension_numbers = #tpu.dot_dimension_numbers<[1], [0], [0], [1], [0, 0, 1, 1], [], []>, transpose_lhs_hint = false} : vector<3200x128xbf16>, vector<128x128xbf16>, vector<3200x128xf32> -> vector<3200x128xf32>
    %add3A_92 = arith.addf %reshape3A_87, %dot_general3A_91 : vector<3200x128xf32>
    %get3A_93 = arith.constant 0 : index
    %get3A_94 = arith.constant 0 : index
    %get3A_95 = arith.constant 0 : index
    %get3A_96 = vector.load %arg18[%get3A_93, %get3A_94, %get3A_95] : memref<1x1x128xf32, #tpu.memory_space<vmem>>, vector<1x1x128xf32>
    %get3A_97 = vector.shape_cast %get3A_96 : vector<1x1x128xf32> to vector<1x128xf32>
    %add3A_98 = vector.broadcast %get3A_97 : vector<1x128xf32> to vector<3200x128xf32>
    %add3A_99 = arith.addf %add3A_92, %add3A_98 : vector<3200x128xf32>
    %neg3A_100 = arith.constant 0.000000e+00 : f32
    %neg3A_101 = vector.broadcast %neg3A_100 : f32 to vector<3200x128xf32>
    %neg3A_102 = arith.subf %neg3A_101, %add3A_99 : vector<3200x128xf32>
    %exp3A_103 = math.exp %neg3A_102 : vector<3200x128xf32>
    %add3A_104 = arith.constant 1.000000e+00 : f32
    %add3A_105 = vector.broadcast %add3A_104 : f32 to vector<3200x128xf32>
    %add3A_106 = arith.addf %add3A_105, %exp3A_103 : vector<3200x128xf32>
    %div3A_107 = arith.divf %add3A_99, %add3A_106 : vector<3200x128xf32>
    %get3A_108 = arith.constant 0 : index
    %get3A_109 = arith.constant 0 : index
    %get3A_110 = arith.constant 0 : index
    %get3A_111 = vector.load %arg19[%get3A_108, %get3A_109, %get3A_110] : memref<1x256x128xbf16, #tpu.memory_space<vmem>>, vector<1x256x128xbf16>
    %get3A_112 = vector.shape_cast %get3A_111 : vector<1x256x128xbf16> to vector<256x128xbf16>
    %slice3A_113 = vector.extract_strided_slice %get3A_112 {offsets = [0, 0], sizes = [128, 128], strides = [1, 1]} : vector<256x128xbf16> to vector<128x128xbf16>
    %convert_element_type3A_114 = arith.truncf %div3A : vector<3200x128xf32> to vector<3200x128xbf16>
    %dot_general3A_115 = arith.constant dense<0.000000e+00> : vector<3200x128xf32>
    %dot_general3A_116 = tpu.matmul %convert_element_type3A_114, %slice3A_113, %dot_general3A_115 {dimension_numbers = #tpu.dot_dimension_numbers<[1], [0], [0], [1], [0, 0, 1, 1], [], []>, transpose_lhs_hint = false} : vector<3200x128xbf16>, vector<128x128xbf16>, vector<3200x128xf32> -> vector<3200x128xf32>
    %slice3A_117 = vector.extract_strided_slice %get3A_112 {offsets = [128, 0], sizes = [128, 128], strides = [1, 1]} : vector<256x128xbf16> to vector<128x128xbf16>
    %convert_element_type3A_118 = arith.truncf %div3A_107 : vector<3200x128xf32> to vector<3200x128xbf16>
    %dot_general3A_119 = arith.constant dense<0.000000e+00> : vector<3200x128xf32>
    %dot_general3A_120 = tpu.matmul %convert_element_type3A_118, %slice3A_117, %dot_general3A_119 {dimension_numbers = #tpu.dot_dimension_numbers<[1], [0], [0], [1], [0, 0, 1, 1], [], []>, transpose_lhs_hint = false} : vector<3200x128xbf16>, vector<128x128xbf16>, vector<3200x128xf32> -> vector<3200x128xf32>
    %add3A_121 = arith.addf %dot_general3A_116, %dot_general3A_120 : vector<3200x128xf32>
    %get3A_122 = arith.constant 0 : index
    %get3A_123 = arith.constant 0 : index
    %get3A_124 = arith.constant 0 : index
    %get3A_125 = vector.load %arg20[%get3A_122, %get3A_123, %get3A_124] : memref<1x1x128xf32, #tpu.memory_space<vmem>>, vector<1x1x128xf32>
    %get3A_126 = vector.shape_cast %get3A_125 : vector<1x1x128xf32> to vector<1x128xf32>
    %add3A_127 = vector.broadcast %get3A_126 : vector<1x128xf32> to vector<3200x128xf32>
    %add3A_128 = arith.addf %add3A_121, %add3A_127 : vector<3200x128xf32>
    %neg3A_129 = arith.constant 0.000000e+00 : f32
    %neg3A_130 = vector.broadcast %neg3A_129 : f32 to vector<3200x128xf32>
    %neg3A_131 = arith.subf %neg3A_130, %add3A_128 : vector<3200x128xf32>
    %exp3A_132 = math.exp %neg3A_131 : vector<3200x128xf32>
    %add3A_133 = arith.constant 1.000000e+00 : f32
    %add3A_134 = vector.broadcast %add3A_133 : f32 to vector<3200x128xf32>
    %add3A_135 = arith.addf %add3A_134, %exp3A_132 : vector<3200x128xf32>
    %div3A_136 = arith.divf %add3A_128, %add3A_135 : vector<3200x128xf32>
    %convert_element_type3A_137 = arith.truncf %div3A_136 : vector<3200x128xf32> to vector<3200x128xbf16>
    %get3A_138 = arith.constant 0 : index
    %get3A_139 = arith.constant 0 : index
    %get3A_140 = arith.constant 0 : index
    %get3A_141 = vector.load %arg21[%get3A_138, %get3A_139, %get3A_140] : memref<1x128x128xbf16, #tpu.memory_space<vmem>>, vector<1x128x128xbf16>
    %get3A_142 = vector.shape_cast %get3A_141 : vector<1x128x128xbf16> to vector<128x128xbf16>
    %dot_general3A_143 = arith.constant dense<0.000000e+00> : vector<3200x128xf32>
    %dot_general3A_144 = tpu.matmul %convert_element_type3A_137, %get3A_142, %dot_general3A_143 {dimension_numbers = #tpu.dot_dimension_numbers<[1], [0], [0], [1], [0, 0, 1, 1], [], []>, transpose_lhs_hint = false} : vector<3200x128xbf16>, vector<128x128xbf16>, vector<3200x128xf32> -> vector<3200x128xf32>
    %get3A_145 = arith.constant 0 : index
    %get3A_146 = arith.constant 0 : index
    %get3A_147 = arith.constant 0 : index
    %get3A_148 = vector.load %arg22[%get3A_145, %get3A_146, %get3A_147] : memref<1x1x128xf32, #tpu.memory_space<vmem>>, vector<1x1x128xf32>
    %get3A_149 = vector.shape_cast %get3A_148 : vector<1x1x128xf32> to vector<1x128xf32>
    %add3A_150 = vector.broadcast %get3A_149 : vector<1x128xf32> to vector<3200x128xf32>
    %add3A_151 = arith.addf %dot_general3A_144, %add3A_150 : vector<3200x128xf32>
    %mul3A_152 = arith.constant 0.176776692 : f32
    %mul3A_153 = vector.broadcast %mul3A_152 : f32 to vector<3200x128xf32>
    %mul3A_154 = arith.mulf %add3A_151, %mul3A_153 : vector<3200x128xf32>
    %convert_element_type3A_155 = arith.truncf %mul3A_154 : vector<3200x128xf32> to vector<3200x128xbf16>
    %get3A_156 = arith.constant 0 : index
    %get3A_157 = arith.constant 0 : index
    %get3A_158 = arith.constant 0 : index
    %get3A_159 = vector.load %arg23[%get3A_156, %get3A_157, %get3A_158] : memref<1x128x128xbf16, #tpu.memory_space<vmem>>, vector<1x128x128xbf16>
    %get3A_160 = vector.shape_cast %get3A_159 : vector<1x128x128xbf16> to vector<128x128xbf16>
    %dot_general3A_161 = arith.constant dense<0.000000e+00> : vector<3200x128xf32>
    %dot_general3A_162 = tpu.matmul %convert_element_type3A_137, %get3A_160, %dot_general3A_161 {dimension_numbers = #tpu.dot_dimension_numbers<[1], [0], [0], [1], [0, 0, 1, 1], [], []>, transpose_lhs_hint = false} : vector<3200x128xbf16>, vector<128x128xbf16>, vector<3200x128xf32> -> vector<3200x128xf32>
    %get3A_163 = arith.constant 0 : index
    %get3A_164 = arith.constant 0 : index
    %get3A_165 = arith.constant 0 : index
    %get3A_166 = vector.load %arg24[%get3A_163, %get3A_164, %get3A_165] : memref<1x1x128xf32, #tpu.memory_space<vmem>>, vector<1x1x128xf32>
    %get3A_167 = vector.shape_cast %get3A_166 : vector<1x1x128xf32> to vector<1x128xf32>
    %add3A_168 = vector.broadcast %get3A_167 : vector<1x128xf32> to vector<3200x128xf32>
    %add3A_169 = arith.addf %dot_general3A_162, %add3A_168 : vector<3200x128xf32>
    %convert_element_type3A_170 = arith.truncf %add3A_169 : vector<3200x128xf32> to vector<3200x128xbf16>
    %get3A_171 = arith.constant 0 : index
    %get3A_172 = arith.constant 0 : index
    %get3A_173 = arith.constant 0 : index
    %get3A_174 = vector.load %arg25[%get3A_171, %get3A_172, %get3A_173] : memref<1x128x128xbf16, #tpu.memory_space<vmem>>, vector<1x128x128xbf16>
    %get3A_175 = vector.shape_cast %get3A_174 : vector<1x128x128xbf16> to vector<128x128xbf16>
    %dot_general3A_176 = arith.constant dense<0.000000e+00> : vector<3200x128xf32>
    %dot_general3A_177 = tpu.matmul %convert_element_type3A_137, %get3A_175, %dot_general3A_176 {dimension_numbers = #tpu.dot_dimension_numbers<[1], [0], [0], [1], [0, 0, 1, 1], [], []>, transpose_lhs_hint = false} : vector<3200x128xbf16>, vector<128x128xbf16>, vector<3200x128xf32> -> vector<3200x128xf32>
    %get3A_178 = arith.constant 0 : index
    %get3A_179 = arith.constant 0 : index
    %get3A_180 = arith.constant 0 : index
    %get3A_181 = vector.load %arg26[%get3A_178, %get3A_179, %get3A_180] : memref<1x1x128xf32, #tpu.memory_space<vmem>>, vector<1x1x128xf32>
    %get3A_182 = vector.shape_cast %get3A_181 : vector<1x1x128xf32> to vector<1x128xf32>
    %add3A_183 = vector.broadcast %get3A_182 : vector<1x128xf32> to vector<3200x128xf32>
    %add3A_184 = arith.addf %dot_general3A_177, %add3A_183 : vector<3200x128xf32>
    %reshape3A_185 = vector.shape_cast %convert_element_type3A_170 : vector<3200x128xbf16> to vector<400x8x128xbf16>
    %reshape3A_186 = vector.shape_cast %add3A_184 : vector<3200x128xf32> to vector<400x8x128xf32>
    %slice3A_187 = vector.extract_strided_slice %reshape3A_185 {offsets = [0, 0, 0], sizes = [400, 1, 128], strides = [1, 1, 1]} : vector<400x8x128xbf16> to vector<400x1x128xbf16>
    %squeeze3A = vector.shape_cast %slice3A_187 : vector<400x1x128xbf16> to vector<400x128xbf16>
    %broadcast_in_dim3A_188 = vector.shape_cast %squeeze3A : vector<400x128xbf16> to vector<400x1x128xbf16>
    %broadcast_in_dim3A_189 = vector.shape_cast %broadcast_in_dim3A_188 : vector<400x1x128xbf16> to vector<400x1x128xbf16>
    %broadcast_in_dim3A_190 = vector.broadcast %broadcast_in_dim3A_189 : vector<400x1x128xbf16> to vector<400x8x128xbf16>
    %reshape3A_191 = vector.shape_cast %broadcast_in_dim3A_190 : vector<400x8x128xbf16> to vector<3200x128xbf16>
    %mul3A_192 = arith.mulf %convert_element_type3A_155, %reshape3A_191 : vector<3200x128xbf16>
    %get3A_193 = arith.constant 0 : index
    %get3A_194 = arith.constant 0 : index
    %get3A_195 = arith.constant 0 : index
    %get3A_196 = vector.load %arg9[%get3A_193, %get3A_194, %get3A_195] : memref<8x128x32xbf16, #tpu.memory_space<vmem>>, vector<1x128x32xbf16>
    %get3A_197 = vector.shape_cast %get3A_196 : vector<1x128x32xbf16> to vector<128x32xbf16>
    %dot_general3A_198 = arith.constant dense<0.000000e+00> : vector<3200x32xf32>
    %dot_general3A_199 = tpu.matmul %mul3A_192, %get3A_197, %dot_general3A_198 {dimension_numbers = #tpu.dot_dimension_numbers<[1], [0], [0], [1], [0, 0, 1, 1], [], []>, transpose_lhs_hint = false} : vector<3200x128xbf16>, vector<128x32xbf16>, vector<3200x32xf32> -> vector<3200x32xf32>
    %add3A_200 = arith.addf %dot_general3A_29, %dot_general3A_199 : vector<3200x32xf32>
    %slice3A_201 = vector.extract_strided_slice %reshape3A_185 {offsets = [0, 1, 0], sizes = [400, 1, 128], strides = [1, 1, 1]} : vector<400x8x128xbf16> to vector<400x1x128xbf16>
    %squeeze3A_202 = vector.shape_cast %slice3A_201 : vector<400x1x128xbf16> to vector<400x128xbf16>
    %broadcast_in_dim3A_203 = vector.shape_cast %squeeze3A_202 : vector<400x128xbf16> to vector<400x1x128xbf16>
    %broadcast_in_dim3A_204 = vector.shape_cast %broadcast_in_dim3A_203 : vector<400x1x128xbf16> to vector<400x1x128xbf16>
    %broadcast_in_dim3A_205 = vector.broadcast %broadcast_in_dim3A_204 : vector<400x1x128xbf16> to vector<400x8x128xbf16>
    %reshape3A_206 = vector.shape_cast %broadcast_in_dim3A_205 : vector<400x8x128xbf16> to vector<3200x128xbf16>
    %mul3A_207 = arith.mulf %convert_element_type3A_155, %reshape3A_206 : vector<3200x128xbf16>
    %get3A_208 = arith.constant 1 : index
    %get3A_209 = arith.constant 0 : index
    %get3A_210 = arith.constant 0 : index
    %get3A_211 = vector.load %arg9[%get3A_208, %get3A_209, %get3A_210] : memref<8x128x32xbf16, #tpu.memory_space<vmem>>, vector<1x128x32xbf16>
    %get3A_212 = vector.shape_cast %get3A_211 : vector<1x128x32xbf16> to vector<128x32xbf16>
    %dot_general3A_213 = arith.constant dense<0.000000e+00> : vector<3200x32xf32>
    %dot_general3A_214 = tpu.matmul %mul3A_207, %get3A_212, %dot_general3A_213 {dimension_numbers = #tpu.dot_dimension_numbers<[1], [0], [0], [1], [0, 0, 1, 1], [], []>, transpose_lhs_hint = false} : vector<3200x128xbf16>, vector<128x32xbf16>, vector<3200x32xf32> -> vector<3200x32xf32>
    %add3A_215 = arith.addf %add3A_200, %dot_general3A_214 : vector<3200x32xf32>
    %slice3A_216 = vector.extract_strided_slice %reshape3A_185 {offsets = [0, 2, 0], sizes = [400, 1, 128], strides = [1, 1, 1]} : vector<400x8x128xbf16> to vector<400x1x128xbf16>
    %squeeze3A_217 = vector.shape_cast %slice3A_216 : vector<400x1x128xbf16> to vector<400x128xbf16>
    %broadcast_in_dim3A_218 = vector.shape_cast %squeeze3A_217 : vector<400x128xbf16> to vector<400x1x128xbf16>
    %broadcast_in_dim3A_219 = vector.shape_cast %broadcast_in_dim3A_218 : vector<400x1x128xbf16> to vector<400x1x128xbf16>
    %broadcast_in_dim3A_220 = vector.broadcast %broadcast_in_dim3A_219 : vector<400x1x128xbf16> to vector<400x8x128xbf16>
    %reshape3A_221 = vector.shape_cast %broadcast_in_dim3A_220 : vector<400x8x128xbf16> to vector<3200x128xbf16>
    %mul3A_222 = arith.mulf %convert_element_type3A_155, %reshape3A_221 : vector<3200x128xbf16>
    %get3A_223 = arith.constant 2 : index
    %get3A_224 = arith.constant 0 : index
    %get3A_225 = arith.constant 0 : index
    %get3A_226 = vector.load %arg9[%get3A_223, %get3A_224, %get3A_225] : memref<8x128x32xbf16, #tpu.memory_space<vmem>>, vector<1x128x32xbf16>
    %get3A_227 = vector.shape_cast %get3A_226 : vector<1x128x32xbf16> to vector<128x32xbf16>
    %dot_general3A_228 = arith.constant dense<0.000000e+00> : vector<3200x32xf32>
    %dot_general3A_229 = tpu.matmul %mul3A_222, %get3A_227, %dot_general3A_228 {dimension_numbers = #tpu.dot_dimension_numbers<[1], [0], [0], [1], [0, 0, 1, 1], [], []>, transpose_lhs_hint = false} : vector<3200x128xbf16>, vector<128x32xbf16>, vector<3200x32xf32> -> vector<3200x32xf32>
    %add3A_230 = arith.addf %add3A_215, %dot_general3A_229 : vector<3200x32xf32>
    %slice3A_231 = vector.extract_strided_slice %reshape3A_185 {offsets = [0, 3, 0], sizes = [400, 1, 128], strides = [1, 1, 1]} : vector<400x8x128xbf16> to vector<400x1x128xbf16>
    %squeeze3A_232 = vector.shape_cast %slice3A_231 : vector<400x1x128xbf16> to vector<400x128xbf16>
    %broadcast_in_dim3A_233 = vector.shape_cast %squeeze3A_232 : vector<400x128xbf16> to vector<400x1x128xbf16>
    %broadcast_in_dim3A_234 = vector.shape_cast %broadcast_in_dim3A_233 : vector<400x1x128xbf16> to vector<400x1x128xbf16>
    %broadcast_in_dim3A_235 = vector.broadcast %broadcast_in_dim3A_234 : vector<400x1x128xbf16> to vector<400x8x128xbf16>
    %reshape3A_236 = vector.shape_cast %broadcast_in_dim3A_235 : vector<400x8x128xbf16> to vector<3200x128xbf16>
    %mul3A_237 = arith.mulf %convert_element_type3A_155, %reshape3A_236 : vector<3200x128xbf16>
    %get3A_238 = arith.constant 3 : index
    %get3A_239 = arith.constant 0 : index
    %get3A_240 = arith.constant 0 : index
    %get3A_241 = vector.load %arg9[%get3A_238, %get3A_239, %get3A_240] : memref<8x128x32xbf16, #tpu.memory_space<vmem>>, vector<1x128x32xbf16>
    %get3A_242 = vector.shape_cast %get3A_241 : vector<1x128x32xbf16> to vector<128x32xbf16>
    %dot_general3A_243 = arith.constant dense<0.000000e+00> : vector<3200x32xf32>
    %dot_general3A_244 = tpu.matmul %mul3A_237, %get3A_242, %dot_general3A_243 {dimension_numbers = #tpu.dot_dimension_numbers<[1], [0], [0], [1], [0, 0, 1, 1], [], []>, transpose_lhs_hint = false} : vector<3200x128xbf16>, vector<128x32xbf16>, vector<3200x32xf32> -> vector<3200x32xf32>
    %add3A_245 = arith.addf %add3A_230, %dot_general3A_244 : vector<3200x32xf32>
    %slice3A_246 = vector.extract_strided_slice %reshape3A_185 {offsets = [0, 4, 0], sizes = [400, 1, 128], strides = [1, 1, 1]} : vector<400x8x128xbf16> to vector<400x1x128xbf16>
    %squeeze3A_247 = vector.shape_cast %slice3A_246 : vector<400x1x128xbf16> to vector<400x128xbf16>
    %broadcast_in_dim3A_248 = vector.shape_cast %squeeze3A_247 : vector<400x128xbf16> to vector<400x1x128xbf16>
    %broadcast_in_dim3A_249 = vector.shape_cast %broadcast_in_dim3A_248 : vector<400x1x128xbf16> to vector<400x1x128xbf16>
    %broadcast_in_dim3A_250 = vector.broadcast %broadcast_in_dim3A_249 : vector<400x1x128xbf16> to vector<400x8x128xbf16>
    %reshape3A_251 = vector.shape_cast %broadcast_in_dim3A_250 : vector<400x8x128xbf16> to vector<3200x128xbf16>
    %mul3A_252 = arith.mulf %convert_element_type3A_155, %reshape3A_251 : vector<3200x128xbf16>
    %get3A_253 = arith.constant 4 : index
    %get3A_254 = arith.constant 0 : index
    %get3A_255 = arith.constant 0 : index
    %get3A_256 = vector.load %arg9[%get3A_253, %get3A_254, %get3A_255] : memref<8x128x32xbf16, #tpu.memory_space<vmem>>, vector<1x128x32xbf16>
    %get3A_257 = vector.shape_cast %get3A_256 : vector<1x128x32xbf16> to vector<128x32xbf16>
    %dot_general3A_258 = arith.constant dense<0.000000e+00> : vector<3200x32xf32>
    %dot_general3A_259 = tpu.matmul %mul3A_252, %get3A_257, %dot_general3A_258 {dimension_numbers = #tpu.dot_dimension_numbers<[1], [0], [0], [1], [0, 0, 1, 1], [], []>, transpose_lhs_hint = false} : vector<3200x128xbf16>, vector<128x32xbf16>, vector<3200x32xf32> -> vector<3200x32xf32>
    %add3A_260 = arith.addf %add3A_245, %dot_general3A_259 : vector<3200x32xf32>
    %slice3A_261 = vector.extract_strided_slice %reshape3A_185 {offsets = [0, 5, 0], sizes = [400, 1, 128], strides = [1, 1, 1]} : vector<400x8x128xbf16> to vector<400x1x128xbf16>
    %squeeze3A_262 = vector.shape_cast %slice3A_261 : vector<400x1x128xbf16> to vector<400x128xbf16>
    %broadcast_in_dim3A_263 = vector.shape_cast %squeeze3A_262 : vector<400x128xbf16> to vector<400x1x128xbf16>
    %broadcast_in_dim3A_264 = vector.shape_cast %broadcast_in_dim3A_263 : vector<400x1x128xbf16> to vector<400x1x128xbf16>
    %broadcast_in_dim3A_265 = vector.broadcast %broadcast_in_dim3A_264 : vector<400x1x128xbf16> to vector<400x8x128xbf16>
    %reshape3A_266 = vector.shape_cast %broadcast_in_dim3A_265 : vector<400x8x128xbf16> to vector<3200x128xbf16>
    %mul3A_267 = arith.mulf %convert_element_type3A_155, %reshape3A_266 : vector<3200x128xbf16>
    %get3A_268 = arith.constant 5 : index
    %get3A_269 = arith.constant 0 : index
    %get3A_270 = arith.constant 0 : index
    %get3A_271 = vector.load %arg9[%get3A_268, %get3A_269, %get3A_270] : memref<8x128x32xbf16, #tpu.memory_space<vmem>>, vector<1x128x32xbf16>
    %get3A_272 = vector.shape_cast %get3A_271 : vector<1x128x32xbf16> to vector<128x32xbf16>
    %dot_general3A_273 = arith.constant dense<0.000000e+00> : vector<3200x32xf32>
    %dot_general3A_274 = tpu.matmul %mul3A_267, %get3A_272, %dot_general3A_273 {dimension_numbers = #tpu.dot_dimension_numbers<[1], [0], [0], [1], [0, 0, 1, 1], [], []>, transpose_lhs_hint = false} : vector<3200x128xbf16>, vector<128x32xbf16>, vector<3200x32xf32> -> vector<3200x32xf32>
    %add3A_275 = arith.addf %add3A_260, %dot_general3A_274 : vector<3200x32xf32>
    %slice3A_276 = vector.extract_strided_slice %reshape3A_185 {offsets = [0, 6, 0], sizes = [400, 1, 128], strides = [1, 1, 1]} : vector<400x8x128xbf16> to vector<400x1x128xbf16>
    %squeeze3A_277 = vector.shape_cast %slice3A_276 : vector<400x1x128xbf16> to vector<400x128xbf16>
    %broadcast_in_dim3A_278 = vector.shape_cast %squeeze3A_277 : vector<400x128xbf16> to vector<400x1x128xbf16>
    %broadcast_in_dim3A_279 = vector.shape_cast %broadcast_in_dim3A_278 : vector<400x1x128xbf16> to vector<400x1x128xbf16>
    %broadcast_in_dim3A_280 = vector.broadcast %broadcast_in_dim3A_279 : vector<400x1x128xbf16> to vector<400x8x128xbf16>
    %reshape3A_281 = vector.shape_cast %broadcast_in_dim3A_280 : vector<400x8x128xbf16> to vector<3200x128xbf16>
    %mul3A_282 = arith.mulf %convert_element_type3A_155, %reshape3A_281 : vector<3200x128xbf16>
    %get3A_283 = arith.constant 6 : index
    %get3A_284 = arith.constant 0 : index
    %get3A_285 = arith.constant 0 : index
    %get3A_286 = vector.load %arg9[%get3A_283, %get3A_284, %get3A_285] : memref<8x128x32xbf16, #tpu.memory_space<vmem>>, vector<1x128x32xbf16>
    %get3A_287 = vector.shape_cast %get3A_286 : vector<1x128x32xbf16> to vector<128x32xbf16>
    %dot_general3A_288 = arith.constant dense<0.000000e+00> : vector<3200x32xf32>
    %dot_general3A_289 = tpu.matmul %mul3A_282, %get3A_287, %dot_general3A_288 {dimension_numbers = #tpu.dot_dimension_numbers<[1], [0], [0], [1], [0, 0, 1, 1], [], []>, transpose_lhs_hint = false} : vector<3200x128xbf16>, vector<128x32xbf16>, vector<3200x32xf32> -> vector<3200x32xf32>
    %add3A_290 = arith.addf %add3A_275, %dot_general3A_289 : vector<3200x32xf32>
    %slice3A_291 = vector.extract_strided_slice %reshape3A_185 {offsets = [0, 7, 0], sizes = [400, 1, 128], strides = [1, 1, 1]} : vector<400x8x128xbf16> to vector<400x1x128xbf16>
    %squeeze3A_292 = vector.shape_cast %slice3A_291 : vector<400x1x128xbf16> to vector<400x128xbf16>
    %broadcast_in_dim3A_293 = vector.shape_cast %squeeze3A_292 : vector<400x128xbf16> to vector<400x1x128xbf16>
    %broadcast_in_dim3A_294 = vector.shape_cast %broadcast_in_dim3A_293 : vector<400x1x128xbf16> to vector<400x1x128xbf16>
    %broadcast_in_dim3A_295 = vector.broadcast %broadcast_in_dim3A_294 : vector<400x1x128xbf16> to vector<400x8x128xbf16>
    %reshape3A_296 = vector.shape_cast %broadcast_in_dim3A_295 : vector<400x8x128xbf16> to vector<3200x128xbf16>
    %mul3A_297 = arith.mulf %convert_element_type3A_155, %reshape3A_296 : vector<3200x128xbf16>
    %get3A_298 = arith.constant 7 : index
    %get3A_299 = arith.constant 0 : index
    %get3A_300 = arith.constant 0 : index
    %get3A_301 = vector.load %arg9[%get3A_298, %get3A_299, %get3A_300] : memref<8x128x32xbf16, #tpu.memory_space<vmem>>, vector<1x128x32xbf16>
    %get3A_302 = vector.shape_cast %get3A_301 : vector<1x128x32xbf16> to vector<128x32xbf16>
    %dot_general3A_303 = arith.constant dense<0.000000e+00> : vector<3200x32xf32>
    %dot_general3A_304 = tpu.matmul %mul3A_297, %get3A_302, %dot_general3A_303 {dimension_numbers = #tpu.dot_dimension_numbers<[1], [0], [0], [1], [0, 0, 1, 1], [], []>, transpose_lhs_hint = false} : vector<3200x128xbf16>, vector<128x32xbf16>, vector<3200x32xf32> -> vector<3200x32xf32>
    %add3A_305 = arith.addf %add3A_290, %dot_general3A_304 : vector<3200x32xf32>
    %reduce_max3A = arith.constant dense<0xFF800000> : vector<3200xf32>
    %reduce_max3A_306 = vector.multi_reduction <maximumf>, %add3A_305, %reduce_max3A [1] : vector<3200x32xf32> to vector<3200xf32>
    %broadcast_in_dim3A_307 = vector.shape_cast %reduce_max3A_306 : vector<3200xf32> to vector<3200x1xf32>
    %sub3A = vector.broadcast %broadcast_in_dim3A_307 : vector<3200x1xf32> to vector<3200x32xf32>
    %sub3A_308 = arith.subf %add3A_305, %sub3A : vector<3200x32xf32>
    %exp3A_309 = math.exp %sub3A_308 : vector<3200x32xf32>
    %dot_general3A_310 = arith.constant dense<0.000000e+00> : vector<3200x32xf32>
    %dot_general3A_311 = tpu.matmul %exp3A_309, %get3A_39, %dot_general3A_310 {dimension_numbers = #tpu.dot_dimension_numbers<[1], [0], [0], [1], [0, 0, 1, 1], [], []>, transpose_lhs_hint = false} : vector<3200x32xf32>, vector<32x32xf32>, vector<3200x32xf32> -> vector<3200x32xf32>
    %div3A_312 = arith.divf %exp3A_309, %dot_general3A_311 : vector<3200x32xf32>
    %convert_element_type3A_313 = arith.truncf %div3A_312 : vector<3200x32xf32> to vector<3200x32xbf16>
    %broadcast_in_dim3A_314 = arith.constant 0.000000e+00 : f32
    %broadcast_in_dim3A_315 = vector.broadcast %broadcast_in_dim3A_314 : f32 to vector<3200x128xf32>
    %get3A_316 = arith.constant 0 : index
    %get3A_317 = arith.constant 0 : index
    %get3A_318 = arith.constant 0 : index
    %get3A_319 = vector.load %arg10[%get3A_316, %get3A_317, %get3A_318] : memref<8x32x128xbf16, #tpu.memory_space<vmem>>, vector<1x32x128xbf16>
    %get3A_320 = vector.shape_cast %get3A_319 : vector<1x32x128xbf16> to vector<32x128xbf16>
    %dot_general3A_321 = arith.constant dense<0.000000e+00> : vector<3200x128xf32>
    %dot_general3A_322 = tpu.matmul %convert_element_type3A_313, %get3A_320, %dot_general3A_321 {dimension_numbers = #tpu.dot_dimension_numbers<[1], [0], [0], [1], [0, 0, 1, 1], [], []>, transpose_lhs_hint = false} : vector<3200x32xbf16>, vector<32x128xbf16>, vector<3200x128xf32> -> vector<3200x128xf32>
    %slice3A_323 = vector.extract_strided_slice %reshape3A_186 {offsets = [0, 0, 0], sizes = [400, 1, 128], strides = [1, 1, 1]} : vector<400x8x128xf32> to vector<400x1x128xf32>
    %squeeze3A_324 = vector.shape_cast %slice3A_323 : vector<400x1x128xf32> to vector<400x128xf32>
    %broadcast_in_dim3A_325 = vector.shape_cast %squeeze3A_324 : vector<400x128xf32> to vector<400x1x128xf32>
    %broadcast_in_dim3A_326 = vector.shape_cast %broadcast_in_dim3A_325 : vector<400x1x128xf32> to vector<400x1x128xf32>
    %broadcast_in_dim3A_327 = vector.broadcast %broadcast_in_dim3A_326 : vector<400x1x128xf32> to vector<400x8x128xf32>
    %reshape3A_328 = vector.shape_cast %broadcast_in_dim3A_327 : vector<400x8x128xf32> to vector<3200x128xf32>
    %mul3A_329 = arith.mulf %dot_general3A_322, %reshape3A_328 : vector<3200x128xf32>
    %add3A_330 = arith.addf %broadcast_in_dim3A_315, %mul3A_329 : vector<3200x128xf32>
    %get3A_331 = arith.constant 1 : index
    %get3A_332 = arith.constant 0 : index
    %get3A_333 = arith.constant 0 : index
    %get3A_334 = vector.load %arg10[%get3A_331, %get3A_332, %get3A_333] : memref<8x32x128xbf16, #tpu.memory_space<vmem>>, vector<1x32x128xbf16>
    %get3A_335 = vector.shape_cast %get3A_334 : vector<1x32x128xbf16> to vector<32x128xbf16>
    %dot_general3A_336 = arith.constant dense<0.000000e+00> : vector<3200x128xf32>
    %dot_general3A_337 = tpu.matmul %convert_element_type3A_313, %get3A_335, %dot_general3A_336 {dimension_numbers = #tpu.dot_dimension_numbers<[1], [0], [0], [1], [0, 0, 1, 1], [], []>, transpose_lhs_hint = false} : vector<3200x32xbf16>, vector<32x128xbf16>, vector<3200x128xf32> -> vector<3200x128xf32>
    %slice3A_338 = vector.extract_strided_slice %reshape3A_186 {offsets = [0, 1, 0], sizes = [400, 1, 128], strides = [1, 1, 1]} : vector<400x8x128xf32> to vector<400x1x128xf32>
    %squeeze3A_339 = vector.shape_cast %slice3A_338 : vector<400x1x128xf32> to vector<400x128xf32>
    %broadcast_in_dim3A_340 = vector.shape_cast %squeeze3A_339 : vector<400x128xf32> to vector<400x1x128xf32>
    %broadcast_in_dim3A_341 = vector.shape_cast %broadcast_in_dim3A_340 : vector<400x1x128xf32> to vector<400x1x128xf32>
    %broadcast_in_dim3A_342 = vector.broadcast %broadcast_in_dim3A_341 : vector<400x1x128xf32> to vector<400x8x128xf32>
    %reshape3A_343 = vector.shape_cast %broadcast_in_dim3A_342 : vector<400x8x128xf32> to vector<3200x128xf32>
    %mul3A_344 = arith.mulf %dot_general3A_337, %reshape3A_343 : vector<3200x128xf32>
    %add3A_345 = arith.addf %add3A_330, %mul3A_344 : vector<3200x128xf32>
    %get3A_346 = arith.constant 2 : index
    %get3A_347 = arith.constant 0 : index
    %get3A_348 = arith.constant 0 : index
    %get3A_349 = vector.load %arg10[%get3A_346, %get3A_347, %get3A_348] : memref<8x32x128xbf16, #tpu.memory_space<vmem>>, vector<1x32x128xbf16>
    %get3A_350 = vector.shape_cast %get3A_349 : vector<1x32x128xbf16> to vector<32x128xbf16>
    %dot_general3A_351 = arith.constant dense<0.000000e+00> : vector<3200x128xf32>
    %dot_general3A_352 = tpu.matmul %convert_element_type3A_313, %get3A_350, %dot_general3A_351 {dimension_numbers = #tpu.dot_dimension_numbers<[1], [0], [0], [1], [0, 0, 1, 1], [], []>, transpose_lhs_hint = false} : vector<3200x32xbf16>, vector<32x128xbf16>, vector<3200x128xf32> -> vector<3200x128xf32>
    %slice3A_353 = vector.extract_strided_slice %reshape3A_186 {offsets = [0, 2, 0], sizes = [400, 1, 128], strides = [1, 1, 1]} : vector<400x8x128xf32> to vector<400x1x128xf32>
    %squeeze3A_354 = vector.shape_cast %slice3A_353 : vector<400x1x128xf32> to vector<400x128xf32>
    %broadcast_in_dim3A_355 = vector.shape_cast %squeeze3A_354 : vector<400x128xf32> to vector<400x1x128xf32>
    %broadcast_in_dim3A_356 = vector.shape_cast %broadcast_in_dim3A_355 : vector<400x1x128xf32> to vector<400x1x128xf32>
    %broadcast_in_dim3A_357 = vector.broadcast %broadcast_in_dim3A_356 : vector<400x1x128xf32> to vector<400x8x128xf32>
    %reshape3A_358 = vector.shape_cast %broadcast_in_dim3A_357 : vector<400x8x128xf32> to vector<3200x128xf32>
    %mul3A_359 = arith.mulf %dot_general3A_352, %reshape3A_358 : vector<3200x128xf32>
    %add3A_360 = arith.addf %add3A_345, %mul3A_359 : vector<3200x128xf32>
    %get3A_361 = arith.constant 3 : index
    %get3A_362 = arith.constant 0 : index
    %get3A_363 = arith.constant 0 : index
    %get3A_364 = vector.load %arg10[%get3A_361, %get3A_362, %get3A_363] : memref<8x32x128xbf16, #tpu.memory_space<vmem>>, vector<1x32x128xbf16>
    %get3A_365 = vector.shape_cast %get3A_364 : vector<1x32x128xbf16> to vector<32x128xbf16>
    %dot_general3A_366 = arith.constant dense<0.000000e+00> : vector<3200x128xf32>
    %dot_general3A_367 = tpu.matmul %convert_element_type3A_313, %get3A_365, %dot_general3A_366 {dimension_numbers = #tpu.dot_dimension_numbers<[1], [0], [0], [1], [0, 0, 1, 1], [], []>, transpose_lhs_hint = false} : vector<3200x32xbf16>, vector<32x128xbf16>, vector<3200x128xf32> -> vector<3200x128xf32>
    %slice3A_368 = vector.extract_strided_slice %reshape3A_186 {offsets = [0, 3, 0], sizes = [400, 1, 128], strides = [1, 1, 1]} : vector<400x8x128xf32> to vector<400x1x128xf32>
    %squeeze3A_369 = vector.shape_cast %slice3A_368 : vector<400x1x128xf32> to vector<400x128xf32>
    %broadcast_in_dim3A_370 = vector.shape_cast %squeeze3A_369 : vector<400x128xf32> to vector<400x1x128xf32>
    %broadcast_in_dim3A_371 = vector.shape_cast %broadcast_in_dim3A_370 : vector<400x1x128xf32> to vector<400x1x128xf32>
    %broadcast_in_dim3A_372 = vector.broadcast %broadcast_in_dim3A_371 : vector<400x1x128xf32> to vector<400x8x128xf32>
    %reshape3A_373 = vector.shape_cast %broadcast_in_dim3A_372 : vector<400x8x128xf32> to vector<3200x128xf32>
    %mul3A_374 = arith.mulf %dot_general3A_367, %reshape3A_373 : vector<3200x128xf32>
    %add3A_375 = arith.addf %add3A_360, %mul3A_374 : vector<3200x128xf32>
    %get3A_376 = arith.constant 4 : index
    %get3A_377 = arith.constant 0 : index
    %get3A_378 = arith.constant 0 : index
    %get3A_379 = vector.load %arg10[%get3A_376, %get3A_377, %get3A_378] : memref<8x32x128xbf16, #tpu.memory_space<vmem>>, vector<1x32x128xbf16>
    %get3A_380 = vector.shape_cast %get3A_379 : vector<1x32x128xbf16> to vector<32x128xbf16>
    %dot_general3A_381 = arith.constant dense<0.000000e+00> : vector<3200x128xf32>
    %dot_general3A_382 = tpu.matmul %convert_element_type3A_313, %get3A_380, %dot_general3A_381 {dimension_numbers = #tpu.dot_dimension_numbers<[1], [0], [0], [1], [0, 0, 1, 1], [], []>, transpose_lhs_hint = false} : vector<3200x32xbf16>, vector<32x128xbf16>, vector<3200x128xf32> -> vector<3200x128xf32>
    %slice3A_383 = vector.extract_strided_slice %reshape3A_186 {offsets = [0, 4, 0], sizes = [400, 1, 128], strides = [1, 1, 1]} : vector<400x8x128xf32> to vector<400x1x128xf32>
    %squeeze3A_384 = vector.shape_cast %slice3A_383 : vector<400x1x128xf32> to vector<400x128xf32>
    %broadcast_in_dim3A_385 = vector.shape_cast %squeeze3A_384 : vector<400x128xf32> to vector<400x1x128xf32>
    %broadcast_in_dim3A_386 = vector.shape_cast %broadcast_in_dim3A_385 : vector<400x1x128xf32> to vector<400x1x128xf32>
    %broadcast_in_dim3A_387 = vector.broadcast %broadcast_in_dim3A_386 : vector<400x1x128xf32> to vector<400x8x128xf32>
    %reshape3A_388 = vector.shape_cast %broadcast_in_dim3A_387 : vector<400x8x128xf32> to vector<3200x128xf32>
    %mul3A_389 = arith.mulf %dot_general3A_382, %reshape3A_388 : vector<3200x128xf32>
    %add3A_390 = arith.addf %add3A_375, %mul3A_389 : vector<3200x128xf32>
    %get3A_391 = arith.constant 5 : index
    %get3A_392 = arith.constant 0 : index
    %get3A_393 = arith.constant 0 : index
    %get3A_394 = vector.load %arg10[%get3A_391, %get3A_392, %get3A_393] : memref<8x32x128xbf16, #tpu.memory_space<vmem>>, vector<1x32x128xbf16>
    %get3A_395 = vector.shape_cast %get3A_394 : vector<1x32x128xbf16> to vector<32x128xbf16>
    %dot_general3A_396 = arith.constant dense<0.000000e+00> : vector<3200x128xf32>
    %dot_general3A_397 = tpu.matmul %convert_element_type3A_313, %get3A_395, %dot_general3A_396 {dimension_numbers = #tpu.dot_dimension_numbers<[1], [0], [0], [1], [0, 0, 1, 1], [], []>, transpose_lhs_hint = false} : vector<3200x32xbf16>, vector<32x128xbf16>, vector<3200x128xf32> -> vector<3200x128xf32>
    %slice3A_398 = vector.extract_strided_slice %reshape3A_186 {offsets = [0, 5, 0], sizes = [400, 1, 128], strides = [1, 1, 1]} : vector<400x8x128xf32> to vector<400x1x128xf32>
    %squeeze3A_399 = vector.shape_cast %slice3A_398 : vector<400x1x128xf32> to vector<400x128xf32>
    %broadcast_in_dim3A_400 = vector.shape_cast %squeeze3A_399 : vector<400x128xf32> to vector<400x1x128xf32>
    %broadcast_in_dim3A_401 = vector.shape_cast %broadcast_in_dim3A_400 : vector<400x1x128xf32> to vector<400x1x128xf32>
    %broadcast_in_dim3A_402 = vector.broadcast %broadcast_in_dim3A_401 : vector<400x1x128xf32> to vector<400x8x128xf32>
    %reshape3A_403 = vector.shape_cast %broadcast_in_dim3A_402 : vector<400x8x128xf32> to vector<3200x128xf32>
    %mul3A_404 = arith.mulf %dot_general3A_397, %reshape3A_403 : vector<3200x128xf32>
    %add3A_405 = arith.addf %add3A_390, %mul3A_404 : vector<3200x128xf32>
    %get3A_406 = arith.constant 6 : index
    %get3A_407 = arith.constant 0 : index
    %get3A_408 = arith.constant 0 : index
    %get3A_409 = vector.load %arg10[%get3A_406, %get3A_407, %get3A_408] : memref<8x32x128xbf16, #tpu.memory_space<vmem>>, vector<1x32x128xbf16>
    %get3A_410 = vector.shape_cast %get3A_409 : vector<1x32x128xbf16> to vector<32x128xbf16>
    %dot_general3A_411 = arith.constant dense<0.000000e+00> : vector<3200x128xf32>
    %dot_general3A_412 = tpu.matmul %convert_element_type3A_313, %get3A_410, %dot_general3A_411 {dimension_numbers = #tpu.dot_dimension_numbers<[1], [0], [0], [1], [0, 0, 1, 1], [], []>, transpose_lhs_hint = false} : vector<3200x32xbf16>, vector<32x128xbf16>, vector<3200x128xf32> -> vector<3200x128xf32>
    %slice3A_413 = vector.extract_strided_slice %reshape3A_186 {offsets = [0, 6, 0], sizes = [400, 1, 128], strides = [1, 1, 1]} : vector<400x8x128xf32> to vector<400x1x128xf32>
    %squeeze3A_414 = vector.shape_cast %slice3A_413 : vector<400x1x128xf32> to vector<400x128xf32>
    %broadcast_in_dim3A_415 = vector.shape_cast %squeeze3A_414 : vector<400x128xf32> to vector<400x1x128xf32>
    %broadcast_in_dim3A_416 = vector.shape_cast %broadcast_in_dim3A_415 : vector<400x1x128xf32> to vector<400x1x128xf32>
    %broadcast_in_dim3A_417 = vector.broadcast %broadcast_in_dim3A_416 : vector<400x1x128xf32> to vector<400x8x128xf32>
    %reshape3A_418 = vector.shape_cast %broadcast_in_dim3A_417 : vector<400x8x128xf32> to vector<3200x128xf32>
    %mul3A_419 = arith.mulf %dot_general3A_412, %reshape3A_418 : vector<3200x128xf32>
    %add3A_420 = arith.addf %add3A_405, %mul3A_419 : vector<3200x128xf32>
    %get3A_421 = arith.constant 7 : index
    %get3A_422 = arith.constant 0 : index
    %get3A_423 = arith.constant 0 : index
    %get3A_424 = vector.load %arg10[%get3A_421, %get3A_422, %get3A_423] : memref<8x32x128xbf16, #tpu.memory_space<vmem>>, vector<1x32x128xbf16>
    %get3A_425 = vector.shape_cast %get3A_424 : vector<1x32x128xbf16> to vector<32x128xbf16>
    %dot_general3A_426 = arith.constant dense<0.000000e+00> : vector<3200x128xf32>
    %dot_general3A_427 = tpu.matmul %convert_element_type3A_313, %get3A_425, %dot_general3A_426 {dimension_numbers = #tpu.dot_dimension_numbers<[1], [0], [0], [1], [0, 0, 1, 1], [], []>, transpose_lhs_hint = false} : vector<3200x32xbf16>, vector<32x128xbf16>, vector<3200x128xf32> -> vector<3200x128xf32>
    %slice3A_428 = vector.extract_strided_slice %reshape3A_186 {offsets = [0, 7, 0], sizes = [400, 1, 128], strides = [1, 1, 1]} : vector<400x8x128xf32> to vector<400x1x128xf32>
    %squeeze3A_429 = vector.shape_cast %slice3A_428 : vector<400x1x128xf32> to vector<400x128xf32>
    %broadcast_in_dim3A_430 = vector.shape_cast %squeeze3A_429 : vector<400x128xf32> to vector<400x1x128xf32>
    %broadcast_in_dim3A_431 = vector.shape_cast %broadcast_in_dim3A_430 : vector<400x1x128xf32> to vector<400x1x128xf32>
    %broadcast_in_dim3A_432 = vector.broadcast %broadcast_in_dim3A_431 : vector<400x1x128xf32> to vector<400x8x128xf32>
    %reshape3A_433 = vector.shape_cast %broadcast_in_dim3A_432 : vector<400x8x128xf32> to vector<3200x128xf32>
    %mul3A_434 = arith.mulf %dot_general3A_427, %reshape3A_433 : vector<3200x128xf32>
    %add3A_435 = arith.addf %add3A_420, %mul3A_434 : vector<3200x128xf32>
    %get3A_436 = arith.constant 0 : index
    %get3A_437 = arith.constant 0 : index
    %get3A_438 = arith.constant 0 : index
    %get3A_439 = vector.load %arg27[%get3A_436, %get3A_437, %get3A_438] : memref<1x128x128xbf16, #tpu.memory_space<vmem>>, vector<1x128x128xbf16>
    %get3A_440 = vector.shape_cast %get3A_439 : vector<1x128x128xbf16> to vector<128x128xbf16>
    %convert_element_type3A_441 = arith.truncf %add3A_435 : vector<3200x128xf32> to vector<3200x128xbf16>
    %dot_general3A_442 = arith.constant dense<0.000000e+00> : vector<3200x128xf32>
    %dot_general3A_443 = tpu.matmul %convert_element_type3A_441, %get3A_440, %dot_general3A_442 {dimension_numbers = #tpu.dot_dimension_numbers<[1], [0], [0], [1], [0, 0, 1, 1], [], []>, transpose_lhs_hint = false} : vector<3200x128xbf16>, vector<128x128xbf16>, vector<3200x128xf32> -> vector<3200x128xf32>
    %get3A_444 = arith.constant 0 : index
    %get3A_445 = arith.constant 0 : index
    %get3A_446 = arith.constant 0 : index
    %get3A_447 = vector.load %arg28[%get3A_444, %get3A_445, %get3A_446] : memref<1x1x128xf32, #tpu.memory_space<vmem>>, vector<1x1x128xf32>
    %get3A_448 = vector.shape_cast %get3A_447 : vector<1x1x128xf32> to vector<1x128xf32>
    %add3A_449 = vector.broadcast %get3A_448 : vector<1x128xf32> to vector<3200x128xf32>
    %add3A_450 = arith.addf %dot_general3A_443, %add3A_449 : vector<3200x128xf32>
    %mul3A_451 = arith.mulf %add3A_450, %reshape3A_32 : vector<3200x128xf32>
    %reshape3A_452 = vector.shape_cast %mul3A_451 : vector<3200x128xf32> to vector<400x8x128xf32>
    %slice3A_453 = vector.extract_strided_slice %reshape3A_452 {offsets = [0, 0, 0], sizes = [400, 1, 128], strides = [1, 1, 1]} : vector<400x8x128xf32> to vector<400x1x128xf32>
    %squeeze3A_454 = vector.shape_cast %slice3A_453 : vector<400x1x128xf32> to vector<400x128xf32>
    %slice3A_455 = vector.extract_strided_slice %reshape3A_452 {offsets = [0, 1, 0], sizes = [400, 1, 128], strides = [1, 1, 1]} : vector<400x8x128xf32> to vector<400x1x128xf32>
    %squeeze3A_456 = vector.shape_cast %slice3A_455 : vector<400x1x128xf32> to vector<400x128xf32>
    %add3A_457 = arith.addf %squeeze3A_454, %squeeze3A_456 : vector<400x128xf32>
    %slice3A_458 = vector.extract_strided_slice %reshape3A_452 {offsets = [0, 2, 0], sizes = [400, 1, 128], strides = [1, 1, 1]} : vector<400x8x128xf32> to vector<400x1x128xf32>
    %squeeze3A_459 = vector.shape_cast %slice3A_458 : vector<400x1x128xf32> to vector<400x128xf32>
    %add3A_460 = arith.addf %add3A_457, %squeeze3A_459 : vector<400x128xf32>
    %slice3A_461 = vector.extract_strided_slice %reshape3A_452 {offsets = [0, 3, 0], sizes = [400, 1, 128], strides = [1, 1, 1]} : vector<400x8x128xf32> to vector<400x1x128xf32>
    %squeeze3A_462 = vector.shape_cast %slice3A_461 : vector<400x1x128xf32> to vector<400x128xf32>
    %add3A_463 = arith.addf %add3A_460, %squeeze3A_462 : vector<400x128xf32>
    %slice3A_464 = vector.extract_strided_slice %reshape3A_452 {offsets = [0, 4, 0], sizes = [400, 1, 128], strides = [1, 1, 1]} : vector<400x8x128xf32> to vector<400x1x128xf32>
    %squeeze3A_465 = vector.shape_cast %slice3A_464 : vector<400x1x128xf32> to vector<400x128xf32>
    %add3A_466 = arith.addf %add3A_463, %squeeze3A_465 : vector<400x128xf32>
    %slice3A_467 = vector.extract_strided_slice %reshape3A_452 {offsets = [0, 5, 0], sizes = [400, 1, 128], strides = [1, 1, 1]} : vector<400x8x128xf32> to vector<400x1x128xf32>
    %squeeze3A_468 = vector.shape_cast %slice3A_467 : vector<400x1x128xf32> to vector<400x128xf32>
    %add3A_469 = arith.addf %add3A_466, %squeeze3A_468 : vector<400x128xf32>
    %slice3A_470 = vector.extract_strided_slice %reshape3A_452 {offsets = [0, 6, 0], sizes = [400, 1, 128], strides = [1, 1, 1]} : vector<400x8x128xf32> to vector<400x1x128xf32>
    %squeeze3A_471 = vector.shape_cast %slice3A_470 : vector<400x1x128xf32> to vector<400x128xf32>
    %add3A_472 = arith.addf %add3A_469, %squeeze3A_471 : vector<400x128xf32>
    %slice3A_473 = vector.extract_strided_slice %reshape3A_452 {offsets = [0, 7, 0], sizes = [400, 1, 128], strides = [1, 1, 1]} : vector<400x8x128xf32> to vector<400x1x128xf32>
    %squeeze3A_474 = vector.shape_cast %slice3A_473 : vector<400x1x128xf32> to vector<400x128xf32>
    %add3A_475 = arith.addf %add3A_472, %squeeze3A_474 : vector<400x128xf32>
    %div3A_476 = vector.broadcast %add3A_36 : vector<400x1xf32> to vector<400x128xf32>
    %div3A_477 = arith.divf %add3A_475, %div3A_476 : vector<400x128xf32>
    %add3A_478 = arith.addf %div3A_477, %get3A_1 : vector<400x128xf32>
    %add3A_479 = arith.addf %add3A_450, %get3A_7 : vector<3200x128xf32>
    %reduce_sum3A_480 = arith.constant dense<0.000000e+00> : vector<400xf32>
    %reduce_sum3A_481 = vector.multi_reduction <add>, %add3A_478, %reduce_sum3A_480 [1] : vector<400x128xf32> to vector<400xf32>
    %broadcast_in_dim3A_482 = vector.shape_cast %reduce_sum3A_481 : vector<400xf32> to vector<400x1xf32>
    %div3A_483 = arith.constant 1.280000e+02 : f32
    %div3A_484 = vector.broadcast %div3A_483 : f32 to vector<400x1xf32>
    %div3A_485 = arith.divf %broadcast_in_dim3A_482, %div3A_484 : vector<400x1xf32>
    %sub3A_486 = vector.broadcast %div3A_485 : vector<400x1xf32> to vector<400x128xf32>
    %sub3A_487 = arith.subf %add3A_478, %sub3A_486 : vector<400x128xf32>
    %mul3A_488 = arith.mulf %sub3A_487, %sub3A_487 : vector<400x128xf32>
    %reduce_sum3A_489 = arith.constant dense<0.000000e+00> : vector<400xf32>
    %reduce_sum3A_490 = vector.multi_reduction <add>, %mul3A_488, %reduce_sum3A_489 [1] : vector<400x128xf32> to vector<400xf32>
    %broadcast_in_dim3A_491 = vector.shape_cast %reduce_sum3A_490 : vector<400xf32> to vector<400x1xf32>
    %div3A_492 = arith.constant 1.280000e+02 : f32
    %div3A_493 = vector.broadcast %div3A_492 : f32 to vector<400x1xf32>
    %div3A_494 = arith.divf %broadcast_in_dim3A_491, %div3A_493 : vector<400x1xf32>
    %add3A_495 = arith.constant 9.99999974E-6 : f32
    %add3A_496 = vector.broadcast %add3A_495 : f32 to vector<400x1xf32>
    %add3A_497 = arith.addf %div3A_494, %add3A_496 : vector<400x1xf32>
    %rsqrt3A = math.rsqrt %add3A_497 : vector<400x1xf32>
    %mul3A_498 = vector.broadcast %rsqrt3A : vector<400x1xf32> to vector<400x128xf32>
    %mul3A_499 = arith.mulf %sub3A_487, %mul3A_498 : vector<400x128xf32>
    %get3A_500 = arith.constant 0 : index
    %get3A_501 = arith.constant 0 : index
    %get3A_502 = arith.constant 0 : index
    %get3A_503 = vector.load %arg29[%get3A_500, %get3A_501, %get3A_502] : memref<1x1x128xf32, #tpu.memory_space<vmem>>, vector<1x1x128xf32>
    %get3A_504 = vector.shape_cast %get3A_503 : vector<1x1x128xf32> to vector<1x128xf32>
    %mul3A_505 = vector.broadcast %get3A_504 : vector<1x128xf32> to vector<400x128xf32>
    %mul3A_506 = arith.mulf %mul3A_499, %mul3A_505 : vector<400x128xf32>
    %get3A_507 = arith.constant 0 : index
    %get3A_508 = arith.constant 0 : index
    %get3A_509 = arith.constant 0 : index
    %get3A_510 = vector.load %arg30[%get3A_507, %get3A_508, %get3A_509] : memref<1x1x128xf32, #tpu.memory_space<vmem>>, vector<1x1x128xf32>
    %get3A_511 = vector.shape_cast %get3A_510 : vector<1x1x128xf32> to vector<1x128xf32>
    %add3A_512 = vector.broadcast %get3A_511 : vector<1x128xf32> to vector<400x128xf32>
    %add3A_513 = arith.addf %mul3A_506, %add3A_512 : vector<400x128xf32>
    %get3A_514 = arith.constant 0 : index
    %get3A_515 = arith.constant 0 : index
    %get3A_516 = arith.constant 0 : index
    %get3A_517 = vector.load %arg33[%get3A_514, %get3A_515, %get3A_516] : memref<1x128x128xbf16, #tpu.memory_space<vmem>>, vector<1x128x128xbf16>
    %get3A_518 = vector.shape_cast %get3A_517 : vector<1x128x128xbf16> to vector<128x128xbf16>
    %convert_element_type3A_519 = arith.truncf %add3A_513 : vector<400x128xf32> to vector<400x128xbf16>
    %dot_general3A_520 = arith.constant dense<0.000000e+00> : vector<400x128xf32>
    %dot_general3A_521 = tpu.matmul %convert_element_type3A_519, %get3A_518, %dot_general3A_520 {dimension_numbers = #tpu.dot_dimension_numbers<[1], [0], [0], [1], [0, 0, 1, 1], [], []>, transpose_lhs_hint = false} : vector<400x128xbf16>, vector<128x128xbf16>, vector<400x128xf32> -> vector<400x128xf32>
    %get3A_522 = arith.constant 0 : index
    %get3A_523 = arith.constant 0 : index
    %get3A_524 = arith.constant 0 : index
    %get3A_525 = vector.load %arg34[%get3A_522, %get3A_523, %get3A_524] : memref<1x1x128xf32, #tpu.memory_space<vmem>>, vector<1x1x128xf32>
    %get3A_526 = vector.shape_cast %get3A_525 : vector<1x1x128xf32> to vector<1x128xf32>
    %add3A_527 = vector.broadcast %get3A_526 : vector<1x128xf32> to vector<400x128xf32>
    %add3A_528 = arith.addf %dot_general3A_521, %add3A_527 : vector<400x128xf32>
    %neg3A_529 = arith.constant 0.000000e+00 : f32
    %neg3A_530 = vector.broadcast %neg3A_529 : f32 to vector<400x128xf32>
    %neg3A_531 = arith.subf %neg3A_530, %add3A_528 : vector<400x128xf32>
    %exp3A_532 = math.exp %neg3A_531 : vector<400x128xf32>
    %add3A_533 = arith.constant 1.000000e+00 : f32
    %add3A_534 = vector.broadcast %add3A_533 : f32 to vector<400x128xf32>
    %add3A_535 = arith.addf %add3A_534, %exp3A_532 : vector<400x128xf32>
    %div3A_536 = arith.divf %add3A_528, %add3A_535 : vector<400x128xf32>
    %get3A_537 = arith.constant 0 : index
    %get3A_538 = arith.constant 0 : index
    %get3A_539 = arith.constant 0 : index
    %get3A_540 = vector.load %arg35[%get3A_537, %get3A_538, %get3A_539] : memref<1x128x128xbf16, #tpu.memory_space<vmem>>, vector<1x128x128xbf16>
    %get3A_541 = vector.shape_cast %get3A_540 : vector<1x128x128xbf16> to vector<128x128xbf16>
    %convert_element_type3A_542 = arith.truncf %div3A_536 : vector<400x128xf32> to vector<400x128xbf16>
    %dot_general3A_543 = arith.constant dense<0.000000e+00> : vector<400x128xf32>
    %dot_general3A_544 = tpu.matmul %convert_element_type3A_542, %get3A_541, %dot_general3A_543 {dimension_numbers = #tpu.dot_dimension_numbers<[1], [0], [0], [1], [0, 0, 1, 1], [], []>, transpose_lhs_hint = false} : vector<400x128xbf16>, vector<128x128xbf16>, vector<400x128xf32> -> vector<400x128xf32>
    %get3A_545 = arith.constant 0 : index
    %get3A_546 = arith.constant 0 : index
    %get3A_547 = arith.constant 0 : index
    %get3A_548 = vector.load %arg36[%get3A_545, %get3A_546, %get3A_547] : memref<1x1x128xf32, #tpu.memory_space<vmem>>, vector<1x1x128xf32>
    %get3A_549 = vector.shape_cast %get3A_548 : vector<1x1x128xf32> to vector<1x128xf32>
    %add3A_550 = vector.broadcast %get3A_549 : vector<1x128xf32> to vector<400x128xf32>
    %add3A_551 = arith.addf %dot_general3A_544, %add3A_550 : vector<400x128xf32>
    %reduce_sum3A_552 = arith.constant dense<0.000000e+00> : vector<3200xf32>
    %reduce_sum3A_553 = vector.multi_reduction <add>, %add3A_479, %reduce_sum3A_552 [1] : vector<3200x128xf32> to vector<3200xf32>
    %broadcast_in_dim3A_554 = vector.shape_cast %reduce_sum3A_553 : vector<3200xf32> to vector<3200x1xf32>
    %div3A_555 = arith.constant 1.280000e+02 : f32
    %div3A_556 = vector.broadcast %div3A_555 : f32 to vector<3200x1xf32>
    %div3A_557 = arith.divf %broadcast_in_dim3A_554, %div3A_556 : vector<3200x1xf32>
    %sub3A_558 = vector.broadcast %div3A_557 : vector<3200x1xf32> to vector<3200x128xf32>
    %sub3A_559 = arith.subf %add3A_479, %sub3A_558 : vector<3200x128xf32>
    %mul3A_560 = arith.mulf %sub3A_559, %sub3A_559 : vector<3200x128xf32>
    %reduce_sum3A_561 = arith.constant dense<0.000000e+00> : vector<3200xf32>
    %reduce_sum3A_562 = vector.multi_reduction <add>, %mul3A_560, %reduce_sum3A_561 [1] : vector<3200x128xf32> to vector<3200xf32>
    %broadcast_in_dim3A_563 = vector.shape_cast %reduce_sum3A_562 : vector<3200xf32> to vector<3200x1xf32>
    %div3A_564 = arith.constant 1.280000e+02 : f32
    %div3A_565 = vector.broadcast %div3A_564 : f32 to vector<3200x1xf32>
    %div3A_566 = arith.divf %broadcast_in_dim3A_563, %div3A_565 : vector<3200x1xf32>
    %add3A_567 = arith.constant 9.99999974E-6 : f32
    %add3A_568 = vector.broadcast %add3A_567 : f32 to vector<3200x1xf32>
    %add3A_569 = arith.addf %div3A_566, %add3A_568 : vector<3200x1xf32>
    %rsqrt3A_570 = math.rsqrt %add3A_569 : vector<3200x1xf32>
    %mul3A_571 = vector.broadcast %rsqrt3A_570 : vector<3200x1xf32> to vector<3200x128xf32>
    %mul3A_572 = arith.mulf %sub3A_559, %mul3A_571 : vector<3200x128xf32>
    %get3A_573 = arith.constant 0 : index
    %get3A_574 = arith.constant 0 : index
    %get3A_575 = arith.constant 0 : index
    %get3A_576 = vector.load %arg31[%get3A_573, %get3A_574, %get3A_575] : memref<1x1x128xf32, #tpu.memory_space<vmem>>, vector<1x1x128xf32>
    %get3A_577 = vector.shape_cast %get3A_576 : vector<1x1x128xf32> to vector<1x128xf32>
    %mul3A_578 = vector.broadcast %get3A_577 : vector<1x128xf32> to vector<3200x128xf32>
    %mul3A_579 = arith.mulf %mul3A_572, %mul3A_578 : vector<3200x128xf32>
    %get3A_580 = arith.constant 0 : index
    %get3A_581 = arith.constant 0 : index
    %get3A_582 = arith.constant 0 : index
    %get3A_583 = vector.load %arg32[%get3A_580, %get3A_581, %get3A_582] : memref<1x1x128xf32, #tpu.memory_space<vmem>>, vector<1x1x128xf32>
    %get3A_584 = vector.shape_cast %get3A_583 : vector<1x1x128xf32> to vector<1x128xf32>
    %add3A_585 = vector.broadcast %get3A_584 : vector<1x128xf32> to vector<3200x128xf32>
    %add3A_586 = arith.addf %mul3A_579, %add3A_585 : vector<3200x128xf32>
    %get3A_587 = arith.constant 0 : index
    %get3A_588 = arith.constant 0 : index
    %get3A_589 = arith.constant 0 : index
    %get3A_590 = vector.load %arg37[%get3A_587, %get3A_588, %get3A_589] : memref<1x128x128xbf16, #tpu.memory_space<vmem>>, vector<1x128x128xbf16>
    %get3A_591 = vector.shape_cast %get3A_590 : vector<1x128x128xbf16> to vector<128x128xbf16>
    %convert_element_type3A_592 = arith.truncf %add3A_586 : vector<3200x128xf32> to vector<3200x128xbf16>
    %dot_general3A_593 = arith.constant dense<0.000000e+00> : vector<3200x128xf32>
    %dot_general3A_594 = tpu.matmul %convert_element_type3A_592, %get3A_591, %dot_general3A_593 {dimension_numbers = #tpu.dot_dimension_numbers<[1], [0], [0], [1], [0, 0, 1, 1], [], []>, transpose_lhs_hint = false} : vector<3200x128xbf16>, vector<128x128xbf16>, vector<3200x128xf32> -> vector<3200x128xf32>
    %get3A_595 = arith.constant 0 : index
    %get3A_596 = arith.constant 0 : index
    %get3A_597 = arith.constant 0 : index
    %get3A_598 = vector.load %arg38[%get3A_595, %get3A_596, %get3A_597] : memref<1x1x128xf32, #tpu.memory_space<vmem>>, vector<1x1x128xf32>
    %get3A_599 = vector.shape_cast %get3A_598 : vector<1x1x128xf32> to vector<1x128xf32>
    %add3A_600 = vector.broadcast %get3A_599 : vector<1x128xf32> to vector<3200x128xf32>
    %add3A_601 = arith.addf %dot_general3A_594, %add3A_600 : vector<3200x128xf32>
    %neg3A_602 = arith.constant 0.000000e+00 : f32
    %neg3A_603 = vector.broadcast %neg3A_602 : f32 to vector<3200x128xf32>
    %neg3A_604 = arith.subf %neg3A_603, %add3A_601 : vector<3200x128xf32>
    %exp3A_605 = math.exp %neg3A_604 : vector<3200x128xf32>
    %add3A_606 = arith.constant 1.000000e+00 : f32
    %add3A_607 = vector.broadcast %add3A_606 : f32 to vector<3200x128xf32>
    %add3A_608 = arith.addf %add3A_607, %exp3A_605 : vector<3200x128xf32>
    %div3A_609 = arith.divf %add3A_601, %add3A_608 : vector<3200x128xf32>
    %get3A_610 = arith.constant 0 : index
    %get3A_611 = arith.constant 0 : index
    %get3A_612 = arith.constant 0 : index
    %get3A_613 = vector.load %arg39[%get3A_610, %get3A_611, %get3A_612] : memref<1x128x128xbf16, #tpu.memory_space<vmem>>, vector<1x128x128xbf16>
    %get3A_614 = vector.shape_cast %get3A_613 : vector<1x128x128xbf16> to vector<128x128xbf16>
    %convert_element_type3A_615 = arith.truncf %div3A_609 : vector<3200x128xf32> to vector<3200x128xbf16>
    %dot_general3A_616 = arith.constant dense<0.000000e+00> : vector<3200x128xf32>
    %dot_general3A_617 = tpu.matmul %convert_element_type3A_615, %get3A_614, %dot_general3A_616 {dimension_numbers = #tpu.dot_dimension_numbers<[1], [0], [0], [1], [0, 0, 1, 1], [], []>, transpose_lhs_hint = false} : vector<3200x128xbf16>, vector<128x128xbf16>, vector<3200x128xf32> -> vector<3200x128xf32>
    %get3A_618 = arith.constant 0 : index
    %get3A_619 = arith.constant 0 : index
    %get3A_620 = arith.constant 0 : index
    %get3A_621 = vector.load %arg40[%get3A_618, %get3A_619, %get3A_620] : memref<1x1x128xf32, #tpu.memory_space<vmem>>, vector<1x1x128xf32>
    %get3A_622 = vector.shape_cast %get3A_621 : vector<1x1x128xf32> to vector<1x128xf32>
    %add3A_623 = vector.broadcast %get3A_622 : vector<1x128xf32> to vector<3200x128xf32>
    %add3A_624 = arith.addf %dot_general3A_617, %add3A_623 : vector<3200x128xf32>
    %iota3A = tpu.iota {dimensions = array<i32: 1>} : vector<400x8xi32>
    %eq3A_625 = vector.broadcast %arg1 : i32 to vector<400x8xi32>
    %eq3A_626 = arith.cmpi eq, %iota3A, %eq3A_625 : vector<400x8xi32>
    %jit3A = arith.constant 0.000000e+00 : f32
    %broadcast_in_dim3A_627 = vector.broadcast %jit3A : f32 to vector<400x8xf32>
    %select_n3A = arith.select %eq3A_626, %get3A_25, %broadcast_in_dim3A_627 : vector<400x8xi1>, vector<400x8xf32>
    %reduce_sum3A_628 = arith.constant dense<0.000000e+00> : vector<400xf32>
    %reduce_sum3A_629 = vector.multi_reduction <add>, %select_n3A, %reduce_sum3A_628 [1] : vector<400x8xf32> to vector<400xf32>
    %broadcast_in_dim3A_630 = vector.shape_cast %reduce_sum3A_629 : vector<400xf32> to vector<400x1xf32>
    %broadcast_in_dim3A_631 = vector.shape_cast %broadcast_in_dim3A_630 : vector<400x1xf32> to vector<400x1xf32>
    %broadcast_in_dim3A_632 = vector.broadcast %broadcast_in_dim3A_631 : vector<400x1xf32> to vector<400x128xf32>
    %get3A_633 = arith.constant 0 : index
    %get3A_634 = arith.constant 0 : index
    %get3A_635 = vector.load %arg41[%get3A_633, %get3A_634] : memref<400x128xf32, #tpu.memory_space<vmem>>, vector<400x128xf32>
    %add3A_636 = arith.addf %add3A_478, %add3A_551 : vector<400x128xf32>
    %mul3A_637 = arith.mulf %broadcast_in_dim3A_632, %add3A_636 : vector<400x128xf32>
    %add3A_638 = arith.addf %get3A_635, %mul3A_637 : vector<400x128xf32>
    %swap3A = arith.constant 0 : index
    %swap3A_639 = arith.constant 0 : index
    %swap3A_640 = vector.load %arg41[%swap3A, %swap3A_639] : memref<400x128xf32, #tpu.memory_space<vmem>>, vector<400x128xf32>
    tpu.vector_store %arg41[%swap3A, %swap3A_639], %add3A_638 {strides = array<i32>} : memref<400x128xf32, #tpu.memory_space<vmem>>, vector<400x128xf32>,
    %get3A_641 = arith.constant 0 : index
    %get3A_642 = arith.constant 0 : index
    %get3A_643 = vector.load %arg42[%get3A_641, %get3A_642] : memref<3200x128xf32, #tpu.memory_space<vmem>>, vector<3200x128xf32>
    %broadcast_in_dim3A_644 = vector.shape_cast %broadcast_in_dim3A_632 : vector<400x128xf32> to vector<400x1x128xf32>
    %broadcast_in_dim3A_645 = vector.shape_cast %broadcast_in_dim3A_644 : vector<400x1x128xf32> to vector<400x1x128xf32>
    %broadcast_in_dim3A_646 = vector.broadcast %broadcast_in_dim3A_645 : vector<400x1x128xf32> to vector<400x8x128xf32>
    %reshape3A_647 = vector.shape_cast %broadcast_in_dim3A_646 : vector<400x8x128xf32> to vector<3200x128xf32>
    %add3A_648 = arith.addf %add3A_479, %add3A_624 : vector<3200x128xf32>
    %mul3A_649 = arith.mulf %reshape3A_647, %add3A_648 : vector<3200x128xf32>
    %add3A_650 = arith.addf %get3A_643, %mul3A_649 : vector<3200x128xf32>
    %swap3A_651 = arith.constant 0 : index
    %swap3A_652 = arith.constant 0 : index
    %swap3A_653 = vector.load %arg42[%swap3A_651, %swap3A_652] : memref<3200x128xf32, #tpu.memory_space<vmem>>, vector<3200x128xf32>
    tpu.vector_store %arg42[%swap3A_651, %swap3A_652], %add3A_650 {strides = array<i32>} : memref<3200x128xf32, #tpu.memory_space<vmem>>, vector<3200x128xf32>,
    return
  }
  func.func @transform_0(%arg0: i32, %arg1: i32) -> (i32, i32) {
    %c0_i32 = arith.constant 0 : i32
    %c0_i32_0 = arith.constant 0 : i32
    return %arg0, %c0_i32 : i32, i32
  }
  func.func @transform_1(%arg0: i32, %arg1: i32) -> (i32, i32) {
    %c0_i32 = arith.constant 0 : i32
    %c0_i32_0 = arith.constant 0 : i32
    return %arg0, %c0_i32 : i32, i32
  }
  func.func @transform_2(%arg0: i32, %arg1: i32) -> (i32, i32) {
    %c0_i32 = arith.constant 0 : i32
    %c0_i32_0 = arith.constant 0 : i32
    return %arg0, %c0_i32 : i32, i32
  }
  func.func @transform_3(%arg0: i32, %arg1: i32) -> (i32, i32) {
    %c0_i32 = arith.constant 0 : i32
    %c0_i32_0 = arith.constant 0 : i32
    return %arg0, %c0_i32 : i32, i32
  }
  func.func @transform_4(%arg0: i32, %arg1: i32) -> (i32, i32) {
    %c0_i32 = arith.constant 0 : i32
    %c0_i32_0 = arith.constant 0 : i32
    return %arg0, %c0_i32 : i32, i32
  }
  func.func @transform_5(%arg0: i32, %arg1: i32) -> (i32, i32, i32) {
    %c0_i32 = arith.constant 0 : i32
    %c0_i32_0 = arith.constant 0 : i32
    %c0_i32_1 = arith.constant 0 : i32
    return %arg0, %c0_i32, %c0_i32_0 : i32, i32, i32
  }
  func.func @transform_6(%arg0: i32, %arg1: i32) -> (i32, i32) {
    %c0_i32 = arith.constant 0 : i32
    %c0_i32_0 = arith.constant 0 : i32
    %c0_i32_1 = arith.constant 0 : i32
    return %c0_i32, %c0_i32_0 : i32, i32
  }
  func.func @transform_7(%arg0: i32, %arg1: i32) -> (i32, i32, i32) {
    %c0_i32 = arith.constant 0 : i32
    %c0_i32_0 = arith.constant 0 : i32
    %c0_i32_1 = arith.constant 0 : i32
    %c0_i32_2 = arith.constant 0 : i32
    return %c0_i32, %c0_i32_0, %c0_i32_1 : i32, i32, i32
  }
  func.func @transform_8(%arg0: i32, %arg1: i32) -> (i32, i32, i32) {
    %c0_i32 = arith.constant 0 : i32
    %c0_i32_0 = arith.constant 0 : i32
    %c0_i32_1 = arith.constant 0 : i32
    %c0_i32_2 = arith.constant 0 : i32
    return %c0_i32, %c0_i32_0, %c0_i32_1 : i32, i32, i32
  }
  func.func @transform_9(%arg0: i32, %arg1: i32) -> (i32, i32) {
    %c0_i32 = arith.constant 0 : i32
    %c0_i32_0 = arith.constant 0 : i32
    %c0_i32_1 = arith.constant 0 : i32
    return %c0_i32, %c0_i32_0 : i32, i32
  }
  func.func @transform_10(%arg0: i32, %arg1: i32) -> (i32, i32) {
    %c0_i32 = arith.constant 0 : i32
    %c0_i32_0 = arith.constant 0 : i32
    %c0_i32_1 = arith.constant 0 : i32
    return %c0_i32, %c0_i32_0 : i32, i32
  }
  func.func @transform_11(%arg0: i32, %arg1: i32) -> (i32, i32, i32) {
    %c0_i32 = arith.constant 0 : i32
    %c0_i32_0 = arith.constant 0 : i32
    %c0_i32_1 = arith.constant 0 : i32
    return %arg1, %c0_i32, %c0_i32_0 : i32, i32, i32
  }
  func.func @transform_12(%arg0: i32, %arg1: i32) -> (i32, i32, i32) {
    %c0_i32 = arith.constant 0 : i32
    %c0_i32_0 = arith.constant 0 : i32
    %c0_i32_1 = arith.constant 0 : i32
    return %arg1, %c0_i32, %c0_i32_0 : i32, i32, i32
  }
  func.func @transform_13(%arg0: i32, %arg1: i32) -> (i32, i32, i32) {
    %c0_i32 = arith.constant 0 : i32
    %c0_i32_0 = arith.constant 0 : i32
    %c0_i32_1 = arith.constant 0 : i32
    return %arg1, %c0_i32, %c0_i32_0 : i32, i32, i32
  }
  func.func @transform_14(%arg0: i32, %arg1: i32) -> (i32, i32, i32) {
    %c0_i32 = arith.constant 0 : i32
    %c0_i32_0 = arith.constant 0 : i32
    %c0_i32_1 = arith.constant 0 : i32
    return %arg1, %c0_i32, %c0_i32_0 : i32, i32, i32
  }
  func.func @transform_15(%arg0: i32, %arg1: i32) -> (i32, i32, i32) {
    %c0_i32 = arith.constant 0 : i32
    %c0_i32_0 = arith.constant 0 : i32
    %c0_i32_1 = arith.constant 0 : i32
    return %arg1, %c0_i32, %c0_i32_0 : i32, i32, i32
  }
  func.func @transform_16(%arg0: i32, %arg1: i32) -> (i32, i32, i32) {
    %c0_i32 = arith.constant 0 : i32
    %c0_i32_0 = arith.constant 0 : i32
    %c0_i32_1 = arith.constant 0 : i32
    return %arg1, %c0_i32, %c0_i32_0 : i32, i32, i32
  }
  func.func @transform_17(%arg0: i32, %arg1: i32) -> (i32, i32, i32) {
    %c0_i32 = arith.constant 0 : i32
    %c0_i32_0 = arith.constant 0 : i32
    %c0_i32_1 = arith.constant 0 : i32
    return %arg1, %c0_i32, %c0_i32_0 : i32, i32, i32
  }
  func.func @transform_18(%arg0: i32, %arg1: i32) -> (i32, i32, i32) {
    %c0_i32 = arith.constant 0 : i32
    %c0_i32_0 = arith.constant 0 : i32
    %c0_i32_1 = arith.constant 0 : i32
    return %arg1, %c0_i32, %c0_i32_0 : i32, i32, i32
  }
  func.func @transform_19(%arg0: i32, %arg1: i32) -> (i32, i32, i32) {
    %c0_i32 = arith.constant 0 : i32
    %c0_i32_0 = arith.constant 0 : i32
    %c0_i32_1 = arith.constant 0 : i32
    return %arg1, %c0_i32, %c0_i32_0 : i32, i32, i32
  }
  func.func @transform_20(%arg0: i32, %arg1: i32) -> (i32, i32, i32) {
    %c0_i32 = arith.constant 0 : i32
    %c0_i32_0 = arith.constant 0 : i32
    %c0_i32_1 = arith.constant 0 : i32
    return %arg1, %c0_i32, %c0_i32_0 : i32, i32, i32
  }
  func.func @transform_21(%arg0: i32, %arg1: i32) -> (i32, i32, i32) {
    %c0_i32 = arith.constant 0 : i32
    %c0_i32_0 = arith.constant 0 : i32
    %c0_i32_1 = arith.constant 0 : i32
    return %arg1, %c0_i32, %c0_i32_0 : i32, i32, i32
  }
  func.func @transform_22(%arg0: i32, %arg1: i32) -> (i32, i32, i32) {
    %c0_i32 = arith.constant 0 : i32
    %c0_i32_0 = arith.constant 0 : i32
    %c0_i32_1 = arith.constant 0 : i32
    return %arg1, %c0_i32, %c0_i32_0 : i32, i32, i32
  }
  func.func @transform_23(%arg0: i32, %arg1: i32) -> (i32, i32, i32) {
    %c0_i32 = arith.constant 0 : i32
    %c0_i32_0 = arith.constant 0 : i32
    %c0_i32_1 = arith.constant 0 : i32
    return %arg1, %c0_i32, %c0_i32_0 : i32, i32, i32
  }
  func.func @transform_24(%arg0: i32, %arg1: i32) -> (i32, i32, i32) {
    %c0_i32 = arith.constant 0 : i32
    %c0_i32_0 = arith.constant 0 : i32
    %c0_i32_1 = arith.constant 0 : i32
    return %arg1, %c0_i32, %c0_i32_0 : i32, i32, i32
  }
  func.func @transform_25(%arg0: i32, %arg1: i32) -> (i32, i32, i32) {
    %c0_i32 = arith.constant 0 : i32
    %c0_i32_0 = arith.constant 0 : i32
    %c0_i32_1 = arith.constant 0 : i32
    return %arg1, %c0_i32, %c0_i32_0 : i32, i32, i32
  }
  func.func @transform_26(%arg0: i32, %arg1: i32) -> (i32, i32, i32) {
    %c0_i32 = arith.constant 0 : i32
    %c0_i32_0 = arith.constant 0 : i32
    %c0_i32_1 = arith.constant 0 : i32
    return %arg1, %c0_i32, %c0_i32_0 : i32, i32, i32
  }
  func.func @transform_27(%arg0: i32, %arg1: i32) -> (i32, i32, i32) {
    %c0_i32 = arith.constant 0 : i32
    %c0_i32_0 = arith.constant 0 : i32
    %c0_i32_1 = arith.constant 0 : i32
    return %arg1, %c0_i32, %c0_i32_0 : i32, i32, i32
  }
  func.func @transform_28(%arg0: i32, %arg1: i32) -> (i32, i32, i32) {
    %c0_i32 = arith.constant 0 : i32
    %c0_i32_0 = arith.constant 0 : i32
    %c0_i32_1 = arith.constant 0 : i32
    return %arg1, %c0_i32, %c0_i32_0 : i32, i32, i32
  }
  func.func @transform_29(%arg0: i32, %arg1: i32) -> (i32, i32, i32) {
    %c0_i32 = arith.constant 0 : i32
    %c0_i32_0 = arith.constant 0 : i32
    %c0_i32_1 = arith.constant 0 : i32
    return %arg1, %c0_i32, %c0_i32_0 : i32, i32, i32
  }
  func.func @transform_30(%arg0: i32, %arg1: i32) -> (i32, i32, i32) {
    %c0_i32 = arith.constant 0 : i32
    %c0_i32_0 = arith.constant 0 : i32
    %c0_i32_1 = arith.constant 0 : i32
    return %arg1, %c0_i32, %c0_i32_0 : i32, i32, i32
  }
  func.func @transform_31(%arg0: i32, %arg1: i32) -> (i32, i32, i32) {
    %c0_i32 = arith.constant 0 : i32
    %c0_i32_0 = arith.constant 0 : i32
    %c0_i32_1 = arith.constant 0 : i32
    return %arg1, %c0_i32, %c0_i32_0 : i32, i32, i32
  }
  func.func @transform_32(%arg0: i32, %arg1: i32) -> (i32, i32, i32) {
    %c0_i32 = arith.constant 0 : i32
    %c0_i32_0 = arith.constant 0 : i32
    %c0_i32_1 = arith.constant 0 : i32
    return %arg1, %c0_i32, %c0_i32_0 : i32, i32, i32
  }
  func.func @transform_33(%arg0: i32, %arg1: i32) -> (i32, i32, i32) {
    %c0_i32 = arith.constant 0 : i32
    %c0_i32_0 = arith.constant 0 : i32
    %c0_i32_1 = arith.constant 0 : i32
    return %arg1, %c0_i32, %c0_i32_0 : i32, i32, i32
  }
  func.func @transform_34(%arg0: i32, %arg1: i32) -> (i32, i32, i32) {
    %c0_i32 = arith.constant 0 : i32
    %c0_i32_0 = arith.constant 0 : i32
    %c0_i32_1 = arith.constant 0 : i32
    return %arg1, %c0_i32, %c0_i32_0 : i32, i32, i32
  }
  func.func @transform_35(%arg0: i32, %arg1: i32) -> (i32, i32, i32) {
    %c0_i32 = arith.constant 0 : i32
    %c0_i32_0 = arith.constant 0 : i32
    %c0_i32_1 = arith.constant 0 : i32
    return %arg1, %c0_i32, %c0_i32_0 : i32, i32, i32
  }
  func.func @transform_36(%arg0: i32, %arg1: i32) -> (i32, i32, i32) {
    %c0_i32 = arith.constant 0 : i32
    %c0_i32_0 = arith.constant 0 : i32
    %c0_i32_1 = arith.constant 0 : i32
    return %arg1, %c0_i32, %c0_i32_0 : i32, i32, i32
  }
  func.func @transform_37(%arg0: i32, %arg1: i32) -> (i32, i32, i32) {
    %c0_i32 = arith.constant 0 : i32
    %c0_i32_0 = arith.constant 0 : i32
    %c0_i32_1 = arith.constant 0 : i32
    return %arg1, %c0_i32, %c0_i32_0 : i32, i32, i32
  }
  func.func @transform_38(%arg0: i32, %arg1: i32) -> (i32, i32, i32) {
    %c0_i32 = arith.constant 0 : i32
    %c0_i32_0 = arith.constant 0 : i32
    %c0_i32_1 = arith.constant 0 : i32
    return %arg1, %c0_i32, %c0_i32_0 : i32, i32, i32
  }
  func.func @transform_39(%arg0: i32, %arg1: i32) -> (i32, i32) {
    %c0_i32 = arith.constant 0 : i32
    %c0_i32_0 = arith.constant 0 : i32
    return %arg0, %c0_i32 : i32, i32
  }
  func.func @transform_40(%arg0: i32, %arg1: i32) -> (i32, i32) {
    %c0_i32 = arith.constant 0 : i32
    %c0_i32_0 = arith.constant 0 : i32
    return %arg0, %c0_i32 : i32, i32
  }
}

</mosaic_0001>

<sc_bundles>
// kernel: kernel.4.cloned.1.call-start
scs
__scs_entry_jumppad:
0x0: {  	(pc) =	sbr.rel $0x88, $3  }
0x1: {  	(tag) =	ssettag $0x0;
	lr =	simm.s32 $0x1  }
0x2: {  	[smem:$0x3F7E] =	sst lr;
	_ =	strace $0xD0000000  }
0x3: {  	_ = 	snop  }
0x4: {  	_ = 	snop  }
0x5: {  	_ = 	snop  }
0x6: {  	_ = 	snop  }
0x7: {  	_ = 	snop  }
__scs_overlays_trampoline_lowered:
0x8: {  	[smem:$0x3F8D] =	sst s0  }
0x9: {  	[smem:$0x3F8E] =	sst s1  }
0xa: {  	[smem:$0x3F8F] =	sst s2  }
0xb: {  	[smem:$0x3F90] =	sst s3  }
0xc: {  	[smem:$0x3F91] =	sst s4  }
0xd: {  	[smem:$0x3F92] =	sst s5  }
0xe: {  	[smem:$0x3F93] =	sst s6  }
0xf: {  	[smem:$0x3F94] =	sst s7  }
0x10: {  	[smem:$0x3F95] =	sst s8  }
0x11: {  	[smem:$0x3F96] =	sst s9;
	s0 =	simm.s32 @!p0 $0x0  }
0x12: {  	s1 =	sld [smem:$0x3F7C];
	s0 =	simm.s32 @p0 $0x1  }
0x13: {  	[smem:$0x3F97] =	sst s0;
	s0 =	simm.s32 @!p1 $0x0  }
0x14: {  	s2 =	sld [smem:$0x3F7B];
	s0 =	simm.s32 @p1 $0x1  }
0x15: {  	[smem:$0x3F98] =	sst s0;
	s0 =	simm.s32 @!p2 $0x0  }
0x16: {  	s3 =	sld [smem:$0x3FDB];
	s0 =	simm.s32 @p2 $0x1  }
0x17: {  	s4 =	simm.s32 $0x1BF5;
	[smem:$0x3F9A] =	sst s0  }
0x18: {  	s0 =	sld [smem:$0x3F7D];
	_ =	swait.ge [sflag:s4], $0x0  }
0x19: {  	s7 =	sld [smem:$0x3F7E]  }
0x1a: {  	s8 =	sadd.s32 $0xFFFFE003, lr  }
0x1b: {  	s9 =	sadd.s32 $0xFFFFFEF7, lr;
	s5 =	simm.s32 $0xFFFFFFFF;
	p2 =	slt.u32 s8, $0xFFFFF086  }
0x1c: {  	p1 =	slt.u32 s9, $0xF7A;
	s5 =	simm.s32 @!p2 $0x0  }
0x1d: {  	s5 =	simm.s32 @p1 $0x1;
	p0 =	seq.s32 s7, s2  }
0x1e: {  	s7 =	smul.u32 @!p0 $0xF7A, s2;
	p2 =	seq.s32 @!p0 s5, $0x0  }
0x1f: {  	s9 =	smul.u32 $0xF7A, s1;
	s8 =	simm.s32 @!p0 $0x1BF5;
	p2 =	por !p2, p0  }
0x20: {  	[sflag:s8] =	ssyncset.s32 @!p0 $0xFFFFF086;
	s6 =	sadd.s32 @!p0 s3, s7;
	s7 =	simm.s32 @!p0 $0x108  }
0x21: {  	s3 =	sadd.s32 s3, s9;
	s6 =	sadd.s32 @!p0 $0x88, s6;
	s7 =	simm.s32 @p2 $0x1082  }
0x22: {  	[simem:s7], [sflag:s8] =	dma.local @!p0 [hbm:s6], $0xF7A  }
0x23: {  	s9 =	sor.u32 $0xD0000000, s2;
	s6 =	simm.s32 $0x108;
	_ =	swait.ge @!p0 [sflag:s8], $0x0  }
0x24: {  	s3 =	sadd.s32 $0x88, s3;
	s6 =	simm.s32 @!p1 $0x1082;
	[sflag:s4] =	ssyncset.s32 $0xFFFFF086  }
0x25: {  	[simem:s6], [sflag:s4] =	dma.local [hbm:s3], $0xF7A  }
0x26: {  	[smem:$0x3F7E] =	sst s1;
	(tag) =	ssettag s2;
	_ =	strace s9  }
0x27: {  	s1 =	sld [smem:$0x3F8E]  }
0x28: {  	s2 =	sld [smem:$0x3F8F]  }
0x29: {  	s4 =	sld [smem:$0x3F91]  }
0x2a: {  	p0 =	seq.s32 s5, $0x0;
	s5 =	sld [smem:$0x3F92]  }
0x2b: {  	s6 =	sld [smem:$0x3F93]  }
0x2c: {  	s7 =	sld [smem:$0x3F94]  }
0x2d: {  	s3 =	simm.s32 $0x108;
	s8 =	sld [smem:$0x3F95]  }
0x2e: {  	s3 =	simm.s32 @!p0 $0x1082;
	s9 =	sld [smem:$0x3F96]  }
0x2f: {  	lr =	sadd.s32 s0, s3;
	s0 =	sld [smem:$0x3F8D]  }
0x30: {  	s3 =	sld [smem:$0x3F90]  }
0x31: {  	[smem:$0x3F99] =	sst s10  }
0x32: {  	s10 =	sld [smem:$0x3F97];
	_ =	sdelay $0x3  }
0x33: {  	p0 =	seq.s32 s10, $0x1;
	s10 =	sld [smem:$0x3F99];
	_ =	sdelay $0x3  }
0x34: {  	[smem:$0x3F99] =	sst s10  }
0x35: {  	s10 =	sld [smem:$0x3F98];
	_ =	sdelay $0x3  }
0x36: {  	p1 =	seq.s32 s10, $0x1;
	s10 =	sld [smem:$0x3F99];
	_ =	sdelay $0x3  }
0x37: {  	[smem:$0x3F99] =	sst s10  }
0x38: {  	s10 =	sld [smem:$0x3F9A]  }
0x39: {  	_ = 	snop;
	(pc) =	sbr.ind lr, $3  }
0x3a: {  	_ = 	snop  }
0x3b: {  	_ = 	snop  }
0x3c: {  	p2 =	seq.s32 s10, $0x1;
	s10 =	sld [smem:$0x3F99]  }
0x3d: {  	_ =	shalt  }
0x3e: {  	_ =	shalt  }
0x3f: {  	_ =	shalt  }
0x40: {  	_ =	shalt  }
0x41: {  	_ =	shalt  }
0x42: {  	_ =	shalt  }
0x43: {  	_ =	shalt  }
0x44: {  	_ =	shalt  }
0x45: {  	_ =	shalt  }
0x46: {  	_ =	shalt  }
0x47: {  	_ =	shalt  }
0x48: {  	_ =	shalt  }
0x49: {  	_ =	shalt  }
0x4a: {  	_ =	shalt  }
0x4b: {  	_ =	shalt  }
0x4c: {  	_ =	shalt  }
0x4d: {  	_ =	shalt  }
0x4e: {  	_ =	shalt  }
0x4f: {  	_ =	shalt  }
0x50: {  	_ =	shalt  }
0x51: {  	_ =	shalt  }
0x52: {  	_ =	shalt  }
0x53: {  	_ =	shalt  }
0x54: {  	_ =	shalt  }
0x55: {  	_ =	shalt  }
0x56: {  	_ =	shalt  }
0x57: {  	_ =	shalt  }
0x58: {  	_ =	shalt  }
0x59: {  	_ =	shalt  }
0x5a: {  	_ =	shalt  }
0x5b: {  	_ =	shalt  }
0x5c: {  	_ =	shalt  }
0x5d: {  	_ =	shalt  }
0x5e: {  	_ =	shalt  }
0x5f: {  	_ =	shalt  }
0x60: {  	_ =	shalt  }
0x61: {  	_ =	shalt  }
0x62: {  	_ =	shalt  }
0x63: {  	_ =	shalt  }
0x64: {  	_ =	shalt  }
0x65: {  	_ =	shalt  }
0x66: {  	_ =	shalt  }
0x67: {  	_ =	shalt  }
0x68: {  	_ =	shalt  }
0x69: {  	_ =	shalt  }
0x6a: {  	_ =	shalt  }
0x6b: {  	_ =	shalt  }
0x6c: {  	_ =	shalt  }
0x6d: {  	_ =	shalt  }
0x6e: {  	_ =	shalt  }
0x6f: {  	_ =	shalt  }
0x70: {  	_ =	shalt  }
0x71: {  	_ =	shalt  }
0x72: {  	_ =	shalt  }
0x73: {  	_ =	shalt  }
0x74: {  	_ =	shalt  }
0x75: {  	_ =	shalt  }
0x76: {  	_ =	shalt  }
0x77: {  	_ =	shalt  }
0x78: {  	_ =	shalt  }
0x79: {  	_ =	shalt  }
0x7a: {  	_ =	shalt  }
0x7b: {  	_ =	shalt  }
0x7c: {  	_ =	shalt  }
0x7d: {  	_ =	shalt  }
0x7e: {  	_ =	shalt  }
0x7f: {  	_ =	shalt  }
0x80: {  	_ =	shalt  }
0x81: {  	_ =	shalt  }
0x82: {  	_ =	shalt  }
0x83: {  	_ =	shalt  }
0x84: {  	_ =	shalt  }
0x85: {  	_ =	shalt  }
0x86: {  	_ =	shalt  }
0x87: {  	_ =	shalt  }
.Lfunc_end0:
.L_simem_size_0:
called_computation_lowered:
.L_overlay_start_0:
0x88: {  	s2 =	sld [smem:$0x3FD9]  }
0x89: {  	s3 =	sld [smem:$0x3FFE];
	_ =	sdelay $0x1  }
0x8a: {  	s1 =	srdreg.scid  }
0x8b: {  	s0 =	sand.u32 $0x1, s1  }
0x8c: {  	s14 =	sshll.u32 s0, $0xA;
	s2 =	sadd.s32 s3, s2  }
0x8d: {  	s2 =	sadd.s32 s2, s14  }
0x8e: {  	[smem:$0x3FA5] =	sst s2  }
0x8f: {  	_ = 	snop  }
0x90: {  	s2 =	sld [smem:$0x3FD0];
	_ =	sdelay $0x2  }
0x91: {  	s4 =	simm.s32 $0xA;
	s5 =	simm.s32 $0x10;
	s15 =	sld [smem:$0x3FAC]  }
0x92: {  	[smem:s5], [sflag:s4] =	dma.local [hbm:s2], $0x1  }
0x93: {  	_ =	swait.eq [sflag:s4], $0x1  }
0x94: {  	[sflag:s4] =	ssyncset.done $0x0  }
0x95: {  	[sflag:s4] =	ssyncadd.s32 $0xFFFFFFFF  }
0x96: {  	s16 =	sld [smem:$0x10];
	(tm) =	ssettm $0x1  }
0x97: {  	s17 =	sld [smem:$0x3FFB];
	_ =	sdelay $0x3  }
0x98: {  	_ =	strace s17  }
0x99: {  	s4 =	sld [smem:$0x3FFC];
	_ =	sdelay $0x3  }
0x9a: {  	_ =	strace s4  }
0x9b: {  	s4 =	sld [smem:$0x3FFD];
	_ =	sdelay $0x3  }
0x9c: {  	_ =	strace s4  }
0x9d: {  	_ =	strace $0x8FFFFFFF  }
0x9e: {  	s18 =	sld [smem:$0x3FDB];
	_ =	sdelay $0x1  }
0x9f: {  	s19 =	simm.s32 $_scs_section_size  }
0xa0: {  	s6 =	simm.s32 $_size__tile_overlayer_lowered;
	s7 =	simm.s32 $_tile_overlayer_lowered  }
0xa1: {  	s22 =	simm.s32 $0x1BFF;
	s21 =	sshll.u32 s7, $0x1;
	s4 =	sadd.s32 s19, s18  }
0xa2: {  	s8 =	simm.s32 $0x0;
	s20 =	sshll.u32 s6, $0x1;
	s6 =	sadd.s32 s21, s4  }
0xa3: {  	[timem:s8], [sflag:s22] =	dma.local [hbm:s6], s20  }
0xa4: {  	_ =	swait.ge [sflag:s22], s20  }
0xa5: {  	s5 =	ssub.s32 $0x0, s20;
	[sflag:s22] =	ssyncset.done $0x0  }
0xa6: {  	[sflag:s22] =	ssyncadd.s32 s5;
	_ =	sdelay $0x1  }
0xa7: {  	s23 =	simm.s32 $0x1B8B  }
0xa8: {  	_ =	swait.ge [sflag:s23], $0x1  }
0xa9: {  	[sflag:s23] =	ssyncset.done $0x0  }
0xaa: {  	s25 =	simm.s32 $0x1B8E;
	s24 =	sld [smem:$0x3FFE];
	[sflag:s23] =	ssyncadd.s32 $0xFFFFFFFF  }
0xab: {  	s26 =	simm.s32 $execute0_lowered;
	[smem:$0x3FD2] =	sst s25  }
0xac: {  	s6 =	sshll.u32 s26, $0x1;
	_ =	strace $0x80000046;
	[dreg:$0x1] =	wrdreg $0xFFFFFFFF  }
0xad: {  	s28 =	simm.s32 $_size_execute0_lowered;
	s4 =	sadd.s32 s4, s6;
	[dreg:$0x0] =	wrdreg $0x0  }
0xae: {  	s6 =	sshll.u32 s28, $0x1;
	[dreg:$0x2] =	wrdreg s4  }
0xaf: {  	[dreg:$0x3] =	wrdreg s6  }
0xb0: {  	[dreg:$0x4] =	wrdreg $0xC0  }
0xb1: {  	_ =	task [dreg:s8], $0x5FFFF  }
0xb2: {  	[dreg:$0x1] =	wrdreg $0xFFFFFFFF  }
0xb3: {  	[dreg:$0x0] =	wrdreg $0x60  }
0xb4: {  	[dreg:$0x2] =	wrdreg s15  }
0xb5: {  	[dreg:$0x3] =	wrdreg s16  }
0xb6: {  	[dreg:$0x4] =	wrdreg s24  }
0xb7: {  	[dreg:$0x5] =	wrdreg $0x9  }
0xb8: {  	_ =	task.clear_ibuf [dreg:s8], $0x6FFFF;
	_ =	strace $0x90000046  }
0xb9: {  	s29 =	simm.s32 $0x9;
	_ =	strace $0x80000048  }
0xba: {  	_ =	swait.ge [sflag:s29], $0x1  }
0xbb: {  	[sflag:s29] =	ssyncadd.s32 $0xFFFFFFFF  }
0xbc: {  	_ =	strace $0x90000048  }
0xbd: {  	_ =	sfence  }
0xbe: {  	s30 =	sld [smem:$0x0];
	_ =	sdelay $0x2  }
0xbf: {  	s31 =	sshll.u32 s1, $0xD;
	s1 =	sshrl.u32 s1, $0x2  }
0xc0: {  	s3 =	sand.u32 $0x4000, s31;
	s1 =	sadd.s32 s1, s30  }
0xc1: {  	s0 =	sor.u32 s3, s0;
	s1 =	sshll.u32 s1, $0x11  }
0xc2: {  	s0 =	sor.u32 s1, s0  }
0xc3: {  	s0 =	sadd.s32 $0x8F2B, s0  }
0xc4: {  	[sflag:s0] =	ssyncadd.remote.s32 $0x1  }
0xc5: {  	_ =	sfence.sel $0xFFFF  }
0xc6: {  	[dreg:$0x0] =	wrdreg $0xFFFFFFFF;
	(pc) =	sbr.abs _section_cstart, $3  }
0xc7: {  	[dreg:$0x1] =	wrdreg $0xFFFFFFFF  }
0xc8: {  	_ =	task.clear_ibuf [dreg:s8], $0x2FFFF;
	_ =	strace $0x9FFFFFFF  }
0xc9: {  	(tm) =	ssettm $0x7FFFFFFF  }
tec
execute0_lowered:
.L_overlay_start_1:
0x0: {  	(tag) =	ssettag $0x1  }
0x1: {  	s0 =	srdreg.scid;
	s2 =	stileid.u32  }
0x2: {  	s3 =	rddreg [dreg:$0x0];
	s0 =	sand.u32 $0x1, s0;
	s2 =	sshll.u32 s2, $0x1  }
0x3: {  	s4 =	rddreg [dreg:$0x2];
	s5 =	sor.u32 s0, s2  }
0x4: {  	s1 =	rddreg [dreg:$0x1];
	s4 =	sadd.s32 $0x5400, s4;
	s6 =	smul.u32 $0x180, s5  }
0x5: {  	s2 =	simm.s32 $0x0;
	s0 =	ssub.s32 $0x2, s0;
	s7 =	smul.u32 $0xA000, s5  }
0x6: {  	[smem:$0x7FF] =	sst s2;
	s5 =	smul.u32 $0x50000, s5;
	s25 =	sshrl.u32 s0, $0x1  }
0x7: {  	_ =	strace $0x80000047;
	s1 =	sadd.s32 s1, s6;
	s24 =	sadd.s32 s4, s7  }
0x8: {  	s0 =	ssub.s32 s0, s25;
	[dreg:$0x4] =	wrdreg s1;
	s8 =	sadd.s32 $0x800, s24  }
0x9: {  	s5 =	sshrl.u32 s5, $0x3;
	s9 =	sadd.s32 $0x1000, s24;
	[dreg:$0x5] =	wrdreg s8  }
0xa: {  	s0 =	smax.u32 s0, $0x1;
	s10 =	sadd.s32 $0x1800, s24;
	[dreg:$0x6] =	wrdreg s9  }
0xb: {  	s4 =	sadd.s32 s4, s5;
	p1 =	sne.s32 s0, $0x1;
	[dreg:$0x7] =	wrdreg s10  }
0xc: {  	s1 =	sadd.s32 $0xFFFFFFFF, s0;
	s11 =	sadd.s32 $0x2000, s4;
	s0 =	rddreg [dreg:$0x4]  }
0xd: {  	s12 =	sadd.s32 $0x2800, s4;
	[dreg:$0x8] =	wrdreg s11  }
0xe: {  	s13 =	sadd.s32 $0x3000, s4;
	[dreg:$0x9] =	wrdreg s12  }
0xf: {  	s31 =	simm.s32 $0x100;
	s14 =	sadd.s32 $0x3800, s4;
	[dreg:$0xa] =	wrdreg s13  }
0x10: {  	s30 =	simm.s32 $0x180;
	s15 =	sadd.s32 $0x4000, s4;
	[dreg:$0xb] =	wrdreg s14  }
0x11: {  	s29 =	simm.s32 $0x200;
	s16 =	sadd.s32 $0x4800, s4;
	[dreg:$0xc] =	wrdreg s15  }
0x12: {  	s28 =	simm.s32 $0x280;
	s17 =	sadd.s32 $0x5000, s4;
	[dreg:$0xd] =	wrdreg s16  }
0x13: {  	p0 =	por $0x0, $0x0;
	s18 =	sadd.s32 $0x5800, s4;
	[dreg:$0xe] =	wrdreg s17  }
0x14: {  	s25 =	simm.s32 $0x380;
	s19 =	sadd.s32 $0x6000, s4;
	[dreg:$0xf] =	wrdreg s18  }
0x15: {  	s6 =	simm.s32 $0x4C00;
	s20 =	sadd.s32 $0x6800, s4;
	[dreg:$0x10] =	wrdreg s19  }
0x16: {  	s21 =	sadd.s32 $0x7000, s4;
	s22 =	sadd.s32 $0x7800, s4;
	[dreg:$0x11] =	wrdreg s20  }
0x17: {  	s23 =	sadd.s32 $0x8000, s4;
	s26 =	sadd.s32 $0x8800, s4;
	[dreg:$0x12] =	wrdreg s21  }
0x18: {  	s7 =	sadd.s32 $0x9000, s4;
	s5 =	sadd.s32 $0x9800, s4;
	[dreg:$0x13] =	wrdreg s22  }
0x19: {  	s4 =	simm.s32 $0x3;
	s10 =	simm.s32 $0x80;
	[dreg:$0x14] =	wrdreg s23  }
0x1a: {  	s9 =	simm.s32 $0xC00;
	s8 =	simm.s32 $0x2;
	[dreg:$0x15] =	wrdreg s26  }
.Ltmp0:
0x1b: {  	s11 =	simm.s32 $0x1;
	s26 =	simm.s32 $0x300;
	(pc) =	sbr.rel @!p1 .LBB2_3-.Ltmp0, $4  }
0x1c: {  	s23 =	simm.s32 $0x400;
	s22 =	simm.s32 $0x480;
	s21 =	simm.s32 $0x500  }
0x1d: {  	s20 =	simm.s32 $0x580;
	s19 =	simm.s32 $0x600;
	s18 =	simm.s32 $0x680  }
0x1e: {  	s17 =	simm.s32 $0x700;
	s16 =	simm.s32 $0x780;
	s15 =	simm.s32 $0x800  }
0x1f: {  	s14 =	simm.s32 $0x880;
	s13 =	simm.s32 $0x900;
	s12 =	simm.s32 $0x980  }
0x20: {  	[tilespmem:s2], [sflag:$0x3] =	stream.linear.gather [hbm4b:s0+s2], $0xA00, $0x38;
	[tilespmem:$0x8C00] =	vst v63  }
0x21: {  	_ =	swait.ge [sflag:s4], $0xA00  }
0x22: {  	[sflag:s4] =	ssyncset.done $0x0  }
0x23: {  	[sflag:s4] =	ssyncadd.s32 $0xFFFFF600  }
0x24: {  	[tilespmem:s9], [sflag:$0x1] =	stream.indirect.gather [hbm4b:s3+s10], $0x80, s2, s10, $0xb8;
	[tilespmem:$0x8C00] =	vst v63  }
0x25: {  	_ = 	snop  }
0x26: {  	[tilespmem:s6], [sflag:$0x2] =	stream.indirect.gather [hbm4b:s3+s10], $0x80, s10, s10, $0xb8;
	[tilespmem:$0x8C00] =	vst v63  }
0x27: {  	_ =	swait.ge [sflag:s11], $0x4000  }
0x28: {  	[sflag:s11] =	ssyncset.done $0x0  }
0x29: {  	[sflag:s11] =	ssyncadd.s32 $0xFFFFC000  }
0x2a: {  	[hbm4b:s24+s2] =	stream.linear.scatter [tilespmem:s9], [sflag:$0x3], $0x4000, $0x38;
	[tilespmem:$0x8C00] =	vst v63  }
0x2b: {  	_ =	swait.ge [sflag:s4], $0x4000  }
0x2c: {  	[sflag:s4] =	ssyncset.done $0x0  }
0x2d: {  	[sflag:s4] =	ssyncadd.s32 $0xFFFFC000  }
0x2e: {  	[tilespmem:s9], [sflag:$0x1] =	stream.indirect.gather [hbm4b:s3+s10], $0x80, s31, s10, $0xb8;
	[tilespmem:$0x8C00] =	vst v63  }
0x2f: {  	_ =	swait.ge [sflag:s8], $0x4000  }
0x30: {  	[sflag:s8] =	ssyncset.done $0x0  }
0x31: {  	s0 =	rddreg [dreg:$0x5];
	[sflag:s8] =	ssyncadd.s32 $0xFFFFC000  }
0x32: {  	[hbm4b:s0+s2] =	stream.linear.scatter [tilespmem:s6], [sflag:$0x3], $0x4000, $0x38;
	[tilespmem:$0x8C00] =	vst v63  }
0x33: {  	_ =	swait.ge [sflag:s4], $0x4000  }
0x34: {  	[sflag:s4] =	ssyncset.done $0x0  }
0x35: {  	[sflag:s4] =	ssyncadd.s32 $0xFFFFC000  }
0x36: {  	[tilespmem:s6], [sflag:$0x2] =	stream.indirect.gather [hbm4b:s3+s10], $0x80, s30, s10, $0xb8;
	[tilespmem:$0x8C00] =	vst v63  }
0x37: {  	_ =	swait.ge [sflag:s11], $0x4000  }
0x38: {  	[sflag:s11] =	ssyncset.done $0x0  }
0x39: {  	s0 =	rddreg [dreg:$0x6];
	[sflag:s11] =	ssyncadd.s32 $0xFFFFC000  }
0x3a: {  	[hbm4b:s0+s2] =	stream.linear.scatter [tilespmem:s9], [sflag:$0x3], $0x4000, $0x38;
	[tilespmem:$0x8C00] =	vst v63  }
0x3b: {  	_ =	swait.ge [sflag:s4], $0x4000  }
0x3c: {  	[sflag:s4] =	ssyncset.done $0x0  }
0x3d: {  	[sflag:s4] =	ssyncadd.s32 $0xFFFFC000  }
0x3e: {  	[tilespmem:s9], [sflag:$0x1] =	stream.indirect.gather [hbm4b:s3+s10], $0x80, s29, s10, $0xb8;
	[tilespmem:$0x8C00] =	vst v63  }
0x3f: {  	_ =	swait.ge [sflag:s8], $0x4000  }
0x40: {  	[sflag:s8] =	ssyncset.done $0x0  }
0x41: {  	s0 =	rddreg [dreg:$0x7];
	[sflag:s8] =	ssyncadd.s32 $0xFFFFC000  }
0x42: {  	[hbm4b:s0+s2] =	stream.linear.scatter [tilespmem:s6], [sflag:$0x3], $0x4000, $0x38;
	[tilespmem:$0x8C00] =	vst v63  }
0x43: {  	_ =	swait.ge [sflag:s4], $0x4000  }
0x44: {  	[sflag:s4] =	ssyncset.done $0x0  }
0x45: {  	[sflag:s4] =	ssyncadd.s32 $0xFFFFC000  }
0x46: {  	[tilespmem:s6], [sflag:$0x2] =	stream.indirect.gather [hbm4b:s3+s10], $0x80, s28, s10, $0xb8;
	[tilespmem:$0x8C00] =	vst v63  }
0x47: {  	_ =	swait.ge [sflag:s11], $0x4000  }
0x48: {  	[sflag:s11] =	ssyncset.done $0x0  }
0x49: {  	s0 =	rddreg [dreg:$0x8];
	[sflag:s11] =	ssyncadd.s32 $0xFFFFC000  }
0x4a: {  	[hbm4b:s0+s2] =	stream.linear.scatter [tilespmem:s9], [sflag:$0x3], $0x4000, $0x38;
	[tilespmem:$0x8C00] =	vst v63  }
0x4b: {  	_ =	swait.ge [sflag:s4], $0x4000  }
0x4c: {  	[sflag:s4] =	ssyncset.done $0x0  }
0x4d: {  	[sflag:s4] =	ssyncadd.s32 $0xFFFFC000  }
0x4e: {  	[tilespmem:s9], [sflag:$0x1] =	stream.indirect.gather [hbm4b:s3+s10], $0x80, s26, s10, $0xb8;
	[tilespmem:$0x8C00] =	vst v63  }
0x4f: {  	_ =	swait.ge [sflag:s8], $0x4000  }
0x50: {  	[sflag:s8] =	ssyncset.done $0x0  }
0x51: {  	s0 =	rddreg [dreg:$0x9];
	[sflag:s8] =	ssyncadd.s32 $0xFFFFC000  }
0x52: {  	[hbm4b:s0+s2] =	stream.linear.scatter [tilespmem:s6], [sflag:$0x3], $0x4000, $0x38;
	[tilespmem:$0x8C00] =	vst v63  }
0x53: {  	_ =	swait.ge [sflag:s4], $0x4000  }
0x54: {  	[sflag:s4] =	ssyncset.done $0x0  }
0x55: {  	[sflag:s4] =	ssyncadd.s32 $0xFFFFC000  }
0x56: {  	[tilespmem:s6], [sflag:$0x2] =	stream.indirect.gather [hbm4b:s3+s10], $0x80, s25, s10, $0xb8;
	[tilespmem:$0x8C00] =	vst v63  }
0x57: {  	_ =	swait.ge [sflag:s11], $0x4000  }
0x58: {  	[sflag:s11] =	ssyncset.done $0x0  }
0x59: {  	s0 =	rddreg [dreg:$0xa];
	[sflag:s11] =	ssyncadd.s32 $0xFFFFC000  }
0x5a: {  	[hbm4b:s0+s2] =	stream.linear.scatter [tilespmem:s9], [sflag:$0x3], $0x4000, $0x38;
	[tilespmem:$0x8C00] =	vst v63  }
0x5b: {  	_ =	swait.ge [sflag:s4], $0x4000  }
0x5c: {  	[sflag:s4] =	ssyncset.done $0x0  }
0x5d: {  	[sflag:s4] =	ssyncadd.s32 $0xFFFFC000  }
0x5e: {  	[tilespmem:s9], [sflag:$0x1] =	stream.indirect.gather [hbm4b:s3+s10], $0x80, s23, s10, $0xb8;
	[tilespmem:$0x8C00] =	vst v63  }
0x5f: {  	_ =	swait.ge [sflag:s8], $0x4000  }
0x60: {  	[sflag:s8] =	ssyncset.done $0x0  }
0x61: {  	s0 =	rddreg [dreg:$0xb];
	[sflag:s8] =	ssyncadd.s32 $0xFFFFC000  }
0x62: {  	[hbm4b:s0+s2] =	stream.linear.scatter [tilespmem:s6], [sflag:$0x3], $0x4000, $0x38;
	[tilespmem:$0x8C00] =	vst v63  }
0x63: {  	_ =	swait.ge [sflag:s4], $0x4000  }
0x64: {  	[sflag:s4] =	ssyncset.done $0x0  }
0x65: {  	[sflag:s4] =	ssyncadd.s32 $0xFFFFC000  }
0x66: {  	[tilespmem:s6], [sflag:$0x2] =	stream.indirect.gather [hbm4b:s3+s10], $0x80, s22, s10, $0xb8;
	[tilespmem:$0x8C00] =	vst v63  }
0x67: {  	_ =	swait.ge [sflag:s11], $0x4000  }
0x68: {  	[sflag:s11] =	ssyncset.done $0x0  }
0x69: {  	s0 =	rddreg [dreg:$0xc];
	[sflag:s11] =	ssyncadd.s32 $0xFFFFC000  }
0x6a: {  	[hbm4b:s0+s2] =	stream.linear.scatter [tilespmem:s9], [sflag:$0x3], $0x4000, $0x38;
	[tilespmem:$0x8C00] =	vst v63  }
0x6b: {  	_ =	swait.ge [sflag:s4], $0x4000  }
0x6c: {  	[sflag:s4] =	ssyncset.done $0x0  }
0x6d: {  	[sflag:s4] =	ssyncadd.s32 $0xFFFFC000  }
0x6e: {  	[tilespmem:s9], [sflag:$0x1] =	stream.indirect.gather [hbm4b:s3+s10], $0x80, s21, s10, $0xb8;
	[tilespmem:$0x8C00] =	vst v63  }
0x6f: {  	_ =	swait.ge [sflag:s8], $0x4000  }
0x70: {  	[sflag:s8] =	ssyncset.done $0x0  }
0x71: {  	s0 =	rddreg [dreg:$0xd];
	[sflag:s8] =	ssyncadd.s32 $0xFFFFC000  }
0x72: {  	[hbm4b:s0+s2] =	stream.linear.scatter [tilespmem:s6], [sflag:$0x3], $0x4000, $0x38;
	[tilespmem:$0x8C00] =	vst v63  }
0x73: {  	_ =	swait.ge [sflag:s4], $0x4000  }
0x74: {  	[sflag:s4] =	ssyncset.done $0x0  }
0x75: {  	[sflag:s4] =	ssyncadd.s32 $0xFFFFC000  }
0x76: {  	[tilespmem:s6], [sflag:$0x2] =	stream.indirect.gather [hbm4b:s3+s10], $0x80, s20, s10, $0xb8;
	[tilespmem:$0x8C00] =	vst v63  }
0x77: {  	_ =	swait.ge [sflag:s11], $0x4000  }
0x78: {  	[sflag:s11] =	ssyncset.done $0x0  }
0x79: {  	s0 =	rddreg [dreg:$0xe];
	[sflag:s11] =	ssyncadd.s32 $0xFFFFC000  }
0x7a: {  	[hbm4b:s0+s2] =	stream.linear.scatter [tilespmem:s9], [sflag:$0x3], $0x4000, $0x38;
	[tilespmem:$0x8C00] =	vst v63  }
0x7b: {  	_ =	swait.ge [sflag:s4], $0x4000  }
0x7c: {  	[sflag:s4] =	ssyncset.done $0x0  }
0x7d: {  	[sflag:s4] =	ssyncadd.s32 $0xFFFFC000  }
0x7e: {  	[tilespmem:s9], [sflag:$0x1] =	stream.indirect.gather [hbm4b:s3+s10], $0x80, s19, s10, $0xb8;
	[tilespmem:$0x8C00] =	vst v63  }
0x7f: {  	_ =	swait.ge [sflag:s8], $0x4000  }
0x80: {  	[sflag:s8] =	ssyncset.done $0x0  }
0x81: {  	s0 =	rddreg [dreg:$0xf];
	[sflag:s8] =	ssyncadd.s32 $0xFFFFC000  }
0x82: {  	[hbm4b:s0+s2] =	stream.linear.scatter [tilespmem:s6], [sflag:$0x3], $0x4000, $0x38;
	[tilespmem:$0x8C00] =	vst v63  }
0x83: {  	_ =	swait.ge [sflag:s4], $0x4000  }
0x84: {  	[sflag:s4] =	ssyncset.done $0x0  }
0x85: {  	[sflag:s4] =	ssyncadd.s32 $0xFFFFC000  }
0x86: {  	[tilespmem:s6], [sflag:$0x2] =	stream.indirect.gather [hbm4b:s3+s10], $0x80, s18, s10, $0xb8;
	[tilespmem:$0x8C00] =	vst v63  }
0x87: {  	_ =	swait.ge [sflag:s11], $0x4000  }
0x88: {  	[sflag:s11] =	ssyncset.done $0x0  }
0x89: {  	s0 =	rddreg [dreg:$0x10];
	[sflag:s11] =	ssyncadd.s32 $0xFFFFC000  }
0x8a: {  	[hbm4b:s0+s2] =	stream.linear.scatter [tilespmem:s9], [sflag:$0x3], $0x4000, $0x38;
	[tilespmem:$0x8C00] =	vst v63  }
0x8b: {  	_ =	swait.ge [sflag:s4], $0x4000  }
0x8c: {  	[sflag:s4] =	ssyncset.done $0x0  }
0x8d: {  	[sflag:s4] =	ssyncadd.s32 $0xFFFFC000  }
0x8e: {  	[tilespmem:s9], [sflag:$0x1] =	stream.indirect.gather [hbm4b:s3+s10], $0x80, s17, s10, $0xb8;
	[tilespmem:$0x8C00] =	vst v63  }
0x8f: {  	_ =	swait.ge [sflag:s8], $0x4000  }
0x90: {  	[sflag:s8] =	ssyncset.done $0x0  }
0x91: {  	s0 =	rddreg [dreg:$0x11];
	[sflag:s8] =	ssyncadd.s32 $0xFFFFC000  }
0x92: {  	[hbm4b:s0+s2] =	stream.linear.scatter [tilespmem:s6], [sflag:$0x3], $0x4000, $0x38;
	[tilespmem:$0x8C00] =	vst v63  }
0x93: {  	_ =	swait.ge [sflag:s4], $0x4000  }
0x94: {  	[sflag:s4] =	ssyncset.done $0x0  }
0x95: {  	[sflag:s4] =	ssyncadd.s32 $0xFFFFC000  }
0x96: {  	[tilespmem:s6], [sflag:$0x2] =	stream.indirect.gather [hbm4b:s3+s10], $0x80, s16, s10, $0xb8;
	[tilespmem:$0x8C00] =	vst v63  }
0x97: {  	_ =	swait.ge [sflag:s11], $0x4000  }
0x98: {  	[sflag:s11] =	ssyncset.done $0x0  }
0x99: {  	s0 =	rddreg [dreg:$0x12];
	[sflag:s11] =	ssyncadd.s32 $0xFFFFC000  }
0x9a: {  	[hbm4b:s0+s2] =	stream.linear.scatter [tilespmem:s9], [sflag:$0x3], $0x4000, $0x38;
	[tilespmem:$0x8C00] =	vst v63  }
0x9b: {  	_ =	swait.ge [sflag:s4], $0x4000  }
0x9c: {  	[sflag:s4] =	ssyncset.done $0x0  }
0x9d: {  	[sflag:s4] =	ssyncadd.s32 $0xFFFFC000  }
0x9e: {  	[tilespmem:s9], [sflag:$0x1] =	stream.indirect.gather [hbm4b:s3+s10], $0x80, s15, s10, $0xb8;
	[tilespmem:$0x8C00] =	vst v63  }
0x9f: {  	_ =	swait.ge [sflag:s8], $0x4000  }
0xa0: {  	[sflag:s8] =	ssyncset.done $0x0  }
0xa1: {  	s0 =	rddreg [dreg:$0x13];
	[sflag:s8] =	ssyncadd.s32 $0xFFFFC000  }
0xa2: {  	[hbm4b:s0+s2] =	stream.linear.scatter [tilespmem:s6], [sflag:$0x3], $0x4000, $0x38;
	[tilespmem:$0x8C00] =	vst v63  }
0xa3: {  	_ =	swait.ge [sflag:s4], $0x4000  }
0xa4: {  	[sflag:s4] =	ssyncset.done $0x0  }
0xa5: {  	[sflag:s4] =	ssyncadd.s32 $0xFFFFC000  }
0xa6: {  	[tilespmem:s6], [sflag:$0x2] =	stream.indirect.gather [hbm4b:s3+s10], $0x80, s14, s10, $0xb8;
	[tilespmem:$0x8C00] =	vst v63  }
0xa7: {  	_ =	swait.ge [sflag:s11], $0x4000  }
0xa8: {  	[sflag:s11] =	ssyncset.done $0x0  }
0xa9: {  	s0 =	rddreg [dreg:$0x14];
	[sflag:s11] =	ssyncadd.s32 $0xFFFFC000  }
0xaa: {  	[hbm4b:s0+s2] =	stream.linear.scatter [tilespmem:s9], [sflag:$0x3], $0x4000, $0x38;
	[tilespmem:$0x8C00] =	vst v63  }
0xab: {  	_ =	swait.ge [sflag:s4], $0x4000  }
0xac: {  	[sflag:s4] =	ssyncset.done $0x0  }
0xad: {  	[sflag:s4] =	ssyncadd.s32 $0xFFFFC000  }
0xae: {  	[tilespmem:s9], [sflag:$0x1] =	stream.indirect.gather [hbm4b:s3+s10], $0x80, s13, s10, $0xb8;
	[tilespmem:$0x8C00] =	vst v63  }
0xaf: {  	_ =	swait.ge [sflag:s8], $0x4000  }
0xb0: {  	[sflag:s8] =	ssyncset.done $0x0  }
0xb1: {  	s0 =	rddreg [dreg:$0x15];
	[sflag:s8] =	ssyncadd.s32 $0xFFFFC000  }
0xb2: {  	[hbm4b:s0+s2] =	stream.linear.scatter [tilespmem:s6], [sflag:$0x3], $0x4000, $0x38;
	[tilespmem:$0x8C00] =	vst v63  }
0xb3: {  	_ =	swait.ge [sflag:s4], $0x4000  }
0xb4: {  	[sflag:s4] =	ssyncset.done $0x0  }
0xb5: {  	[sflag:s4] =	ssyncadd.s32 $0xFFFFC000  }
0xb6: {  	[tilespmem:s6], [sflag:$0x2] =	stream.indirect.gather [hbm4b:s3+s10], $0x80, s12, s10, $0xb8;
	[tilespmem:$0x8C00] =	vst v63  }
0xb7: {  	_ =	swait.ge [sflag:s11], $0x4000  }
0xb8: {  	[sflag:s11] =	ssyncset.done $0x0  }
0xb9: {  	[sflag:s11] =	ssyncadd.s32 $0xFFFFC000  }
0xba: {  	[hbm4b:s7+s2] =	stream.linear.scatter [tilespmem:s9], [sflag:$0x3], $0x4000, $0x38;
	[tilespmem:$0x8C00] =	vst v63  }
0xbb: {  	_ =	swait.ge [sflag:s4], $0x4000  }
0xbc: {  	[sflag:s4] =	ssyncset.done $0x0  }
0xbd: {  	[sflag:s4] =	ssyncadd.s32 $0xFFFFC000  }
0xbe: {  	p1 =	sne.s32 s1, $0x1;
	_ =	swait.ge [sflag:s8], $0x4000  }
.Ltmp1:
0xbf: {  	[sflag:s8] =	ssyncset.done $0x0;
	(pc) =	sbr.rel @!p1 .LBB2_3-.Ltmp1, $4  }
0xc0: {  	[sflag:s8] =	ssyncadd.s32 $0xFFFFC000  }
0xc1: {  	[hbm4b:s5+s2] =	stream.linear.scatter [tilespmem:s6], [sflag:$0x3], $0x4000, $0x38;
	[tilespmem:$0x8C00] =	vst v63  }
0xc2: {  	s1 =	sadd.s32 $0xFFFFFFFF, s1;
	_ =	swait.ge [sflag:s4], $0x4000  }
0xc3: {  	p0 =	por $0x1, $0x1;
	s0 =	rddreg [dreg:$0x4];
	[sflag:s4] =	ssyncset.done $0x0  }
.LBB2_2:
0xc4: {  	[sflag:s4] =	ssyncadd.s32 $0xFFFFC000  }
0xc5: {  	[tilespmem:s2], [sflag:$0x3] =	stream.linear.gather [hbm4b:s0+s2], $0xA00, $0x38;
	[tilespmem:$0x8C00] =	vst v63  }
0xc6: {  	_ =	swait.ge [sflag:s4], $0xA00  }
0xc7: {  	[sflag:s4] =	ssyncset.done $0x0  }
0xc8: {  	[sflag:s4] =	ssyncadd.s32 $0xFFFFF600  }
0xc9: {  	[tilespmem:s9], [sflag:$0x1] =	stream.indirect.gather [hbm4b:s3+s10], $0x80, s2, s10, $0xb8;
	[tilespmem:$0x8C00] =	vst v63  }
0xca: {  	_ = 	snop  }
0xcb: {  	[tilespmem:s6], [sflag:$0x2] =	stream.indirect.gather [hbm4b:s3+s10], $0x80, s10, s10, $0xb8;
	[tilespmem:$0x8C00] =	vst v63  }
0xcc: {  	_ =	swait.ge [sflag:s11], $0x4000  }
0xcd: {  	[sflag:s11] =	ssyncset.done $0x0  }
0xce: {  	[sflag:s11] =	ssyncadd.s32 $0xFFFFC000  }
0xcf: {  	[hbm4b:s24+s2] =	stream.linear.scatter [tilespmem:s9], [sflag:$0x3], $0x4000, $0x38;
	[tilespmem:$0x8C00] =	vst v63  }
0xd0: {  	_ =	swait.ge [sflag:s4], $0x4000  }
0xd1: {  	[sflag:s4] =	ssyncset.done $0x0  }
0xd2: {  	[sflag:s4] =	ssyncadd.s32 $0xFFFFC000  }
0xd3: {  	[tilespmem:s9], [sflag:$0x1] =	stream.indirect.gather [hbm4b:s3+s10], $0x80, s31, s10, $0xb8;
	[tilespmem:$0x8C00] =	vst v63  }
0xd4: {  	_ =	swait.ge [sflag:s8], $0x4000  }
0xd5: {  	[sflag:s8] =	ssyncset.done $0x0  }
0xd6: {  	s0 =	rddreg [dreg:$0x5];
	[sflag:s8] =	ssyncadd.s32 $0xFFFFC000  }
0xd7: {  	[hbm4b:s0+s2] =	stream.linear.scatter [tilespmem:s6], [sflag:$0x3], $0x4000, $0x38;
	[tilespmem:$0x8C00] =	vst v63  }
0xd8: {  	_ =	swait.ge [sflag:s4], $0x4000  }
0xd9: {  	[sflag:s4] =	ssyncset.done $0x0  }
0xda: {  	[sflag:s4] =	ssyncadd.s32 $0xFFFFC000  }
0xdb: {  	[tilespmem:s6], [sflag:$0x2] =	stream.indirect.gather [hbm4b:s3+s10], $0x80, s30, s10, $0xb8;
	[tilespmem:$0x8C00] =	vst v63  }
0xdc: {  	_ =	swait.ge [sflag:s11], $0x4000  }
0xdd: {  	[sflag:s11] =	ssyncset.done $0x0  }
0xde: {  	s0 =	rddreg [dreg:$0x6];
	[sflag:s11] =	ssyncadd.s32 $0xFFFFC000  }
0xdf: {  	[hbm4b:s0+s2] =	stream.linear.scatter [tilespmem:s9], [sflag:$0x3], $0x4000, $0x38;
	[tilespmem:$0x8C00] =	vst v63  }
0xe0: {  	_ =	swait.ge [sflag:s4], $0x4000  }
0xe1: {  	[sflag:s4] =	ssyncset.done $0x0  }
0xe2: {  	[sflag:s4] =	ssyncadd.s32 $0xFFFFC000  }
0xe3: {  	[tilespmem:s9], [sflag:$0x1] =	stream.indirect.gather [hbm4b:s3+s10], $0x80, s29, s10, $0xb8;
	[tilespmem:$0x8C00] =	vst v63  }
0xe4: {  	_ =	swait.ge [sflag:s8], $0x4000  }
0xe5: {  	[sflag:s8] =	ssyncset.done $0x0  }
0xe6: {  	s0 =	rddreg [dreg:$0x7];
	[sflag:s8] =	ssyncadd.s32 $0xFFFFC000  }
0xe7: {  	[hbm4b:s0+s2] =	stream.linear.scatter [tilespmem:s6], [sflag:$0x3], $0x4000, $0x38;
	[tilespmem:$0x8C00] =	vst v63  }
0xe8: {  	_ =	swait.ge [sflag:s4], $0x4000  }
0xe9: {  	[sflag:s4] =	ssyncset.done $0x0  }
0xea: {  	[sflag:s4] =	ssyncadd.s32 $0xFFFFC000  }
0xeb: {  	[tilespmem:s6], [sflag:$0x2] =	stream.indirect.gather [hbm4b:s3+s10], $0x80, s28, s10, $0xb8;
	[tilespmem:$0x8C00] =	vst v63  }
0xec: {  	_ =	swait.ge [sflag:s11], $0x4000  }
0xed: {  	[sflag:s11] =	ssyncset.done $0x0  }
0xee: {  	s0 =	rddreg [dreg:$0x8];
	[sflag:s11] =	ssyncadd.s32 $0xFFFFC000  }
0xef: {  	[hbm4b:s0+s2] =	stream.linear.scatter [tilespmem:s9], [sflag:$0x3], $0x4000, $0x38;
	[tilespmem:$0x8C00] =	vst v63  }
0xf0: {  	_ =	swait.ge [sflag:s4], $0x4000  }
0xf1: {  	[sflag:s4] =	ssyncset.done $0x0  }
0xf2: {  	[sflag:s4] =	ssyncadd.s32 $0xFFFFC000  }
0xf3: {  	[tilespmem:s9], [sflag:$0x1] =	stream.indirect.gather [hbm4b:s3+s10], $0x80, s26, s10, $0xb8;
	[tilespmem:$0x8C00] =	vst v63  }
0xf4: {  	_ =	swait.ge [sflag:s8], $0x4000  }
0xf5: {  	[sflag:s8] =	ssyncset.done $0x0  }
0xf6: {  	s0 =	rddreg [dreg:$0x9];
	[sflag:s8] =	ssyncadd.s32 $0xFFFFC000  }
0xf7: {  	[hbm4b:s0+s2] =	stream.linear.scatter [tilespmem:s6], [sflag:$0x3], $0x4000, $0x38;
	[tilespmem:$0x8C00] =	vst v63  }
0xf8: {  	_ =	swait.ge [sflag:s4], $0x4000  }
0xf9: {  	[sflag:s4] =	ssyncset.done $0x0  }
0xfa: {  	[sflag:s4] =	ssyncadd.s32 $0xFFFFC000  }
0xfb: {  	[tilespmem:s6], [sflag:$0x2] =	stream.indirect.gather [hbm4b:s3+s10], $0x80, s25, s10, $0xb8;
	[tilespmem:$0x8C00] =	vst v63  }
0xfc: {  	_ =	swait.ge [sflag:s11], $0x4000  }
0xfd: {  	[sflag:s11] =	ssyncset.done $0x0  }
0xfe: {  	s0 =	rddreg [dreg:$0xa];
	[sflag:s11] =	ssyncadd.s32 $0xFFFFC000  }
0xff: {  	[hbm4b:s0+s2] =	stream.linear.scatter [tilespmem:s9], [sflag:$0x3], $0x4000, $0x38;
	[tilespmem:$0x8C00] =	vst v63  }
0x100: {  	_ =	swait.ge [sflag:s4], $0x4000  }
0x101: {  	[sflag:s4] =	ssyncset.done $0x0  }
0x102: {  	[sflag:s4] =	ssyncadd.s32 $0xFFFFC000  }
0x103: {  	[tilespmem:s9], [sflag:$0x1] =	stream.indirect.gather [hbm4b:s3+s10], $0x80, s23, s10, $0xb8;
	[tilespmem:$0x8C00] =	vst v63  }
0x104: {  	_ =	swait.ge [sflag:s8], $0x4000  }
0x105: {  	[sflag:s8] =	ssyncset.done $0x0  }
0x106: {  	s0 =	rddreg [dreg:$0xb];
	[sflag:s8] =	ssyncadd.s32 $0xFFFFC000  }
0x107: {  	[hbm4b:s0+s2] =	stream.linear.scatter [tilespmem:s6], [sflag:$0x3], $0x4000, $0x38;
	[tilespmem:$0x8C00] =	vst v63  }
0x108: {  	_ =	swait.ge [sflag:s4], $0x4000  }
0x109: {  	[sflag:s4] =	ssyncset.done $0x0  }
0x10a: {  	[sflag:s4] =	ssyncadd.s32 $0xFFFFC000  }
0x10b: {  	[tilespmem:s6], [sflag:$0x2] =	stream.indirect.gather [hbm4b:s3+s10], $0x80, s22, s10, $0xb8;
	[tilespmem:$0x8C00] =	vst v63  }
0x10c: {  	_ =	swait.ge [sflag:s11], $0x4000  }
0x10d: {  	[sflag:s11] =	ssyncset.done $0x0  }
0x10e: {  	s0 =	rddreg [dreg:$0xc];
	[sflag:s11] =	ssyncadd.s32 $0xFFFFC000  }
0x10f: {  	[hbm4b:s0+s2] =	stream.linear.scatter [tilespmem:s9], [sflag:$0x3], $0x4000, $0x38;
	[tilespmem:$0x8C00] =	vst v63  }
0x110: {  	_ =	swait.ge [sflag:s4], $0x4000  }
0x111: {  	[sflag:s4] =	ssyncset.done $0x0  }
0x112: {  	[sflag:s4] =	ssyncadd.s32 $0xFFFFC000  }
0x113: {  	[tilespmem:s9], [sflag:$0x1] =	stream.indirect.gather [hbm4b:s3+s10], $0x80, s21, s10, $0xb8;
	[tilespmem:$0x8C00] =	vst v63  }
0x114: {  	_ =	swait.ge [sflag:s8], $0x4000  }
0x115: {  	[sflag:s8] =	ssyncset.done $0x0  }
0x116: {  	s0 =	rddreg [dreg:$0xd];
	[sflag:s8] =	ssyncadd.s32 $0xFFFFC000  }
0x117: {  	[hbm4b:s0+s2] =	stream.linear.scatter [tilespmem:s6], [sflag:$0x3], $0x4000, $0x38;
	[tilespmem:$0x8C00] =	vst v63  }
0x118: {  	_ =	swait.ge [sflag:s4], $0x4000  }
0x119: {  	[sflag:s4] =	ssyncset.done $0x0  }
0x11a: {  	[sflag:s4] =	ssyncadd.s32 $0xFFFFC000  }
0x11b: {  	[tilespmem:s6], [sflag:$0x2] =	stream.indirect.gather [hbm4b:s3+s10], $0x80, s20, s10, $0xb8;
	[tilespmem:$0x8C00] =	vst v63  }
0x11c: {  	_ =	swait.ge [sflag:s11], $0x4000  }
0x11d: {  	[sflag:s11] =	ssyncset.done $0x0  }
0x11e: {  	s0 =	rddreg [dreg:$0xe];
	[sflag:s11] =	ssyncadd.s32 $0xFFFFC000  }
0x11f: {  	[hbm4b:s0+s2] =	stream.linear.scatter [tilespmem:s9], [sflag:$0x3], $0x4000, $0x38;
	[tilespmem:$0x8C00] =	vst v63  }
0x120: {  	_ =	swait.ge [sflag:s4], $0x4000  }
0x121: {  	[sflag:s4] =	ssyncset.done $0x0  }
0x122: {  	[sflag:s4] =	ssyncadd.s32 $0xFFFFC000  }
0x123: {  	[tilespmem:s9], [sflag:$0x1] =	stream.indirect.gather [hbm4b:s3+s10], $0x80, s19, s10, $0xb8;
	[tilespmem:$0x8C00] =	vst v63  }
0x124: {  	_ =	swait.ge [sflag:s8], $0x4000  }
0x125: {  	[sflag:s8] =	ssyncset.done $0x0  }
0x126: {  	s0 =	rddreg [dreg:$0xf];
	[sflag:s8] =	ssyncadd.s32 $0xFFFFC000  }
0x127: {  	[hbm4b:s0+s2] =	stream.linear.scatter [tilespmem:s6], [sflag:$0x3], $0x4000, $0x38;
	[tilespmem:$0x8C00] =	vst v63  }
0x128: {  	_ =	swait.ge [sflag:s4], $0x4000  }
0x129: {  	[sflag:s4] =	ssyncset.done $0x0  }
0x12a: {  	[sflag:s4] =	ssyncadd.s32 $0xFFFFC000  }
0x12b: {  	[tilespmem:s6], [sflag:$0x2] =	stream.indirect.gather [hbm4b:s3+s10], $0x80, s18, s10, $0xb8;
	[tilespmem:$0x8C00] =	vst v63  }
0x12c: {  	_ =	swait.ge [sflag:s11], $0x4000  }
0x12d: {  	[sflag:s11] =	ssyncset.done $0x0  }
0x12e: {  	s0 =	rddreg [dreg:$0x10];
	[sflag:s11] =	ssyncadd.s32 $0xFFFFC000  }
0x12f: {  	[hbm4b:s0+s2] =	stream.linear.scatter [tilespmem:s9], [sflag:$0x3], $0x4000, $0x38;
	[tilespmem:$0x8C00] =	vst v63  }
0x130: {  	_ =	swait.ge [sflag:s4], $0x4000  }
0x131: {  	[sflag:s4] =	ssyncset.done $0x0  }
0x132: {  	[sflag:s4] =	ssyncadd.s32 $0xFFFFC000  }
0x133: {  	[tilespmem:s9], [sflag:$0x1] =	stream.indirect.gather [hbm4b:s3+s10], $0x80, s17, s10, $0xb8;
	[tilespmem:$0x8C00] =	vst v63  }
0x134: {  	_ =	swait.ge [sflag:s8], $0x4000  }
0x135: {  	[sflag:s8] =	ssyncset.done $0x0  }
0x136: {  	s0 =	rddreg [dreg:$0x11];
	[sflag:s8] =	ssyncadd.s32 $0xFFFFC000  }
0x137: {  	[hbm4b:s0+s2] =	stream.linear.scatter [tilespmem:s6], [sflag:$0x3], $0x4000, $0x38;
	[tilespmem:$0x8C00] =	vst v63  }
0x138: {  	_ =	swait.ge [sflag:s4], $0x4000  }
0x139: {  	[sflag:s4] =	ssyncset.done $0x0  }
0x13a: {  	[sflag:s4] =	ssyncadd.s32 $0xFFFFC000  }
0x13b: {  	[tilespmem:s6], [sflag:$0x2] =	stream.indirect.gather [hbm4b:s3+s10], $0x80, s16, s10, $0xb8;
	[tilespmem:$0x8C00] =	vst v63  }
0x13c: {  	_ =	swait.ge [sflag:s11], $0x4000  }
0x13d: {  	[sflag:s11] =	ssyncset.done $0x0  }
0x13e: {  	s0 =	rddreg [dreg:$0x12];
	[sflag:s11] =	ssyncadd.s32 $0xFFFFC000  }
0x13f: {  	[hbm4b:s0+s2] =	stream.linear.scatter [tilespmem:s9], [sflag:$0x3], $0x4000, $0x38;
	[tilespmem:$0x8C00] =	vst v63  }
0x140: {  	_ =	swait.ge [sflag:s4], $0x4000  }
0x141: {  	[sflag:s4] =	ssyncset.done $0x0  }
0x142: {  	[sflag:s4] =	ssyncadd.s32 $0xFFFFC000  }
0x143: {  	[tilespmem:s9], [sflag:$0x1] =	stream.indirect.gather [hbm4b:s3+s10], $0x80, s15, s10, $0xb8;
	[tilespmem:$0x8C00] =	vst v63  }
0x144: {  	_ =	swait.ge [sflag:s8], $0x4000  }
0x145: {  	[sflag:s8] =	ssyncset.done $0x0  }
0x146: {  	s0 =	rddreg [dreg:$0x13];
	[sflag:s8] =	ssyncadd.s32 $0xFFFFC000  }
0x147: {  	[hbm4b:s0+s2] =	stream.linear.scatter [tilespmem:s6], [sflag:$0x3], $0x4000, $0x38;
	[tilespmem:$0x8C00] =	vst v63  }
0x148: {  	_ =	swait.ge [sflag:s4], $0x4000  }
0x149: {  	[sflag:s4] =	ssyncset.done $0x0  }
0x14a: {  	[sflag:s4] =	ssyncadd.s32 $0xFFFFC000  }
0x14b: {  	[tilespmem:s6], [sflag:$0x2] =	stream.indirect.gather [hbm4b:s3+s10], $0x80, s14, s10, $0xb8;
	[tilespmem:$0x8C00] =	vst v63  }
0x14c: {  	_ =	swait.ge [sflag:s11], $0x4000  }
0x14d: {  	[sflag:s11] =	ssyncset.done $0x0  }
0x14e: {  	s0 =	rddreg [dreg:$0x14];
	[sflag:s11] =	ssyncadd.s32 $0xFFFFC000  }
0x14f: {  	[hbm4b:s0+s2] =	stream.linear.scatter [tilespmem:s9], [sflag:$0x3], $0x4000, $0x38;
	[tilespmem:$0x8C00] =	vst v63  }
0x150: {  	_ =	swait.ge [sflag:s4], $0x4000  }
0x151: {  	[sflag:s4] =	ssyncset.done $0x0  }
0x152: {  	[sflag:s4] =	ssyncadd.s32 $0xFFFFC000  }
0x153: {  	[tilespmem:s9], [sflag:$0x1] =	stream.indirect.gather [hbm4b:s3+s10], $0x80, s13, s10, $0xb8;
	[tilespmem:$0x8C00] =	vst v63  }
0x154: {  	_ =	swait.ge [sflag:s8], $0x4000  }
0x155: {  	[sflag:s8] =	ssyncset.done $0x0  }
0x156: {  	s0 =	rddreg [dreg:$0x15];
	[sflag:s8] =	ssyncadd.s32 $0xFFFFC000  }
0x157: {  	[hbm4b:s0+s2] =	stream.linear.scatter [tilespmem:s6], [sflag:$0x3], $0x4000, $0x38;
	[tilespmem:$0x8C00] =	vst v63  }
0x158: {  	_ =	swait.ge [sflag:s4], $0x4000  }
0x159: {  	[sflag:s4] =	ssyncset.done $0x0  }
0x15a: {  	[sflag:s4] =	ssyncadd.s32 $0xFFFFC000  }
0x15b: {  	[tilespmem:s6], [sflag:$0x2] =	stream.indirect.gather [hbm4b:s3+s10], $0x80, s12, s10, $0xb8;
	[tilespmem:$0x8C00] =	vst v63  }
0x15c: {  	_ =	swait.ge [sflag:s11], $0x4000  }
0x15d: {  	[sflag:s11] =	ssyncset.done $0x0  }
0x15e: {  	[sflag:s11] =	ssyncadd.s32 $0xFFFFC000  }
0x15f: {  	[hbm4b:s7+s2] =	stream.linear.scatter [tilespmem:s9], [sflag:$0x3], $0x4000, $0x38;
	[tilespmem:$0x8C00] =	vst v63  }
0x160: {  	_ =	swait.ge [sflag:s4], $0x4000  }
0x161: {  	[sflag:s4] =	ssyncset.done $0x0  }
0x162: {  	[sflag:s4] =	ssyncadd.s32 $0xFFFFC000  }
0x163: {  	p1 =	sne.s32 s1, $0x1;
	_ =	swait.ge [sflag:s8], $0x4000  }
.Ltmp2:
0x164: {  	[sflag:s8] =	ssyncset.done $0x0;
	(pc) =	sbr.rel @p1 .LBB2_2-.Ltmp2, $4  }
0x165: {  	[sflag:s8] =	ssyncadd.s32 $0xFFFFC000  }
0x166: {  	[hbm4b:s5+s2] =	stream.linear.scatter [tilespmem:s6], [sflag:$0x3], $0x4000, $0x38;
	[tilespmem:$0x8C00] =	vst v63  }
0x167: {  	_ =	swait.ge [sflag:s4], $0x4000  }
0x168: {  	s1 =	sadd.s32 $0xFFFFFFFF, s1;
	s0 =	rddreg [dreg:$0x4];
	[sflag:s4] =	ssyncset.done $0x0  }
.LBB2_3:
0x169: {  	[sflag:s4] =	ssyncadd.s32 @p0 $0xFFFFC000  }
0x16a: {  	[tilespmem:s2], [sflag:$0x3] =	stream.linear.gather [hbm4b:s0+s2], $0xA00, $0x38;
	[tilespmem:$0x8C00] =	vst v63  }
0x16b: {  	_ =	swait.ge [sflag:s4], $0xA00  }
0x16c: {  	[sflag:s4] =	ssyncset.done $0x0  }
0x16d: {  	[sflag:s4] =	ssyncadd.s32 $0xFFFFF600  }
0x16e: {  	[tilespmem:s9], [sflag:$0x1] =	stream.indirect.gather [hbm4b:s3+s10], $0x80, s2, s10, $0xb8;
	[tilespmem:$0x8C00] =	vst v63  }
0x16f: {  	_ = 	snop  }
0x170: {  	[tilespmem:s6], [sflag:$0x2] =	stream.indirect.gather [hbm4b:s3+s10], $0x80, s10, s10, $0xb8;
	[tilespmem:$0x8C00] =	vst v63  }
0x171: {  	_ =	swait.ge [sflag:s11], $0x4000  }
0x172: {  	[sflag:s11] =	ssyncset.done $0x0  }
0x173: {  	[sflag:s11] =	ssyncadd.s32 $0xFFFFC000  }
0x174: {  	[hbm4b:s24+s2] =	stream.linear.scatter [tilespmem:s9], [sflag:$0x3], $0x4000, $0x38;
	[tilespmem:$0x8C00] =	vst v63  }
0x175: {  	_ =	swait.ge [sflag:s4], $0x4000  }
0x176: {  	[sflag:s4] =	ssyncset.done $0x0  }
0x177: {  	[sflag:s4] =	ssyncadd.s32 $0xFFFFC000  }
0x178: {  	[tilespmem:s9], [sflag:$0x1] =	stream.indirect.gather [hbm4b:s3+s10], $0x80, s31, s10, $0xb8;
	[tilespmem:$0x8C00] =	vst v63  }
0x179: {  	_ =	swait.ge [sflag:s8], $0x4000  }
0x17a: {  	[sflag:s8] =	ssyncset.done $0x0  }
0x17b: {  	s31 =	rddreg [dreg:$0x5];
	[sflag:s8] =	ssyncadd.s32 $0xFFFFC000  }
0x17c: {  	[hbm4b:s31+s2] =	stream.linear.scatter [tilespmem:s6], [sflag:$0x3], $0x4000, $0x38;
	[tilespmem:$0x8C00] =	vst v63  }
0x17d: {  	_ =	swait.ge [sflag:s4], $0x4000  }
0x17e: {  	[sflag:s4] =	ssyncset.done $0x0  }
0x17f: {  	[sflag:s4] =	ssyncadd.s32 $0xFFFFC000  }
0x180: {  	[tilespmem:s6], [sflag:$0x2] =	stream.indirect.gather [hbm4b:s3+s10], $0x80, s30, s10, $0xb8;
	[tilespmem:$0x8C00] =	vst v63  }
0x181: {  	_ =	swait.ge [sflag:s11], $0x4000  }
0x182: {  	[sflag:s11] =	ssyncset.done $0x0  }
0x183: {  	s1 =	rddreg [dreg:$0x6];
	[sflag:s11] =	ssyncadd.s32 $0xFFFFC000  }
0x184: {  	[hbm4b:s1+s2] =	stream.linear.scatter [tilespmem:s9], [sflag:$0x3], $0x4000, $0x38;
	[tilespmem:$0x8C00] =	vst v63  }
0x185: {  	_ =	swait.ge [sflag:s4], $0x4000  }
0x186: {  	[sflag:s4] =	ssyncset.done $0x0  }
0x187: {  	[sflag:s4] =	ssyncadd.s32 $0xFFFFC000  }
0x188: {  	[tilespmem:s9], [sflag:$0x1] =	stream.indirect.gather [hbm4b:s3+s10], $0x80, s29, s10, $0xb8;
	[tilespmem:$0x8C00] =	vst v63  }
0x189: {  	_ =	swait.ge [sflag:s8], $0x4000  }
0x18a: {  	[sflag:s8] =	ssyncset.done $0x0  }
0x18b: {  	s24 =	rddreg [dreg:$0x7];
	[sflag:s8] =	ssyncadd.s32 $0xFFFFC000  }
0x18c: {  	[hbm4b:s24+s2] =	stream.linear.scatter [tilespmem:s6], [sflag:$0x3], $0x4000, $0x38;
	[tilespmem:$0x8C00] =	vst v63  }
0x18d: {  	_ =	swait.ge [sflag:s4], $0x4000  }
0x18e: {  	[sflag:s4] =	ssyncset.done $0x0  }
0x18f: {  	[sflag:s4] =	ssyncadd.s32 $0xFFFFC000  }
0x190: {  	[tilespmem:s6], [sflag:$0x2] =	stream.indirect.gather [hbm4b:s3+s10], $0x80, s28, s10, $0xb8;
	[tilespmem:$0x8C00] =	vst v63  }
0x191: {  	_ =	swait.ge [sflag:s11], $0x4000  }
0x192: {  	[sflag:s11] =	ssyncset.done $0x0  }
0x193: {  	s28 =	rddreg [dreg:$0x8];
	[sflag:s11] =	ssyncadd.s32 $0xFFFFC000  }
0x194: {  	[hbm4b:s28+s2] =	stream.linear.scatter [tilespmem:s9], [sflag:$0x3], $0x4000, $0x38;
	[tilespmem:$0x8C00] =	vst v63  }
0x195: {  	_ =	swait.ge [sflag:s4], $0x4000  }
0x196: {  	[sflag:s4] =	ssyncset.done $0x0  }
0x197: {  	[sflag:s4] =	ssyncadd.s32 $0xFFFFC000  }
0x198: {  	[tilespmem:s9], [sflag:$0x1] =	stream.indirect.gather [hbm4b:s3+s10], $0x80, s26, s10, $0xb8;
	[tilespmem:$0x8C00] =	vst v63  }
0x199: {  	_ =	swait.ge [sflag:s8], $0x4000  }
0x19a: {  	[sflag:s8] =	ssyncset.done $0x0  }
0x19b: {  	s29 =	rddreg [dreg:$0x9];
	[sflag:s8] =	ssyncadd.s32 $0xFFFFC000  }
0x19c: {  	[hbm4b:s29+s2] =	stream.linear.scatter [tilespmem:s6], [sflag:$0x3], $0x4000, $0x38;
	[tilespmem:$0x8C00] =	vst v63  }
0x19d: {  	_ =	swait.ge [sflag:s4], $0x4000  }
0x19e: {  	[sflag:s4] =	ssyncset.done $0x0  }
0x19f: {  	[sflag:s4] =	ssyncadd.s32 $0xFFFFC000  }
0x1a0: {  	[tilespmem:s6], [sflag:$0x2] =	stream.indirect.gather [hbm4b:s3+s10], $0x80, s25, s10, $0xb8;
	[tilespmem:$0x8C00] =	vst v63  }
0x1a1: {  	_ =	swait.ge [sflag:s11], $0x4000  }
0x1a2: {  	[sflag:s11] =	ssyncset.done $0x0  }
0x1a3: {  	s30 =	rddreg [dreg:$0xa];
	[sflag:s11] =	ssyncadd.s32 $0xFFFFC000  }
0x1a4: {  	[hbm4b:s30+s2] =	stream.linear.scatter [tilespmem:s9], [sflag:$0x3], $0x4000, $0x38;
	[tilespmem:$0x8C00] =	vst v63  }
0x1a5: {  	_ =	swait.ge [sflag:s4], $0x4000  }
0x1a6: {  	[sflag:s4] =	ssyncset.done $0x0  }
0x1a7: {  	[sflag:s4] =	ssyncadd.s32 $0xFFFFC000  }
0x1a8: {  	[tilespmem:s9], [sflag:$0x1] =	stream.indirect.gather [hbm4b:s3+s10], $0x80, s23, s10, $0xb8;
	[tilespmem:$0x8C00] =	vst v63  }
0x1a9: {  	_ =	swait.ge [sflag:s8], $0x4000  }
0x1aa: {  	[sflag:s8] =	ssyncset.done $0x0  }
0x1ab: {  	s31 =	rddreg [dreg:$0xb];
	[sflag:s8] =	ssyncadd.s32 $0xFFFFC000  }
0x1ac: {  	[hbm4b:s31+s2] =	stream.linear.scatter [tilespmem:s6], [sflag:$0x3], $0x4000, $0x38;
	[tilespmem:$0x8C00] =	vst v63  }
0x1ad: {  	_ =	swait.ge [sflag:s4], $0x4000  }
0x1ae: {  	[sflag:s4] =	ssyncset.done $0x0  }
0x1af: {  	[sflag:s4] =	ssyncadd.s32 $0xFFFFC000  }
0x1b0: {  	[tilespmem:s6], [sflag:$0x2] =	stream.indirect.gather [hbm4b:s3+s10], $0x80, s22, s10, $0xb8;
	[tilespmem:$0x8C00] =	vst v63  }
0x1b1: {  	_ =	swait.ge [sflag:s11], $0x4000  }
0x1b2: {  	[sflag:s11] =	ssyncset.done $0x0  }
0x1b3: {  	s1 =	rddreg [dreg:$0xc];
	[sflag:s11] =	ssyncadd.s32 $0xFFFFC000  }
0x1b4: {  	[hbm4b:s1+s2] =	stream.linear.scatter [tilespmem:s9], [sflag:$0x3], $0x4000, $0x38;
	[tilespmem:$0x8C00] =	vst v63  }
0x1b5: {  	_ =	swait.ge [sflag:s4], $0x4000  }
0x1b6: {  	[sflag:s4] =	ssyncset.done $0x0  }
0x1b7: {  	[sflag:s4] =	ssyncadd.s32 $0xFFFFC000  }
0x1b8: {  	[tilespmem:s9], [sflag:$0x1] =	stream.indirect.gather [hbm4b:s3+s10], $0x80, s21, s10, $0xb8;
	[tilespmem:$0x8C00] =	vst v63  }
0x1b9: {  	_ =	swait.ge [sflag:s8], $0x4000  }
0x1ba: {  	[sflag:s8] =	ssyncset.done $0x0  }
0x1bb: {  	s21 =	rddreg [dreg:$0xd];
	[sflag:s8] =	ssyncadd.s32 $0xFFFFC000  }
0x1bc: {  	[hbm4b:s21+s2] =	stream.linear.scatter [tilespmem:s6], [sflag:$0x3], $0x4000, $0x38;
	[tilespmem:$0x8C00] =	vst v63  }
0x1bd: {  	_ =	swait.ge [sflag:s4], $0x4000  }
0x1be: {  	[sflag:s4] =	ssyncset.done $0x0  }
0x1bf: {  	[sflag:s4] =	ssyncadd.s32 $0xFFFFC000  }
0x1c0: {  	[tilespmem:s6], [sflag:$0x2] =	stream.indirect.gather [hbm4b:s3+s10], $0x80, s20, s10, $0xb8;
	[tilespmem:$0x8C00] =	vst v63  }
0x1c1: {  	_ =	swait.ge [sflag:s11], $0x4000  }
0x1c2: {  	[sflag:s11] =	ssyncset.done $0x0  }
0x1c3: {  	s22 =	rddreg [dreg:$0xe];
	[sflag:s11] =	ssyncadd.s32 $0xFFFFC000  }
0x1c4: {  	[hbm4b:s22+s2] =	stream.linear.scatter [tilespmem:s9], [sflag:$0x3], $0x4000, $0x38;
	[tilespmem:$0x8C00] =	vst v63  }
0x1c5: {  	_ =	swait.ge [sflag:s4], $0x4000  }
0x1c6: {  	[sflag:s4] =	ssyncset.done $0x0  }
0x1c7: {  	[sflag:s4] =	ssyncadd.s32 $0xFFFFC000  }
0x1c8: {  	[tilespmem:s9], [sflag:$0x1] =	stream.indirect.gather [hbm4b:s3+s10], $0x80, s19, s10, $0xb8;
	[tilespmem:$0x8C00] =	vst v63  }
0x1c9: {  	_ =	swait.ge [sflag:s8], $0x4000  }
0x1ca: {  	[sflag:s8] =	ssyncset.done $0x0  }
0x1cb: {  	s23 =	rddreg [dreg:$0xf];
	[sflag:s8] =	ssyncadd.s32 $0xFFFFC000  }
0x1cc: {  	[hbm4b:s23+s2] =	stream.linear.scatter [tilespmem:s6], [sflag:$0x3], $0x4000, $0x38;
	[tilespmem:$0x8C00] =	vst v63  }
0x1cd: {  	_ =	swait.ge [sflag:s4], $0x4000  }
0x1ce: {  	[sflag:s4] =	ssyncset.done $0x0  }
0x1cf: {  	[sflag:s4] =	ssyncadd.s32 $0xFFFFC000  }
0x1d0: {  	[tilespmem:s6], [sflag:$0x2] =	stream.indirect.gather [hbm4b:s3+s10], $0x80, s18, s10, $0xb8;
	[tilespmem:$0x8C00] =	vst v63  }
0x1d1: {  	_ =	swait.ge [sflag:s11], $0x4000  }
0x1d2: {  	[sflag:s11] =	ssyncset.done $0x0  }
0x1d3: {  	s24 =	rddreg [dreg:$0x10];
	[sflag:s11] =	ssyncadd.s32 $0xFFFFC000  }
0x1d4: {  	[hbm4b:s24+s2] =	stream.linear.scatter [tilespmem:s9], [sflag:$0x3], $0x4000, $0x38;
	[tilespmem:$0x8C00] =	vst v63  }
0x1d5: {  	_ =	swait.ge [sflag:s4], $0x4000  }
0x1d6: {  	[sflag:s4] =	ssyncset.done $0x0  }
0x1d7: {  	[sflag:s4] =	ssyncadd.s32 $0xFFFFC000  }
0x1d8: {  	[tilespmem:s9], [sflag:$0x1] =	stream.indirect.gather [hbm4b:s3+s10], $0x80, s17, s10, $0xb8;
	[tilespmem:$0x8C00] =	vst v63  }
0x1d9: {  	_ =	swait.ge [sflag:s8], $0x4000  }
0x1da: {  	[sflag:s8] =	ssyncset.done $0x0  }
0x1db: {  	s25 =	rddreg [dreg:$0x11];
	[sflag:s8] =	ssyncadd.s32 $0xFFFFC000  }
0x1dc: {  	[hbm4b:s25+s2] =	stream.linear.scatter [tilespmem:s6], [sflag:$0x3], $0x4000, $0x38;
	[tilespmem:$0x8C00] =	vst v63  }
0x1dd: {  	_ =	swait.ge [sflag:s4], $0x4000  }
0x1de: {  	[sflag:s4] =	ssyncset.done $0x0  }
0x1df: {  	[sflag:s4] =	ssyncadd.s32 $0xFFFFC000  }
0x1e0: {  	[tilespmem:s6], [sflag:$0x2] =	stream.indirect.gather [hbm4b:s3+s10], $0x80, s16, s10, $0xb8;
	[tilespmem:$0x8C00] =	vst v63  }
0x1e1: {  	_ =	swait.ge [sflag:s11], $0x4000  }
0x1e2: {  	[sflag:s11] =	ssyncset.done $0x0  }
0x1e3: {  	s26 =	rddreg [dreg:$0x12];
	[sflag:s11] =	ssyncadd.s32 $0xFFFFC000  }
0x1e4: {  	[hbm4b:s26+s2] =	stream.linear.scatter [tilespmem:s9], [sflag:$0x3], $0x4000, $0x38;
	[tilespmem:$0x8C00] =	vst v63  }
0x1e5: {  	_ =	swait.ge [sflag:s4], $0x4000  }
0x1e6: {  	[sflag:s4] =	ssyncset.done $0x0  }
0x1e7: {  	[sflag:s4] =	ssyncadd.s32 $0xFFFFC000  }
0x1e8: {  	[tilespmem:s9], [sflag:$0x1] =	stream.indirect.gather [hbm4b:s3+s10], $0x80, s15, s10, $0xb8;
	[tilespmem:$0x8C00] =	vst v63  }
0x1e9: {  	_ =	swait.ge [sflag:s8], $0x4000  }
0x1ea: {  	[sflag:s8] =	ssyncset.done $0x0  }
0x1eb: {  	s28 =	rddreg [dreg:$0x13];
	[sflag:s8] =	ssyncadd.s32 $0xFFFFC000  }
0x1ec: {  	[hbm4b:s28+s2] =	stream.linear.scatter [tilespmem:s6], [sflag:$0x3], $0x4000, $0x38;
	[tilespmem:$0x8C00] =	vst v63  }
0x1ed: {  	_ =	swait.ge [sflag:s4], $0x4000  }
0x1ee: {  	[sflag:s4] =	ssyncset.done $0x0  }
0x1ef: {  	[sflag:s4] =	ssyncadd.s32 $0xFFFFC000  }
0x1f0: {  	[tilespmem:s6], [sflag:$0x2] =	stream.indirect.gather [hbm4b:s3+s10], $0x80, s14, s10, $0xb8;
	[tilespmem:$0x8C00] =	vst v63  }
0x1f1: {  	_ =	swait.ge [sflag:s11], $0x4000  }
0x1f2: {  	[sflag:s11] =	ssyncset.done $0x0  }
0x1f3: {  	s29 =	rddreg [dreg:$0x14];
	[sflag:s11] =	ssyncadd.s32 $0xFFFFC000  }
0x1f4: {  	[hbm4b:s29+s2] =	stream.linear.scatter [tilespmem:s9], [sflag:$0x3], $0x4000, $0x38;
	[tilespmem:$0x8C00] =	vst v63  }
0x1f5: {  	_ =	swait.ge [sflag:s4], $0x4000  }
0x1f6: {  	[sflag:s4] =	ssyncset.done $0x0  }
0x1f7: {  	[sflag:s4] =	ssyncadd.s32 $0xFFFFC000  }
0x1f8: {  	[tilespmem:s9], [sflag:$0x1] =	stream.indirect.gather [hbm4b:s3+s10], $0x80, s13, s10, $0xb8;
	[tilespmem:$0x8C00] =	vst v63  }
0x1f9: {  	_ =	swait.ge [sflag:s8], $0x4000  }
0x1fa: {  	[sflag:s8] =	ssyncset.done $0x0  }
0x1fb: {  	s30 =	rddreg [dreg:$0x15];
	[sflag:s8] =	ssyncadd.s32 $0xFFFFC000  }
0x1fc: {  	[hbm4b:s30+s2] =	stream.linear.scatter [tilespmem:s6], [sflag:$0x3], $0x4000, $0x38;
	[tilespmem:$0x8C00] =	vst v63  }
0x1fd: {  	_ =	swait.ge [sflag:s4], $0x4000  }
0x1fe: {  	[sflag:s4] =	ssyncset.done $0x0  }
0x1ff: {  	[sflag:s4] =	ssyncadd.s32 $0xFFFFC000  }
0x200: {  	[tilespmem:s6], [sflag:$0x2] =	stream.indirect.gather [hbm4b:s3+s10], $0x80, s12, s10, $0xb8;
	[tilespmem:$0x8C00] =	vst v63  }
0x201: {  	_ =	swait.ge [sflag:s11], $0x4000  }
0x202: {  	[sflag:s11] =	ssyncset.done $0x0  }
0x203: {  	[sflag:s11] =	ssyncadd.s32 $0xFFFFC000  }
0x204: {  	[hbm4b:s7+s2] =	stream.linear.scatter [tilespmem:s9], [sflag:$0x3], $0x4000, $0x38;
	[tilespmem:$0x8C00] =	vst v63  }
0x205: {  	_ =	swait.ge [sflag:s4], $0x4000  }
0x206: {  	[sflag:s4] =	ssyncset.done $0x0  }
0x207: {  	[sflag:s4] =	ssyncadd.s32 $0xFFFFC000  }
0x208: {  	_ =	swait.ge [sflag:s8], $0x4000  }
0x209: {  	[sflag:s8] =	ssyncset.done $0x0  }
0x20a: {  	[sflag:s8] =	ssyncadd.s32 $0xFFFFC000  }
0x20b: {  	[hbm4b:s5+s2] =	stream.linear.scatter [tilespmem:s6], [sflag:$0x3], $0x4000, $0x38;
	[tilespmem:$0x8C00] =	vst v63  }
0x20c: {  	_ =	swait.ge [sflag:s4], $0x4000  }
0x20d: {  	[sflag:s4] =	ssyncset.done $0x0  }
0x20e: {  	[sflag:s4] =	ssyncadd.s32 $0xFFFFC000  }
0x20f: {  	_ =	sfence.sel $0x180000  }
0x210: {  	[bflag:$0x0] =	sbarrier.arrive $0xFFFF  }
0x211: {  	_ =	strace $0x90000047  }
0x212: {  	s31 =	stileid.u32;
	[bflag:$0x2] =	sbarrier.arrive $0xFFFF  }
0x213: {  	p0 =	sne.s32 s31, $0x0;
	s0 =	rddreg [dreg:$0x3]  }
0x214: {  	s0 =	sadd.s32 @!p0 $0x100000, s0  }
0x215: {  	[sflag:s0] =	ssyncadd.tile.s32 @!p0 $0x1;
	_ =	shalt  }
.Lfunc_end2:
_tile_overlayer_lowered:
.L_overlay_start_2:
0x216: {  	(tag) =	ssettag $0x2  }
0x217: {  	s0 =	rddreg [dreg:$0x0];
	s2 =	stileid.u32  }
0x218: {  	s1 =	rddreg [dreg:$0x1];
	p0 =	sne.s32 s2, $0x0  }
0x219: {  	s3 =	rddreg [dreg:$0x2];
	[bflag:$0x3] =	sbarrier.arrive $0xFFFF;
	s2 =	simm.s32 @!p0 $0x1C03  }
0x21a: {  	[timem:s3], [sflag:s2] =	dma.local @!p0 [hbm:s0], s1  }
0x21b: {  	s0 =	simm.s32 @!p0 $0x3  }
0x21c: {  	_ =	swait.ge @!p0 [sflag:s0], s1  }
0x21d: {  	s1 =	ssub.s32 @!p0 $0x0, s1;
	[sflag:s0] =	ssyncset.done @!p0 $0x0  }
0x21e: {  	[sflag:s0] =	ssyncadd.s32 @!p0 s1  }
0x21f: {  	[bflag:$0x3] =	sbarrier.arrive $0xFFFF  }
0x220: {  	_ =	shalt  }

</sc_bundles>
